<compile_context>
chip_gen: v7x
topology: tpu7x:2x2x1
jax: 0.10.2.dev20260603
libtpu: 0.0.44.dev20260713+nightly
codegen_flags: <defaults>
</compile_context>

<pallas_src>
import functools

import jax
import jax.numpy as jnp
from jax import lax
from jax.experimental import pallas as pl
from jax.experimental.pallas import tpu as pltpu
from jax.experimental.pallas import tpu_sc as plsc

_NC = 2
_NS = 16
_LANES = 128


@functools.partial(jax.jit, static_argnames=("n", "acc_rows", "ch0", "ch1"))
def _sc_edge_agg(h, src2d, dst2d, *, n, acc_rows, ch0, ch1):
    hid = h.shape[1]
    acc_rows_per_tile = acc_rows // _NS
    mesh = plsc.VectorSubcoreMesh(
        core_axis_name="c", subcore_axis_name="s",
        num_cores=_NC, num_subcores=_NS)

    seg = 16
    assert ch0 % seg == 0 and ch1 % seg == 0

    @functools.partial(
        pl.kernel,
        out_type=jax.ShapeDtypeStruct((_NC * acc_rows, hid), jnp.float32),
        mesh=mesh,
        scratch_types=[
            pltpu.VMEM((seg, _LANES), jnp.int32),
            pltpu.VMEM((seg, _LANES), jnp.int32),
            pltpu.VMEM((seg, _LANES), jnp.int32),
            pltpu.VMEM((seg, _LANES), jnp.int32),
            pltpu.VMEM((_LANES, hid), jnp.float32),
            pltpu.VMEM((_LANES, hid), jnp.float32),
            pltpu.VMEM_SHARED((acc_rows, hid), jnp.float32),
            pltpu.SemaphoreType.DMA,
            pltpu.SemaphoreType.DMA,
            pltpu.SemaphoreType.DMA,
        ],
    )
    def agg(h_hbm, src_hbm, dst_hbm, out_hbm,
            src0, src1, dst0, dst1, buf0, buf1, acc_sh, g0, g1, isem):
        srcb = (src0, src1)
        dstb = (dst0, dst1)
        bufs = (buf0, buf1)
        gsems = (g0, g1)
        c = lax.axis_index("c")
        s = lax.axis_index("s")

        zv = jnp.zeros((16,), jnp.float32)

        def zrow(r, carry):
            for k in range(hid // 16):
                buf0[r, pl.ds(k * 16, 16)] = zv
            return carry

        lax.fori_loop(0, _LANES, zrow, 0)
        zbase = s * acc_rows_per_tile
        for k in range(acc_rows_per_tile // _LANES):
            pltpu.sync_copy(buf0,
                            acc_sh.at[pl.ds(zbase + k * _LANES, _LANES)])
        rem = acc_rows_per_tile % _LANES
        if rem:
            full = acc_rows_per_tile - rem
            pltpu.sync_copy(buf0.at[pl.ds(0, rem)],
                            acc_sh.at[pl.ds(zbase + full, rem)])
        plsc.subcore_barrier()

        def step(src_v, dst_v, j, b, pf_src, pf_j):
            pltpu.make_async_copy(h_hbm.at[src_v.at[j]], bufs[b],
                                  gsems[b]).wait()
            pltpu.sync_copy(bufs[b], acc_sh.at[dst_v.at[j]], add=True)
            if pf_src is not None:
                pltpu.async_copy(h_hbm.at[pf_src.at[pf_j]], bufs[b],
                                 gsems[b])

        def run(nseg, ebase):
            pltpu.sync_copy(src_hbm.at[pl.ds(ebase, seg)], src0)
            pltpu.sync_copy(dst_hbm.at[pl.ds(ebase, seg)], dst0)
            pltpu.async_copy(h_hbm.at[src0.at[0]], bufs[0], gsems[0])
            pltpu.async_copy(h_hbm.at[src0.at[1]], bufs[1], gsems[1])
            for sg in range(nseg):
                p = sg % 2
                src_v, dst_v = srcb[p], dstb[p]
                if sg + 1 < nseg:
                    off = ebase + (sg + 1) * seg
                    pltpu.async_copy(src_hbm.at[pl.ds(off, seg)],
                                     srcb[1 - p], isem)
                    pltpu.async_copy(dst_hbm.at[pl.ds(off, seg)],
                                     dstb[1 - p], isem)

                def body(i, carry):
                    step(src_v, dst_v, 2 * i, 0, src_v, 2 * i + 2)
                    step(src_v, dst_v, 2 * i + 1, 1, src_v, 2 * i + 3)
                    return carry

                lax.fori_loop(0, seg // 2 - 1, body, 0)
                if sg + 1 < nseg:
                    pltpu.make_async_copy(
                        src_hbm.at[pl.ds(ebase, seg)], srcb[1 - p],
                        isem).wait()
                    pltpu.make_async_copy(
                        dst_hbm.at[pl.ds(ebase, seg)], dstb[1 - p],
                        isem).wait()
                    step(src_v, dst_v, seg - 2, 0, srcb[1 - p], 0)
                    step(src_v, dst_v, seg - 1, 1, srcb[1 - p], 1)
                else:
                    step(src_v, dst_v, seg - 2, 0, None, 0)
                    step(src_v, dst_v, seg - 1, 1, None, 0)

        pl.when(c == 0)(lambda: run(ch0 // seg, s * ch0))
        pl.when(c == 1)(lambda: run(ch1 // seg, _NS * ch0 + s * ch1))
        plsc.subcore_barrier()

        base = c * acc_rows + s * acc_rows_per_tile
        pltpu.sync_copy(acc_sh.at[pl.ds(s * acc_rows_per_tile, acc_rows_per_tile)],
                        out_hbm.at[pl.ds(base, acc_rows_per_tile)])

    return agg(h, src2d, dst2d)


def _emb_body(h_ref, w_ref, b_ref, o_ref):
    o_ref[...] = jnp.dot(h_ref[...], w_ref[...],
                         preferred_element_type=jnp.float32) + b_ref[...]


def _tc_emb(h, w, b):
    return pl.pallas_call(
        _emb_body,
        out_shape=jax.ShapeDtypeStruct((h.shape[0], w.shape[1]), jnp.float32),
    )(h, w, b.reshape(1, -1))


def _bn(x, gb_ref):
    g = gb_ref[0:1, :]
    b = gb_ref[1:2, :]
    m = jnp.mean(x, axis=0, keepdims=True)
    d = x - m
    v = jnp.mean(d * d, axis=0, keepdims=True)
    return g * (d * lax.rsqrt(v + 1e-5)) + b


def _layer_body(h_ref, p_ref, eps_ref, w1_ref, b1_ref,
                w2_ref, b2_ref, bn1_ref, bn2_ref, bn3_ref, o_ref):
    h = h_ref[...]
    n_rows = h_ref.shape[0]
    acc_rows = p_ref.shape[0] // 2
    p0 = p_ref[pl.ds(0, n_rows), :]
    p1 = p_ref[pl.ds(acc_rows, n_rows), :]
    hh = eps_ref[...] * h + (p0 + p1)
    y = jnp.dot(hh, w1_ref[...], preferred_element_type=jnp.float32) + b1_ref[...]
    y = jnp.maximum(_bn(y, bn1_ref), 0.0)
    y = jnp.dot(y, w2_ref[...], preferred_element_type=jnp.float32) + b2_ref[...]
    y = jnp.maximum(_bn(y, bn2_ref), 0.0)
    y = jnp.maximum(_bn(y, bn3_ref), 0.0)
    o_ref[...] = h + y


def _tc_layer(h, pfull, lp):
    (w1, b1), (w2, b2) = lp['mlp']
    epsp = (1.0 + lp['eps']).reshape(1, 1)
    bn1 = jnp.stack(lp['mlp_bn'])
    bn2 = jnp.stack(lp['apply_bn'])
    bn3 = jnp.stack(lp['layer_bn'])
    return pl.pallas_call(
        _layer_body,
        out_shape=jax.ShapeDtypeStruct(h.shape, jnp.float32),
    )(h, pfull, epsp, w1, b1.reshape(1, -1), w2, b2.reshape(1, -1),
      bn1, bn2, bn3)


def _readout_body(ids_ref, h0_ref, h1_ref, h2_ref, h3_ref, h4_ref,
                  wp_ref, bp_ref, wa_ref, ba_ref, wc_ref, bc_ref,
                  wo_ref, bo_ref, xc_ref, xo_ref, xco_ref):
    g_count = xc_ref.shape[0]
    n = ids_ref.shape[1]
    gi = lax.broadcasted_iota(jnp.int32, (g_count, n), 0)
    p_t = (gi == ids_ref[...]).astype(jnp.float32)

    score = jnp.zeros_like(xo_ref)
    hs = (h0_ref, h1_ref, h2_ref, h3_ref, h4_ref)
    pooled4 = None
    for i in range(5):
        pooled = jnp.dot(p_t, hs[i][...], preferred_element_type=jnp.float32)
        if i == 4:
            pooled4 = pooled
        score = score + jnp.dot(pooled, wp_ref[i],
                                preferred_element_type=jnp.float32) + bp_ref[i]

    hlast = h4_ref[...]
    d = jnp.dot(hlast, wa_ref[...],
                preferred_element_type=jnp.float32) + ba_ref[...]
    att0 = 1.0 / (1.0 + jnp.exp(-d))
    hc = jnp.dot(p_t, att0 * hlast, preferred_element_type=jnp.float32)
    ho = pooled4 - hc

    xc_ref[...] = jnp.dot(hc, wc_ref[...],
                          preferred_element_type=jnp.float32) + bc_ref[...]
    xo = jnp.dot(ho, wo_ref[...],
                 preferred_element_type=jnp.float32) + bo_ref[...] + score
    xo_ref[...] = xo
    hcr = jnp.concatenate([hc[g_count - 1:g_count], hc[:g_count - 1]], axis=0)
    xco_ref[...] = jnp.dot(ho + hcr, wo_ref[...],
                           preferred_element_type=jnp.float32) \
        + bo_ref[...] + score


def _tc_readout(ids_row, hidden, params, g_count, ncls):
    wp = jnp.stack([w for (w, _) in params['pred']])
    bp = jnp.stack([b for (_, b) in params['pred']])[:, None, :]
    wa, ba = params['att']
    wa_d = (wa[:, 0] - wa[:, 1]).reshape(-1, 1)
    ba_d = (ba[0] - ba[1]).reshape(1, 1)
    wc, bc = params['lc']
    wo, bo = params['lo']
    out_sh = jax.ShapeDtypeStruct((g_count, ncls), jnp.float32)
    return pl.pallas_call(
        _readout_body,
        out_shape=(out_sh, out_sh, out_sh),
    )(ids_row, *hidden, wp, bp, wa_d, ba_d, wc, bc.reshape(1, -1),
      wo, bo.reshape(1, -1))


def kernel(h, e, params, edge_index, node_graph_ids):
    n, _ = h.shape
    n_edges = edge_index.shape[1]
    g_count = 128
    ncls = params['lc'][0].shape[1]

    per_op = _NC * _NS * _LANES
    ch = -(-n_edges // (per_op * 8)) * 8
    e_pad = ch * per_op
    ch1 = ch
    ch0 = 2 * ch - ch1
    src = edge_index[0].astype(jnp.int32)
    dst = edge_index[1].astype(jnp.int32)
    pad = e_pad - n_edges
    acc_rows = -(-(n + 1) // (_NS * 8)) * (_NS * 8)
    pad_src = jnp.arange(pad, dtype=jnp.int32) % jnp.int32(n)
    pad_dst = n + jnp.arange(pad, dtype=jnp.int32) % jnp.int32(acc_rows - n)
    src2d = jnp.concatenate([src, pad_src]).reshape(-1, _LANES)
    dst2d = jnp.concatenate([dst, pad_dst]).reshape(-1, _LANES)

    w_emb, b_emb = params['emb']
    hcur = _tc_emb(h, w_emb, b_emb)
    hidden = [hcur]
    for lp in params['gin']:
        partials = _sc_edge_agg(hcur, src2d, dst2d,
                                n=n, acc_rows=acc_rows, ch0=ch0, ch1=ch1)
        hcur = _tc_layer(hcur, partials, lp)
        hidden.append(hcur)

    ids_row = node_graph_ids.astype(jnp.int32).reshape(1, n)
    return _tc_readout(ids_row, hidden, params, g_count, ncls)

# --- scband reference (transcript-rebuilt; emitter-appended) ---
"""Pipeline reference for scband-causal-gin-complex-44667659878944 (READ-ONLY COPY).

The authoritative reference and input builder live on the scoring server;
editing this copy changes nothing except your own understanding.
"""

import jax, jax.numpy as jnp
import numpy as np

N = 10000
E = 320000
IN_DIM = 128
HID = 128
NCLS = 10
L = 4
NMLP = 2
G = 128
D_EDGE = 16


def _lin(key, din, dout):
    w = jax.random.normal(key, (din, dout), jnp.float32) / np.sqrt(din)
    b = jnp.zeros((dout,), jnp.float32)
    return (w, b)


def setup_inputs(seed: int = 0) -> dict:
    key = jax.random.key(seed)
    ks = jax.random.split(key, 64)
    h = jax.random.normal(ks[0], (N, IN_DIM), jnp.float32)
    edge_index = jax.random.randint(ks[1], (2, E), 0, N, dtype=jnp.int64) if jax.config.read('jax_enable_x64') else jax.random.randint(ks[1], (2, E), 0, N).astype(jnp.int32)
    e = jax.random.normal(ks[2], (E, D_EDGE), jnp.float32)
    node_graph_ids = jnp.sort(jax.random.randint(ks[3], (N,), 0, G))
    i = 4
    params = {}
    params['emb'] = _lin(ks[i], IN_DIM, HID); i += 1
    gin = []
    for l in range(L):
        mlp = []
        for m in range(NMLP):
            mlp.append(_lin(ks[i], HID, HID)); i += 1
        layer = {
            'mlp': mlp,
            'mlp_bn': (jnp.ones((HID,), jnp.float32), jnp.zeros((HID,), jnp.float32)),
            'apply_bn': (jnp.ones((HID,), jnp.float32), jnp.zeros((HID,), jnp.float32)),
            'layer_bn': (jnp.ones((HID,), jnp.float32), jnp.zeros((HID,), jnp.float32)),
            'eps': jnp.zeros((), jnp.float32),
        }
        gin.append(layer)
    params['gin'] = gin
    pred = []
    for l in range(L + 1):
        pred.append(_lin(ks[i], HID, NCLS)); i += 1
    params['pred'] = pred
    params['att'] = _lin(ks[i], HID, 2); i += 1
    params['lc'] = _lin(ks[i], HID, NCLS); i += 1
    params['lo'] = _lin(ks[i], HID, NCLS); i += 1
    return {'h': h, 'e': e, 'params': params, 'edge_index': edge_index, 'node_graph_ids': node_graph_ids}


def _bn(x, gamma, beta):
    m = x.mean(0)
    v = x.var(0)
    return gamma * (x - m) / jnp.sqrt(v + 1e-5) + beta


def _forward(h, e, params, edge_index, node_graph_ids):
    src, dst = edge_index[0], edge_index[1]
    W, b = params['emb']
    h = h @ W + b
    hidden = [h]
    for lp in params['gin']:
        h_in = h
        # sum neighbor aggregation (scatter-add over dst)
        agg = jnp.zeros_like(h).at[dst].add(h[src])
        hh = (1.0 + lp['eps']) * h + agg
        (w1, b1), (w2, b2) = lp['mlp']
        g1, be1 = lp['mlp_bn']
        hh = jax.nn.relu(_bn(hh @ w1 + b1, g1, be1))
        hh = hh @ w2 + b2
        g2, be2 = lp['apply_bn']
        hh = jax.nn.relu(_bn(hh, g2, be2))
        g3, be3 = lp['layer_bn']
        hh = jax.nn.relu(_bn(hh, g3, be3))
        hh = h_in + hh  # residual; dropout p=0.0 -> identity
        h = hh
        hidden.append(h)
    score = jnp.zeros((G, NCLS), jnp.float32)
    for hrep, (wp, bp) in zip(hidden, params['pred']):
        pooled = jax.ops.segment_sum(hrep, node_graph_ids, num_segments=G)
        score = score + pooled @ wp + bp
    hlast = hidden[-1]
    wa, ba = params['att']
    att = jax.nn.softmax(hlast @ wa + ba, axis=-1)
    hc = jax.ops.segment_sum(att[:, 0:1] * hlast, node_graph_ids, num_segments=G)
    ho = jax.ops.segment_sum(att[:, 1:2] * hlast, node_graph_ids, num_segments=G)
    wc, bc = params['lc']
    wo, bo = params['lo']
    xc = hc @ wc + bc
    xo = ho @ wo + bo + score
    # eval_random=True: random pairing of context reps across graphs (deterministic roll)
    xco = (ho + jnp.roll(hc, 1, axis=0)) @ wo + bo + score
    return (xc, xo, xco)


def reference(h, e, params, edge_index, node_graph_ids):
    return _forward(h, e, params, edge_index, node_graph_ids)

if __name__ == "__main__":
    import jax
    _d = setup_inputs()
    print(jax.jit(kernel)(*tuple(_d.values())))

</pallas_src>

<mosaic_0001>
#map = affine_map<(d0, d1) -> (0, 0)>
module attributes {stable_mosaic.version = 14 : i64} {
  func.func @agg(%arg0: i32, %arg1: i32, %arg2: memref<10000x128xf32, #tpu.memory_space<hbm>>, %arg3: memref<2560x128xi32, #tpu.memory_space<hbm>>, %arg4: memref<2560x128xi32, #tpu.memory_space<hbm>>, %arg5: memref<20224x128xf32, #tpu.memory_space<hbm>>, %arg6: memref<16x128xi32, #tpu.memory_space<vmem>>, %arg7: memref<16x128xi32, #tpu.memory_space<vmem>>, %arg8: memref<16x128xi32, #tpu.memory_space<vmem>>, %arg9: memref<16x128xi32, #tpu.memory_space<vmem>>, %arg10: memref<128x128xf32, #tpu.memory_space<vmem>>, %arg11: memref<128x128xf32, #tpu.memory_space<vmem>>, %arg12: memref<10112x128xf32, #tpu.memory_space<vmem_shared>>, %arg13: memref<!tpu.dma_semaphore, #tpu.memory_space<semaphore_mem>>, %arg14: memref<!tpu.dma_semaphore, #tpu.memory_space<semaphore_mem>>, %arg15: memref<!tpu.dma_semaphore, #tpu.memory_space<semaphore_mem>>) attributes {dimension_semantics = [#tpu.dimension_semantics<core_parallel>, #tpu.dimension_semantics<subcore_parallel>], iteration_bounds = array<i64: 2, 16>, scalar_prefetch = 0 : i64, scratch_operands = 10 : i64, tpu.core_type = #tpu.core_type<sc_vector_subcore>, window_params = [{transform_indices = #map}, {transform_indices = #map}, {transform_indices = #map}, {transform_indices = #map}]} {
    %broadcast_in_dim3A = arith.constant 0.000000e+00 : f32
    %broadcast_in_dim3A_0 = vector.broadcast %broadcast_in_dim3A : f32 to vector<16xf32>
    %scan3A = arith.constant 0 : i32
    %scan3A_1 = arith.constant 0 : i32
    %scan3A_2 = arith.constant 128 : i32
    %scan3A_3 = arith.addi %scan3A_1, %scan3A_2 : i32
    %scan3A_4 = arith.constant 1 : i32
    scf.for %scan3A_31 = %scan3A_1 to %scan3A_3 step %scan3A_4  : i32 {
      %swap3A = arith.index_cast %scan3A_31 : i32 to index
      %swap3A_32 = arith.constant 0 : index
      %swap3A_33 = tpu.vector_load %arg10[%swap3A, %swap3A_32] {strides = array<i32>} : memref<128x128xf32, #tpu.memory_space<vmem>>, vector<1x16xf32>,
      %swap3A_34 = vector.shape_cast %swap3A_33 : vector<1x16xf32> to vector<16xf32>
      %swap3A_35 = vector.shape_cast %broadcast_in_dim3A_0 : vector<16xf32> to vector<1x16xf32>
      tpu.vector_store %arg10[%swap3A, %swap3A_32], %swap3A_35 {strides = array<i32>} : memref<128x128xf32, #tpu.memory_space<vmem>>, vector<1x16xf32>,
      %swap3A_36 = arith.index_cast %scan3A_31 : i32 to index
      %swap3A_37 = arith.constant 16 : index
      %swap3A_38 = tpu.vector_load %arg10[%swap3A_36, %swap3A_37] {strides = array<i32>} : memref<128x128xf32, #tpu.memory_space<vmem>>, vector<1x16xf32>,
      %swap3A_39 = vector.shape_cast %swap3A_38 : vector<1x16xf32> to vector<16xf32>
      %swap3A_40 = vector.shape_cast %broadcast_in_dim3A_0 : vector<16xf32> to vector<1x16xf32>
      tpu.vector_store %arg10[%swap3A_36, %swap3A_37], %swap3A_40 {strides = array<i32>} : memref<128x128xf32, #tpu.memory_space<vmem>>, vector<1x16xf32>,
      %swap3A_41 = arith.index_cast %scan3A_31 : i32 to index
      %swap3A_42 = arith.constant 32 : index
      %swap3A_43 = tpu.vector_load %arg10[%swap3A_41, %swap3A_42] {strides = array<i32>} : memref<128x128xf32, #tpu.memory_space<vmem>>, vector<1x16xf32>,
      %swap3A_44 = vector.shape_cast %swap3A_43 : vector<1x16xf32> to vector<16xf32>
      %swap3A_45 = vector.shape_cast %broadcast_in_dim3A_0 : vector<16xf32> to vector<1x16xf32>
      tpu.vector_store %arg10[%swap3A_41, %swap3A_42], %swap3A_45 {strides = array<i32>} : memref<128x128xf32, #tpu.memory_space<vmem>>, vector<1x16xf32>,
      %swap3A_46 = arith.index_cast %scan3A_31 : i32 to index
      %swap3A_47 = arith.constant 48 : index
      %swap3A_48 = tpu.vector_load %arg10[%swap3A_46, %swap3A_47] {strides = array<i32>} : memref<128x128xf32, #tpu.memory_space<vmem>>, vector<1x16xf32>,
      %swap3A_49 = vector.shape_cast %swap3A_48 : vector<1x16xf32> to vector<16xf32>
      %swap3A_50 = vector.shape_cast %broadcast_in_dim3A_0 : vector<16xf32> to vector<1x16xf32>
      tpu.vector_store %arg10[%swap3A_46, %swap3A_47], %swap3A_50 {strides = array<i32>} : memref<128x128xf32, #tpu.memory_space<vmem>>, vector<1x16xf32>,
      %swap3A_51 = arith.index_cast %scan3A_31 : i32 to index
      %swap3A_52 = arith.constant 64 : index
      %swap3A_53 = tpu.vector_load %arg10[%swap3A_51, %swap3A_52] {strides = array<i32>} : memref<128x128xf32, #tpu.memory_space<vmem>>, vector<1x16xf32>,
      %swap3A_54 = vector.shape_cast %swap3A_53 : vector<1x16xf32> to vector<16xf32>
      %swap3A_55 = vector.shape_cast %broadcast_in_dim3A_0 : vector<16xf32> to vector<1x16xf32>
      tpu.vector_store %arg10[%swap3A_51, %swap3A_52], %swap3A_55 {strides = array<i32>} : memref<128x128xf32, #tpu.memory_space<vmem>>, vector<1x16xf32>,
      %swap3A_56 = arith.index_cast %scan3A_31 : i32 to index
      %swap3A_57 = arith.constant 80 : index
      %swap3A_58 = tpu.vector_load %arg10[%swap3A_56, %swap3A_57] {strides = array<i32>} : memref<128x128xf32, #tpu.memory_space<vmem>>, vector<1x16xf32>,
      %swap3A_59 = vector.shape_cast %swap3A_58 : vector<1x16xf32> to vector<16xf32>
      %swap3A_60 = vector.shape_cast %broadcast_in_dim3A_0 : vector<16xf32> to vector<1x16xf32>
      tpu.vector_store %arg10[%swap3A_56, %swap3A_57], %swap3A_60 {strides = array<i32>} : memref<128x128xf32, #tpu.memory_space<vmem>>, vector<1x16xf32>,
      %swap3A_61 = arith.index_cast %scan3A_31 : i32 to index
      %swap3A_62 = arith.constant 96 : index
      %swap3A_63 = tpu.vector_load %arg10[%swap3A_61, %swap3A_62] {strides = array<i32>} : memref<128x128xf32, #tpu.memory_space<vmem>>, vector<1x16xf32>,
      %swap3A_64 = vector.shape_cast %swap3A_63 : vector<1x16xf32> to vector<16xf32>
      %swap3A_65 = vector.shape_cast %broadcast_in_dim3A_0 : vector<16xf32> to vector<1x16xf32>
      tpu.vector_store %arg10[%swap3A_61, %swap3A_62], %swap3A_65 {strides = array<i32>} : memref<128x128xf32, #tpu.memory_space<vmem>>, vector<1x16xf32>,
      %swap3A_66 = arith.index_cast %scan3A_31 : i32 to index
      %swap3A_67 = arith.constant 112 : index
      %swap3A_68 = tpu.vector_load %arg10[%swap3A_66, %swap3A_67] {strides = array<i32>} : memref<128x128xf32, #tpu.memory_space<vmem>>, vector<1x16xf32>,
      %swap3A_69 = vector.shape_cast %swap3A_68 : vector<1x16xf32> to vector<16xf32>
      %swap3A_70 = vector.shape_cast %broadcast_in_dim3A_0 : vector<16xf32> to vector<1x16xf32>
      tpu.vector_store %arg10[%swap3A_66, %swap3A_67], %swap3A_70 {strides = array<i32>} : memref<128x128xf32, #tpu.memory_space<vmem>>, vector<1x16xf32>,
    }
    %scan3A_5 = arith.constant 128 : i32
    %mul3A = arith.constant 632 : i32
    %mul3A_6 = arith.muli %arg1, %mul3A : i32
    %add3A = arith.constant 0 : i32
    %add3A_7 = arith.addi %mul3A_6, %add3A : i32
    "tpu.region"() ({
      %run_scoped3A = tpu.sem_alloc : memref<!tpu.dma_semaphore, #tpu.memory_space<semaphore_mem>>
      %dma_start3A = arith.constant 0 : i32
      %dma_start3A_31 = tpu.memref_slice %arg12[%add3A_7, %dma_start3A] : memref<10112x128xf32, #tpu.memory_space<vmem_shared>> -> memref<128x128xf32, #tpu.memory_space<vmem_shared>>
      %dma_start3A_32 = arith.constant 0 : i32
      %dma_start3A_33 = tpu.memref_slice %arg12[%add3A_7, %dma_start3A_32] : memref<10112x128xf32, #tpu.memory_space<vmem_shared>> -> memref<128x128xf32, #tpu.memory_space<vmem_shared>>
      tpu.enqueue_dma source(%arg10 : memref<128x128xf32, #tpu.memory_space<vmem>>) target(%dma_start3A_33 : memref<128x128xf32, #tpu.memory_space<vmem_shared>>) target_semaphore(%run_scoped3A : memref<!tpu.dma_semaphore, #tpu.memory_space<semaphore_mem>>)
      %dma_wait3A = arith.constant 0 : i32
      %dma_wait3A_34 = tpu.memref_slice %arg12[%add3A_7, %dma_wait3A] : memref<10112x128xf32, #tpu.memory_space<vmem_shared>> -> memref<128x128xf32, #tpu.memory_space<vmem_shared>>
      %dma_wait3A_35 = arith.constant 0 : i32
      %dma_wait3A_36 = tpu.memref_slice %arg12[%add3A_7, %dma_wait3A_35] : memref<10112x128xf32, #tpu.memory_space<vmem_shared>> -> memref<128x128xf32, #tpu.memory_space<vmem_shared>>
      tpu.wait_dma2 semaphore(%run_scoped3A : memref<!tpu.dma_semaphore, #tpu.memory_space<semaphore_mem>>) src(%arg10 : memref<128x128xf32, #tpu.memory_space<vmem>>) dst(%dma_wait3A_36 : memref<128x128xf32, #tpu.memory_space<vmem_shared>>)
      tpu.yield
    }) : () -> ()
    %add3A_8 = arith.constant 128 : i32
    %add3A_9 = arith.addi %mul3A_6, %add3A_8 : i32
    "tpu.region"() ({
      %run_scoped3A = tpu.sem_alloc : memref<!tpu.dma_semaphore, #tpu.memory_space<semaphore_mem>>
      %dma_start3A = arith.constant 0 : i32
      %dma_start3A_31 = tpu.memref_slice %arg12[%add3A_9, %dma_start3A] : memref<10112x128xf32, #tpu.memory_space<vmem_shared>> -> memref<128x128xf32, #tpu.memory_space<vmem_shared>>
      %dma_start3A_32 = arith.constant 0 : i32
      %dma_start3A_33 = tpu.memref_slice %arg12[%add3A_9, %dma_start3A_32] : memref<10112x128xf32, #tpu.memory_space<vmem_shared>> -> memref<128x128xf32, #tpu.memory_space<vmem_shared>>
      tpu.enqueue_dma source(%arg10 : memref<128x128xf32, #tpu.memory_space<vmem>>) target(%dma_start3A_33 : memref<128x128xf32, #tpu.memory_space<vmem_shared>>) target_semaphore(%run_scoped3A : memref<!tpu.dma_semaphore, #tpu.memory_space<semaphore_mem>>)
      %dma_wait3A = arith.constant 0 : i32
      %dma_wait3A_34 = tpu.memref_slice %arg12[%add3A_9, %dma_wait3A] : memref<10112x128xf32, #tpu.memory_space<vmem_shared>> -> memref<128x128xf32, #tpu.memory_space<vmem_shared>>
      %dma_wait3A_35 = arith.constant 0 : i32
      %dma_wait3A_36 = tpu.memref_slice %arg12[%add3A_9, %dma_wait3A_35] : memref<10112x128xf32, #tpu.memory_space<vmem_shared>> -> memref<128x128xf32, #tpu.memory_space<vmem_shared>>
      tpu.wait_dma2 semaphore(%run_scoped3A : memref<!tpu.dma_semaphore, #tpu.memory_space<semaphore_mem>>) src(%arg10 : memref<128x128xf32, #tpu.memory_space<vmem>>) dst(%dma_wait3A_36 : memref<128x128xf32, #tpu.memory_space<vmem_shared>>)
      tpu.yield
    }) : () -> ()
    %add3A_10 = arith.constant 256 : i32
    %add3A_11 = arith.addi %mul3A_6, %add3A_10 : i32
    "tpu.region"() ({
      %run_scoped3A = tpu.sem_alloc : memref<!tpu.dma_semaphore, #tpu.memory_space<semaphore_mem>>
      %dma_start3A = arith.constant 0 : i32
      %dma_start3A_31 = tpu.memref_slice %arg12[%add3A_11, %dma_start3A] : memref<10112x128xf32, #tpu.memory_space<vmem_shared>> -> memref<128x128xf32, #tpu.memory_space<vmem_shared>>
      %dma_start3A_32 = arith.constant 0 : i32
      %dma_start3A_33 = tpu.memref_slice %arg12[%add3A_11, %dma_start3A_32] : memref<10112x128xf32, #tpu.memory_space<vmem_shared>> -> memref<128x128xf32, #tpu.memory_space<vmem_shared>>
      tpu.enqueue_dma source(%arg10 : memref<128x128xf32, #tpu.memory_space<vmem>>) target(%dma_start3A_33 : memref<128x128xf32, #tpu.memory_space<vmem_shared>>) target_semaphore(%run_scoped3A : memref<!tpu.dma_semaphore, #tpu.memory_space<semaphore_mem>>)
      %dma_wait3A = arith.constant 0 : i32
      %dma_wait3A_34 = tpu.memref_slice %arg12[%add3A_11, %dma_wait3A] : memref<10112x128xf32, #tpu.memory_space<vmem_shared>> -> memref<128x128xf32, #tpu.memory_space<vmem_shared>>
      %dma_wait3A_35 = arith.constant 0 : i32
      %dma_wait3A_36 = tpu.memref_slice %arg12[%add3A_11, %dma_wait3A_35] : memref<10112x128xf32, #tpu.memory_space<vmem_shared>> -> memref<128x128xf32, #tpu.memory_space<vmem_shared>>
      tpu.wait_dma2 semaphore(%run_scoped3A : memref<!tpu.dma_semaphore, #tpu.memory_space<semaphore_mem>>) src(%arg10 : memref<128x128xf32, #tpu.memory_space<vmem>>) dst(%dma_wait3A_36 : memref<128x128xf32, #tpu.memory_space<vmem_shared>>)
      tpu.yield
    }) : () -> ()
    %add3A_12 = arith.constant 384 : i32
    %add3A_13 = arith.addi %mul3A_6, %add3A_12 : i32
    "tpu.region"() ({
      %run_scoped3A = tpu.sem_alloc : memref<!tpu.dma_semaphore, #tpu.memory_space<semaphore_mem>>
      %dma_start3A = arith.constant 0 : i32
      %dma_start3A_31 = tpu.memref_slice %arg12[%add3A_13, %dma_start3A] : memref<10112x128xf32, #tpu.memory_space<vmem_shared>> -> memref<128x128xf32, #tpu.memory_space<vmem_shared>>
      %dma_start3A_32 = arith.constant 0 : i32
      %dma_start3A_33 = tpu.memref_slice %arg12[%add3A_13, %dma_start3A_32] : memref<10112x128xf32, #tpu.memory_space<vmem_shared>> -> memref<128x128xf32, #tpu.memory_space<vmem_shared>>
      tpu.enqueue_dma source(%arg10 : memref<128x128xf32, #tpu.memory_space<vmem>>) target(%dma_start3A_33 : memref<128x128xf32, #tpu.memory_space<vmem_shared>>) target_semaphore(%run_scoped3A : memref<!tpu.dma_semaphore, #tpu.memory_space<semaphore_mem>>)
      %dma_wait3A = arith.constant 0 : i32
      %dma_wait3A_34 = tpu.memref_slice %arg12[%add3A_13, %dma_wait3A] : memref<10112x128xf32, #tpu.memory_space<vmem_shared>> -> memref<128x128xf32, #tpu.memory_space<vmem_shared>>
      %dma_wait3A_35 = arith.constant 0 : i32
      %dma_wait3A_36 = tpu.memref_slice %arg12[%add3A_13, %dma_wait3A_35] : memref<10112x128xf32, #tpu.memory_space<vmem_shared>> -> memref<128x128xf32, #tpu.memory_space<vmem_shared>>
      tpu.wait_dma2 semaphore(%run_scoped3A : memref<!tpu.dma_semaphore, #tpu.memory_space<semaphore_mem>>) src(%arg10 : memref<128x128xf32, #tpu.memory_space<vmem>>) dst(%dma_wait3A_36 : memref<128x128xf32, #tpu.memory_space<vmem_shared>>)
      tpu.yield
    }) : () -> ()
    %add3A_14 = arith.constant 512 : i32
    %add3A_15 = arith.addi %mul3A_6, %add3A_14 : i32
    "tpu.region"() ({
      %run_scoped3A = tpu.sem_alloc : memref<!tpu.dma_semaphore, #tpu.memory_space<semaphore_mem>>
      %dma_start3A = arith.constant 0 : i32
      %dma_start3A_31 = arith.constant 0 : i32
      %dma_start3A_32 = tpu.memref_slice %arg10[%dma_start3A, %dma_start3A_31] : memref<128x128xf32, #tpu.memory_space<vmem>> -> memref<120x128xf32, #tpu.memory_space<vmem>>
      %dma_start3A_33 = arith.constant 0 : i32
      %dma_start3A_34 = tpu.memref_slice %arg12[%add3A_15, %dma_start3A_33] : memref<10112x128xf32, #tpu.memory_space<vmem_shared>> -> memref<120x128xf32, #tpu.memory_space<vmem_shared>>
      %dma_start3A_35 = arith.constant 0 : i32
      %dma_start3A_36 = tpu.memref_slice %arg12[%add3A_15, %dma_start3A_35] : memref<10112x128xf32, #tpu.memory_space<vmem_shared>> -> memref<120x128xf32, #tpu.memory_space<vmem_shared>>
      %dma_start3A_37 = arith.constant 0 : i32
      %dma_start3A_38 = arith.constant 0 : i32
      %dma_start3A_39 = tpu.memref_slice %arg10[%dma_start3A_37, %dma_start3A_38] : memref<128x128xf32, #tpu.memory_space<vmem>> -> memref<120x128xf32, #tpu.memory_space<vmem>>
      tpu.enqueue_dma source(%dma_start3A_39 : memref<120x128xf32, #tpu.memory_space<vmem>>) target(%dma_start3A_36 : memref<120x128xf32, #tpu.memory_space<vmem_shared>>) target_semaphore(%run_scoped3A : memref<!tpu.dma_semaphore, #tpu.memory_space<semaphore_mem>>)
      %dma_wait3A = arith.constant 0 : i32
      %dma_wait3A_40 = arith.constant 0 : i32
      %dma_wait3A_41 = tpu.memref_slice %arg10[%dma_wait3A, %dma_wait3A_40] : memref<128x128xf32, #tpu.memory_space<vmem>> -> memref<120x128xf32, #tpu.memory_space<vmem>>
      %dma_wait3A_42 = arith.constant 0 : i32
      %dma_wait3A_43 = tpu.memref_slice %arg12[%add3A_15, %dma_wait3A_42] : memref<10112x128xf32, #tpu.memory_space<vmem_shared>> -> memref<120x128xf32, #tpu.memory_space<vmem_shared>>
      %dma_wait3A_44 = arith.constant 0 : i32
      %dma_wait3A_45 = tpu.memref_slice %arg12[%add3A_15, %dma_wait3A_44] : memref<10112x128xf32, #tpu.memory_space<vmem_shared>> -> memref<120x128xf32, #tpu.memory_space<vmem_shared>>
      %dma_wait3A_46 = arith.constant 0 : i32
      %dma_wait3A_47 = arith.constant 0 : i32
      %dma_wait3A_48 = tpu.memref_slice %arg10[%dma_wait3A_46, %dma_wait3A_47] : memref<128x128xf32, #tpu.memory_space<vmem>> -> memref<120x128xf32, #tpu.memory_space<vmem>>
      tpu.wait_dma2 semaphore(%run_scoped3A : memref<!tpu.dma_semaphore, #tpu.memory_space<semaphore_mem>>) src(%dma_wait3A_48 : memref<120x128xf32, #tpu.memory_space<vmem>>) dst(%dma_wait3A_45 : memref<120x128xf32, #tpu.memory_space<vmem_shared>>)
      tpu.yield
    }) : () -> ()
    %barrier3A = arith.constant 0 : index
    tpu.barrier barrier_id(%barrier3A)
    %eq3A = arith.constant 0 : i32
    %eq3A_16 = arith.cmpi eq, %arg0, %eq3A : i32
    %convert_element_type3A = arith.extui %eq3A_16 : i1 to i32
    %cond3A = arith.constant 0 : i32
    %cond3A_17 = arith.cmpi ne, %convert_element_type3A, %cond3A : i32
    scf.if %cond3A_17 {
      %mul3A_31 = arith.constant 80 : i32
      %mul3A_32 = arith.muli %arg1, %mul3A_31 : i32
      "tpu.region"() ({
        %run_scoped3A_282 = tpu.sem_alloc : memref<!tpu.dma_semaphore, #tpu.memory_space<semaphore_mem>>
        %dma_start3A_283 = arith.constant 0 : i32
        %dma_start3A_284 = tpu.memref_slice %arg3[%mul3A_32, %dma_start3A_283] : memref<2560x128xi32, #tpu.memory_space<hbm>> -> memref<16x128xi32, #tpu.memory_space<hbm>>
        %dma_start3A_285 = arith.constant 0 : i32
        %dma_start3A_286 = tpu.memref_slice %arg3[%mul3A_32, %dma_start3A_285] : memref<2560x128xi32, #tpu.memory_space<hbm>> -> memref<16x128xi32, #tpu.memory_space<hbm>>
        tpu.enqueue_dma source(%dma_start3A_286 : memref<16x128xi32, #tpu.memory_space<hbm>>) target(%arg6 : memref<16x128xi32, #tpu.memory_space<vmem>>) target_semaphore(%run_scoped3A_282 : memref<!tpu.dma_semaphore, #tpu.memory_space<semaphore_mem>>)
        %dma_wait3A_287 = arith.constant 0 : i32
        %dma_wait3A_288 = tpu.memref_slice %arg3[%mul3A_32, %dma_wait3A_287] : memref<2560x128xi32, #tpu.memory_space<hbm>> -> memref<16x128xi32, #tpu.memory_space<hbm>>
        %dma_wait3A_289 = arith.constant 0 : i32
        %dma_wait3A_290 = tpu.memref_slice %arg3[%mul3A_32, %dma_wait3A_289] : memref<2560x128xi32, #tpu.memory_space<hbm>> -> memref<16x128xi32, #tpu.memory_space<hbm>>
        tpu.wait_dma2 semaphore(%run_scoped3A_282 : memref<!tpu.dma_semaphore, #tpu.memory_space<semaphore_mem>>) src(%dma_wait3A_290 : memref<16x128xi32, #tpu.memory_space<hbm>>) dst(%arg6 : memref<16x128xi32, #tpu.memory_space<vmem>>)
        tpu.yield
      }) : () -> ()
      "tpu.region"() ({
        %run_scoped3A_282 = tpu.sem_alloc : memref<!tpu.dma_semaphore, #tpu.memory_space<semaphore_mem>>
        %dma_start3A_283 = arith.constant 0 : i32
        %dma_start3A_284 = tpu.memref_slice %arg4[%mul3A_32, %dma_start3A_283] : memref<2560x128xi32, #tpu.memory_space<hbm>> -> memref<16x128xi32, #tpu.memory_space<hbm>>
        %dma_start3A_285 = arith.constant 0 : i32
        %dma_start3A_286 = tpu.memref_slice %arg4[%mul3A_32, %dma_start3A_285] : memref<2560x128xi32, #tpu.memory_space<hbm>> -> memref<16x128xi32, #tpu.memory_space<hbm>>
        tpu.enqueue_dma source(%dma_start3A_286 : memref<16x128xi32, #tpu.memory_space<hbm>>) target(%arg8 : memref<16x128xi32, #tpu.memory_space<vmem>>) target_semaphore(%run_scoped3A_282 : memref<!tpu.dma_semaphore, #tpu.memory_space<semaphore_mem>>)
        %dma_wait3A_287 = arith.constant 0 : i32
        %dma_wait3A_288 = tpu.memref_slice %arg4[%mul3A_32, %dma_wait3A_287] : memref<2560x128xi32, #tpu.memory_space<hbm>> -> memref<16x128xi32, #tpu.memory_space<hbm>>
        %dma_wait3A_289 = arith.constant 0 : i32
        %dma_wait3A_290 = tpu.memref_slice %arg4[%mul3A_32, %dma_wait3A_289] : memref<2560x128xi32, #tpu.memory_space<hbm>> -> memref<16x128xi32, #tpu.memory_space<hbm>>
        tpu.wait_dma2 semaphore(%run_scoped3A_282 : memref<!tpu.dma_semaphore, #tpu.memory_space<semaphore_mem>>) src(%dma_wait3A_290 : memref<16x128xi32, #tpu.memory_space<hbm>>) dst(%arg8 : memref<16x128xi32, #tpu.memory_space<vmem>>)
        tpu.yield
      }) : () -> ()
      %dma_start3A = arith.constant 0 : i32
      %dma_start3A_33 = arith.constant 0 : i32
      %dma_start3A_34 = tpu.memref_slice %arg6[%dma_start3A, %dma_start3A_33] : memref<16x128xi32, #tpu.memory_space<vmem>> -> memref<1x128xi32, #tpu.memory_space<vmem>>
      %dma_start3A_35 = tpu.memref_squeeze %dma_start3A_34 : memref<1x128xi32, #tpu.memory_space<vmem>> -> memref<128xi32, #tpu.memory_space<vmem>>
      %dma_start3A_36 = arith.constant 0 : i32
      %dma_start3A_37 = arith.constant 0 : i32
      %dma_start3A_38 = tpu.memref_slice %arg2[%dma_start3A_36, %dma_start3A_37] : memref<10000x128xf32, #tpu.memory_space<hbm>> -> memref<10000x128xf32, #tpu.memory_space<hbm>>
      tpu.enqueue_indirect_dma source(%dma_start3A_38 : memref<10000x128xf32, #tpu.memory_space<hbm>>) target(%arg10 : memref<128x128xf32, #tpu.memory_space<vmem>>) offsets(%dma_start3A_35 : memref<128xi32, #tpu.memory_space<vmem>>) semaphore(%arg13 : memref<!tpu.dma_semaphore, #tpu.memory_space<semaphore_mem>>)
      %dma_start3A_39 = arith.constant 1 : i32
      %dma_start3A_40 = arith.constant 0 : i32
      %dma_start3A_41 = tpu.memref_slice %arg6[%dma_start3A_39, %dma_start3A_40] : memref<16x128xi32, #tpu.memory_space<vmem>> -> memref<1x128xi32, #tpu.memory_space<vmem>>
      %dma_start3A_42 = tpu.memref_squeeze %dma_start3A_41 : memref<1x128xi32, #tpu.memory_space<vmem>> -> memref<128xi32, #tpu.memory_space<vmem>>
      %dma_start3A_43 = arith.constant 0 : i32
      %dma_start3A_44 = arith.constant 0 : i32
      %dma_start3A_45 = tpu.memref_slice %arg2[%dma_start3A_43, %dma_start3A_44] : memref<10000x128xf32, #tpu.memory_space<hbm>> -> memref<10000x128xf32, #tpu.memory_space<hbm>>
      tpu.enqueue_indirect_dma source(%dma_start3A_45 : memref<10000x128xf32, #tpu.memory_space<hbm>>) target(%arg11 : memref<128x128xf32, #tpu.memory_space<vmem>>) offsets(%dma_start3A_42 : memref<128xi32, #tpu.memory_space<vmem>>) semaphore(%arg14 : memref<!tpu.dma_semaphore, #tpu.memory_space<semaphore_mem>>)
      %add3A_46 = arith.constant 16 : i32
      %add3A_47 = arith.addi %mul3A_32, %add3A_46 : i32
      %dma_start3A_48 = arith.constant 0 : i32
      %dma_start3A_49 = tpu.memref_slice %arg3[%add3A_47, %dma_start3A_48] : memref<2560x128xi32, #tpu.memory_space<hbm>> -> memref<16x128xi32, #tpu.memory_space<hbm>>
      %dma_start3A_50 = arith.constant 0 : i32
      %dma_start3A_51 = tpu.memref_slice %arg3[%add3A_47, %dma_start3A_50] : memref<2560x128xi32, #tpu.memory_space<hbm>> -> memref<16x128xi32, #tpu.memory_space<hbm>>
      tpu.enqueue_dma source(%dma_start3A_51 : memref<16x128xi32, #tpu.memory_space<hbm>>) target(%arg7 : memref<16x128xi32, #tpu.memory_space<vmem>>) target_semaphore(%arg15 : memref<!tpu.dma_semaphore, #tpu.memory_space<semaphore_mem>>)
      %dma_start3A_52 = arith.constant 0 : i32
      %dma_start3A_53 = tpu.memref_slice %arg4[%add3A_47, %dma_start3A_52] : memref<2560x128xi32, #tpu.memory_space<hbm>> -> memref<16x128xi32, #tpu.memory_space<hbm>>
      %dma_start3A_54 = arith.constant 0 : i32
      %dma_start3A_55 = tpu.memref_slice %arg4[%add3A_47, %dma_start3A_54] : memref<2560x128xi32, #tpu.memory_space<hbm>> -> memref<16x128xi32, #tpu.memory_space<hbm>>
      tpu.enqueue_dma source(%dma_start3A_55 : memref<16x128xi32, #tpu.memory_space<hbm>>) target(%arg9 : memref<16x128xi32, #tpu.memory_space<vmem>>) target_semaphore(%arg15 : memref<!tpu.dma_semaphore, #tpu.memory_space<semaphore_mem>>)
      %scan3A_56 = arith.constant 0 : i32
      %scan3A_57 = arith.constant 0 : i32
      %scan3A_58 = arith.constant 7 : i32
      %scan3A_59 = arith.addi %scan3A_57, %scan3A_58 : i32
      %scan3A_60 = arith.constant 1 : i32
      scf.for %scan3A_282 = %scan3A_57 to %scan3A_59 step %scan3A_60  : i32 {
        %mul3A_283 = arith.constant 2 : i32
        %mul3A_284 = arith.muli %mul3A_283, %scan3A_282 : i32
        %mul3A_285 = arith.constant 2 : i32
        %mul3A_286 = arith.muli %mul3A_285, %scan3A_282 : i32
        %add3A_287 = arith.constant 2 : i32
        %add3A_288 = arith.addi %mul3A_286, %add3A_287 : i32
        %dma_wait3A_289 = arith.constant 0 : i32
        %dma_wait3A_290 = tpu.memref_slice %arg6[%mul3A_284, %dma_wait3A_289] : memref<16x128xi32, #tpu.memory_space<vmem>> -> memref<1x128xi32, #tpu.memory_space<vmem>>
        %dma_wait3A_291 = tpu.memref_squeeze %dma_wait3A_290 : memref<1x128xi32, #tpu.memory_space<vmem>> -> memref<128xi32, #tpu.memory_space<vmem>>
        %dma_wait3A_292 = arith.constant 0 : i32
        %dma_wait3A_293 = arith.constant 0 : i32
        %dma_wait3A_294 = tpu.memref_slice %arg2[%dma_wait3A_292, %dma_wait3A_293] : memref<10000x128xf32, #tpu.memory_space<hbm>> -> memref<10000x128xf32, #tpu.memory_space<hbm>>
        tpu.wait_indirect_dma semaphore(%arg13 : memref<!tpu.dma_semaphore, #tpu.memory_space<semaphore_mem>>) src(%dma_wait3A_294 : memref<10000x128xf32, #tpu.memory_space<hbm>>) dst(%arg10 : memref<128x128xf32, #tpu.memory_space<vmem>>)
        "tpu.region"() ({
          %run_scoped3A_321 = tpu.sem_alloc : memref<!tpu.dma_semaphore, #tpu.memory_space<semaphore_mem>>
          %dma_start3A_322 = arith.constant 0 : i32
          %dma_start3A_323 = tpu.memref_slice %arg8[%mul3A_284, %dma_start3A_322] : memref<16x128xi32, #tpu.memory_space<vmem>> -> memref<1x128xi32, #tpu.memory_space<vmem>>
          %dma_start3A_324 = tpu.memref_squeeze %dma_start3A_323 : memref<1x128xi32, #tpu.memory_space<vmem>> -> memref<128xi32, #tpu.memory_space<vmem>>
          %dma_start3A_325 = arith.constant 0 : i32
          %dma_start3A_326 = arith.constant 0 : i32
          %dma_start3A_327 = tpu.memref_slice %arg12[%dma_start3A_325, %dma_start3A_326] : memref<10112x128xf32, #tpu.memory_space<vmem_shared>> -> memref<10112x128xf32, #tpu.memory_space<vmem_shared>>
          tpu.enqueue_indirect_dma source(%arg10 : memref<128x128xf32, #tpu.memory_space<vmem>>) target(%dma_start3A_327 : memref<10112x128xf32, #tpu.memory_space<vmem_shared>>) offsets(%dma_start3A_324 : memref<128xi32, #tpu.memory_space<vmem>>) semaphore(%run_scoped3A_321 : memref<!tpu.dma_semaphore, #tpu.memory_space<semaphore_mem>>) {add = true}
          %dma_wait3A_328 = arith.constant 0 : i32
          %dma_wait3A_329 = tpu.memref_slice %arg8[%mul3A_284, %dma_wait3A_328] : memref<16x128xi32, #tpu.memory_space<vmem>> -> memref<1x128xi32, #tpu.memory_space<vmem>>
          %dma_wait3A_330 = tpu.memref_squeeze %dma_wait3A_329 : memref<1x128xi32, #tpu.memory_space<vmem>> -> memref<128xi32, #tpu.memory_space<vmem>>
          %dma_wait3A_331 = arith.constant 0 : i32
          %dma_wait3A_332 = arith.constant 0 : i32
          %dma_wait3A_333 = tpu.memref_slice %arg12[%dma_wait3A_331, %dma_wait3A_332] : memref<10112x128xf32, #tpu.memory_space<vmem_shared>> -> memref<10112x128xf32, #tpu.memory_space<vmem_shared>>
          tpu.wait_indirect_dma semaphore(%run_scoped3A_321 : memref<!tpu.dma_semaphore, #tpu.memory_space<semaphore_mem>>) src(%arg10 : memref<128x128xf32, #tpu.memory_space<vmem>>) dst(%dma_wait3A_333 : memref<10112x128xf32, #tpu.memory_space<vmem_shared>>)
          tpu.yield
        }) : () -> ()
        %dma_start3A_295 = arith.constant 0 : i32
        %dma_start3A_296 = tpu.memref_slice %arg6[%add3A_288, %dma_start3A_295] : memref<16x128xi32, #tpu.memory_space<vmem>> -> memref<1x128xi32, #tpu.memory_space<vmem>>
        %dma_start3A_297 = tpu.memref_squeeze %dma_start3A_296 : memref<1x128xi32, #tpu.memory_space<vmem>> -> memref<128xi32, #tpu.memory_space<vmem>>
        %dma_start3A_298 = arith.constant 0 : i32
        %dma_start3A_299 = arith.constant 0 : i32
        %dma_start3A_300 = tpu.memref_slice %arg2[%dma_start3A_298, %dma_start3A_299] : memref<10000x128xf32, #tpu.memory_space<hbm>> -> memref<10000x128xf32, #tpu.memory_space<hbm>>
        tpu.enqueue_indirect_dma source(%dma_start3A_300 : memref<10000x128xf32, #tpu.memory_space<hbm>>) target(%arg10 : memref<128x128xf32, #tpu.memory_space<vmem>>) offsets(%dma_start3A_297 : memref<128xi32, #tpu.memory_space<vmem>>) semaphore(%arg13 : memref<!tpu.dma_semaphore, #tpu.memory_space<semaphore_mem>>)
        %mul3A_301 = arith.constant 2 : i32
        %mul3A_302 = arith.muli %mul3A_301, %scan3A_282 : i32
        %add3A_303 = arith.constant 1 : i32
        %add3A_304 = arith.addi %mul3A_302, %add3A_303 : i32
        %mul3A_305 = arith.constant 2 : i32
        %mul3A_306 = arith.muli %mul3A_305, %scan3A_282 : i32
        %add3A_307 = arith.constant 3 : i32
        %add3A_308 = arith.addi %mul3A_306, %add3A_307 : i32
        %dma_wait3A_309 = arith.constant 0 : i32
        %dma_wait3A_310 = tpu.memref_slice %arg6[%add3A_304, %dma_wait3A_309] : memref<16x128xi32, #tpu.memory_space<vmem>> -> memref<1x128xi32, #tpu.memory_space<vmem>>
        %dma_wait3A_311 = tpu.memref_squeeze %dma_wait3A_310 : memref<1x128xi32, #tpu.memory_space<vmem>> -> memref<128xi32, #tpu.memory_space<vmem>>
        %dma_wait3A_312 = arith.constant 0 : i32
        %dma_wait3A_313 = arith.constant 0 : i32
        %dma_wait3A_314 = tpu.memref_slice %arg2[%dma_wait3A_312, %dma_wait3A_313] : memref<10000x128xf32, #tpu.memory_space<hbm>> -> memref<10000x128xf32, #tpu.memory_space<hbm>>
        tpu.wait_indirect_dma semaphore(%arg14 : memref<!tpu.dma_semaphore, #tpu.memory_space<semaphore_mem>>) src(%dma_wait3A_314 : memref<10000x128xf32, #tpu.memory_space<hbm>>) dst(%arg11 : memref<128x128xf32, #tpu.memory_space<vmem>>)
        "tpu.region"() ({
          %run_scoped3A_321 = tpu.sem_alloc : memref<!tpu.dma_semaphore, #tpu.memory_space<semaphore_mem>>
          %dma_start3A_322 = arith.constant 0 : i32
          %dma_start3A_323 = tpu.memref_slice %arg8[%add3A_304, %dma_start3A_322] : memref<16x128xi32, #tpu.memory_space<vmem>> -> memref<1x128xi32, #tpu.memory_space<vmem>>
          %dma_start3A_324 = tpu.memref_squeeze %dma_start3A_323 : memref<1x128xi32, #tpu.memory_space<vmem>> -> memref<128xi32, #tpu.memory_space<vmem>>
          %dma_start3A_325 = arith.constant 0 : i32
          %dma_start3A_326 = arith.constant 0 : i32
          %dma_start3A_327 = tpu.memref_slice %arg12[%dma_start3A_325, %dma_start3A_326] : memref<10112x128xf32, #tpu.memory_space<vmem_shared>> -> memref<10112x128xf32, #tpu.memory_space<vmem_shared>>
          tpu.enqueue_indirect_dma source(%arg11 : memref<128x128xf32, #tpu.memory_space<vmem>>) target(%dma_start3A_327 : memref<10112x128xf32, #tpu.memory_space<vmem_shared>>) offsets(%dma_start3A_324 : memref<128xi32, #tpu.memory_space<vmem>>) semaphore(%run_scoped3A_321 : memref<!tpu.dma_semaphore, #tpu.memory_space<semaphore_mem>>) {add = true}
          %dma_wait3A_328 = arith.constant 0 : i32
          %dma_wait3A_329 = tpu.memref_slice %arg8[%add3A_304, %dma_wait3A_328] : memref<16x128xi32, #tpu.memory_space<vmem>> -> memref<1x128xi32, #tpu.memory_space<vmem>>
          %dma_wait3A_330 = tpu.memref_squeeze %dma_wait3A_329 : memref<1x128xi32, #tpu.memory_space<vmem>> -> memref<128xi32, #tpu.memory_space<vmem>>
          %dma_wait3A_331 = arith.constant 0 : i32
          %dma_wait3A_332 = arith.constant 0 : i32
          %dma_wait3A_333 = tpu.memref_slice %arg12[%dma_wait3A_331, %dma_wait3A_332] : memref<10112x128xf32, #tpu.memory_space<vmem_shared>> -> memref<10112x128xf32, #tpu.memory_space<vmem_shared>>
          tpu.wait_indirect_dma semaphore(%run_scoped3A_321 : memref<!tpu.dma_semaphore, #tpu.memory_space<semaphore_mem>>) src(%arg11 : memref<128x128xf32, #tpu.memory_space<vmem>>) dst(%dma_wait3A_333 : memref<10112x128xf32, #tpu.memory_space<vmem_shared>>)
          tpu.yield
        }) : () -> ()
        %dma_start3A_315 = arith.constant 0 : i32
        %dma_start3A_316 = tpu.memref_slice %arg6[%add3A_308, %dma_start3A_315] : memref<16x128xi32, #tpu.memory_space<vmem>> -> memref<1x128xi32, #tpu.memory_space<vmem>>
        %dma_start3A_317 = tpu.memref_squeeze %dma_start3A_316 : memref<1x128xi32, #tpu.memory_space<vmem>> -> memref<128xi32, #tpu.memory_space<vmem>>
        %dma_start3A_318 = arith.constant 0 : i32
        %dma_start3A_319 = arith.constant 0 : i32
        %dma_start3A_320 = tpu.memref_slice %arg2[%dma_start3A_318, %dma_start3A_319] : memref<10000x128xf32, #tpu.memory_space<hbm>> -> memref<10000x128xf32, #tpu.memory_space<hbm>>
        tpu.enqueue_indirect_dma source(%dma_start3A_320 : memref<10000x128xf32, #tpu.memory_space<hbm>>) target(%arg11 : memref<128x128xf32, #tpu.memory_space<vmem>>) offsets(%dma_start3A_317 : memref<128xi32, #tpu.memory_space<vmem>>) semaphore(%arg14 : memref<!tpu.dma_semaphore, #tpu.memory_space<semaphore_mem>>)
      }
      %scan3A_61 = arith.constant 7 : i32
      %dma_wait3A = arith.constant 0 : i32
      %dma_wait3A_62 = tpu.memref_slice %arg3[%mul3A_32, %dma_wait3A] : memref<2560x128xi32, #tpu.memory_space<hbm>> -> memref<16x128xi32, #tpu.memory_space<hbm>>
      %dma_wait3A_63 = arith.constant 0 : i32
      %dma_wait3A_64 = tpu.memref_slice %arg3[%mul3A_32, %dma_wait3A_63] : memref<2560x128xi32, #tpu.memory_space<hbm>> -> memref<16x128xi32, #tpu.memory_space<hbm>>
      tpu.wait_dma2 semaphore(%arg15 : memref<!tpu.dma_semaphore, #tpu.memory_space<semaphore_mem>>) src(%dma_wait3A_64 : memref<16x128xi32, #tpu.memory_space<hbm>>) dst(%arg7 : memref<16x128xi32, #tpu.memory_space<vmem>>)
      %dma_wait3A_65 = arith.constant 0 : i32
      %dma_wait3A_66 = tpu.memref_slice %arg4[%mul3A_32, %dma_wait3A_65] : memref<2560x128xi32, #tpu.memory_space<hbm>> -> memref<16x128xi32, #tpu.memory_space<hbm>>
      %dma_wait3A_67 = arith.constant 0 : i32
      %dma_wait3A_68 = tpu.memref_slice %arg4[%mul3A_32, %dma_wait3A_67] : memref<2560x128xi32, #tpu.memory_space<hbm>> -> memref<16x128xi32, #tpu.memory_space<hbm>>
      tpu.wait_dma2 semaphore(%arg15 : memref<!tpu.dma_semaphore, #tpu.memory_space<semaphore_mem>>) src(%dma_wait3A_68 : memref<16x128xi32, #tpu.memory_space<hbm>>) dst(%arg9 : memref<16x128xi32, #tpu.memory_space<vmem>>)
      %dma_wait3A_69 = arith.constant 14 : i32
      %dma_wait3A_70 = arith.constant 0 : i32
      %dma_wait3A_71 = tpu.memref_slice %arg6[%dma_wait3A_69, %dma_wait3A_70] : memref<16x128xi32, #tpu.memory_space<vmem>> -> memref<1x128xi32, #tpu.memory_space<vmem>>
      %dma_wait3A_72 = tpu.memref_squeeze %dma_wait3A_71 : memref<1x128xi32, #tpu.memory_space<vmem>> -> memref<128xi32, #tpu.memory_space<vmem>>
      %dma_wait3A_73 = arith.constant 0 : i32
      %dma_wait3A_74 = arith.constant 0 : i32
      %dma_wait3A_75 = tpu.memref_slice %arg2[%dma_wait3A_73, %dma_wait3A_74] : memref<10000x128xf32, #tpu.memory_space<hbm>> -> memref<10000x128xf32, #tpu.memory_space<hbm>>
      tpu.wait_indirect_dma semaphore(%arg13 : memref<!tpu.dma_semaphore, #tpu.memory_space<semaphore_mem>>) src(%dma_wait3A_75 : memref<10000x128xf32, #tpu.memory_space<hbm>>) dst(%arg10 : memref<128x128xf32, #tpu.memory_space<vmem>>)
      %run_scoped3A = arith.constant 14 : i32
      "tpu.region"() ({
        %run_scoped3A_282 = tpu.sem_alloc : memref<!tpu.dma_semaphore, #tpu.memory_space<semaphore_mem>>
        %dma_start3A_283 = arith.constant 0 : i32
        %dma_start3A_284 = tpu.memref_slice %arg8[%run_scoped3A, %dma_start3A_283] : memref<16x128xi32, #tpu.memory_space<vmem>> -> memref<1x128xi32, #tpu.memory_space<vmem>>
        %dma_start3A_285 = tpu.memref_squeeze %dma_start3A_284 : memref<1x128xi32, #tpu.memory_space<vmem>> -> memref<128xi32, #tpu.memory_space<vmem>>
        %dma_start3A_286 = arith.constant 0 : i32
        %dma_start3A_287 = arith.constant 0 : i32
        %dma_start3A_288 = tpu.memref_slice %arg12[%dma_start3A_286, %dma_start3A_287] : memref<10112x128xf32, #tpu.memory_space<vmem_shared>> -> memref<10112x128xf32, #tpu.memory_space<vmem_shared>>
        tpu.enqueue_indirect_dma source(%arg10 : memref<128x128xf32, #tpu.memory_space<vmem>>) target(%dma_start3A_288 : memref<10112x128xf32, #tpu.memory_space<vmem_shared>>) offsets(%dma_start3A_285 : memref<128xi32, #tpu.memory_space<vmem>>) semaphore(%run_scoped3A_282 : memref<!tpu.dma_semaphore, #tpu.memory_space<semaphore_mem>>) {add = true}
        %dma_wait3A_289 = arith.constant 0 : i32
        %dma_wait3A_290 = tpu.memref_slice %arg8[%run_scoped3A, %dma_wait3A_289] : memref<16x128xi32, #tpu.memory_space<vmem>> -> memref<1x128xi32, #tpu.memory_space<vmem>>
        %dma_wait3A_291 = tpu.memref_squeeze %dma_wait3A_290 : memref<1x128xi32, #tpu.memory_space<vmem>> -> memref<128xi32, #tpu.memory_space<vmem>>
        %dma_wait3A_292 = arith.constant 0 : i32
        %dma_wait3A_293 = arith.constant 0 : i32
        %dma_wait3A_294 = tpu.memref_slice %arg12[%dma_wait3A_292, %dma_wait3A_293] : memref<10112x128xf32, #tpu.memory_space<vmem_shared>> -> memref<10112x128xf32, #tpu.memory_space<vmem_shared>>
        tpu.wait_indirect_dma semaphore(%run_scoped3A_282 : memref<!tpu.dma_semaphore, #tpu.memory_space<semaphore_mem>>) src(%arg10 : memref<128x128xf32, #tpu.memory_space<vmem>>) dst(%dma_wait3A_294 : memref<10112x128xf32, #tpu.memory_space<vmem_shared>>)
        tpu.yield
      }) : () -> ()
      %dma_start3A_76 = arith.constant 0 : i32
      %dma_start3A_77 = arith.constant 0 : i32
      %dma_start3A_78 = tpu.memref_slice %arg7[%dma_start3A_76, %dma_start3A_77] : memref<16x128xi32, #tpu.memory_space<vmem>> -> memref<1x128xi32, #tpu.memory_space<vmem>>
      %dma_start3A_79 = tpu.memref_squeeze %dma_start3A_78 : memref<1x128xi32, #tpu.memory_space<vmem>> -> memref<128xi32, #tpu.memory_space<vmem>>
      %dma_start3A_80 = arith.constant 0 : i32
      %dma_start3A_81 = arith.constant 0 : i32
      %dma_start3A_82 = tpu.memref_slice %arg2[%dma_start3A_80, %dma_start3A_81] : memref<10000x128xf32, #tpu.memory_space<hbm>> -> memref<10000x128xf32, #tpu.memory_space<hbm>>
      tpu.enqueue_indirect_dma source(%dma_start3A_82 : memref<10000x128xf32, #tpu.memory_space<hbm>>) target(%arg10 : memref<128x128xf32, #tpu.memory_space<vmem>>) offsets(%dma_start3A_79 : memref<128xi32, #tpu.memory_space<vmem>>) semaphore(%arg13 : memref<!tpu.dma_semaphore, #tpu.memory_space<semaphore_mem>>)
      %dma_wait3A_83 = arith.constant 15 : i32
      %dma_wait3A_84 = arith.constant 0 : i32
      %dma_wait3A_85 = tpu.memref_slice %arg6[%dma_wait3A_83, %dma_wait3A_84] : memref<16x128xi32, #tpu.memory_space<vmem>> -> memref<1x128xi32, #tpu.memory_space<vmem>>
      %dma_wait3A_86 = tpu.memref_squeeze %dma_wait3A_85 : memref<1x128xi32, #tpu.memory_space<vmem>> -> memref<128xi32, #tpu.memory_space<vmem>>
      %dma_wait3A_87 = arith.constant 0 : i32
      %dma_wait3A_88 = arith.constant 0 : i32
      %dma_wait3A_89 = tpu.memref_slice %arg2[%dma_wait3A_87, %dma_wait3A_88] : memref<10000x128xf32, #tpu.memory_space<hbm>> -> memref<10000x128xf32, #tpu.memory_space<hbm>>
      tpu.wait_indirect_dma semaphore(%arg14 : memref<!tpu.dma_semaphore, #tpu.memory_space<semaphore_mem>>) src(%dma_wait3A_89 : memref<10000x128xf32, #tpu.memory_space<hbm>>) dst(%arg11 : memref<128x128xf32, #tpu.memory_space<vmem>>)
      %run_scoped3A_90 = arith.constant 15 : i32
      "tpu.region"() ({
        %run_scoped3A_282 = tpu.sem_alloc : memref<!tpu.dma_semaphore, #tpu.memory_space<semaphore_mem>>
        %dma_start3A_283 = arith.constant 0 : i32
        %dma_start3A_284 = tpu.memref_slice %arg8[%run_scoped3A_90, %dma_start3A_283] : memref<16x128xi32, #tpu.memory_space<vmem>> -> memref<1x128xi32, #tpu.memory_space<vmem>>
        %dma_start3A_285 = tpu.memref_squeeze %dma_start3A_284 : memref<1x128xi32, #tpu.memory_space<vmem>> -> memref<128xi32, #tpu.memory_space<vmem>>
        %dma_start3A_286 = arith.constant 0 : i32
        %dma_start3A_287 = arith.constant 0 : i32
        %dma_start3A_288 = tpu.memref_slice %arg12[%dma_start3A_286, %dma_start3A_287] : memref<10112x128xf32, #tpu.memory_space<vmem_shared>> -> memref<10112x128xf32, #tpu.memory_space<vmem_shared>>
        tpu.enqueue_indirect_dma source(%arg11 : memref<128x128xf32, #tpu.memory_space<vmem>>) target(%dma_start3A_288 : memref<10112x128xf32, #tpu.memory_space<vmem_shared>>) offsets(%dma_start3A_285 : memref<128xi32, #tpu.memory_space<vmem>>) semaphore(%run_scoped3A_282 : memref<!tpu.dma_semaphore, #tpu.memory_space<semaphore_mem>>) {add = true}
        %dma_wait3A_289 = arith.constant 0 : i32
        %dma_wait3A_290 = tpu.memref_slice %arg8[%run_scoped3A_90, %dma_wait3A_289] : memref<16x128xi32, #tpu.memory_space<vmem>> -> memref<1x128xi32, #tpu.memory_space<vmem>>
        %dma_wait3A_291 = tpu.memref_squeeze %dma_wait3A_290 : memref<1x128xi32, #tpu.memory_space<vmem>> -> memref<128xi32, #tpu.memory_space<vmem>>
        %dma_wait3A_292 = arith.constant 0 : i32
        %dma_wait3A_293 = arith.constant 0 : i32
        %dma_wait3A_294 = tpu.memref_slice %arg12[%dma_wait3A_292, %dma_wait3A_293] : memref<10112x128xf32, #tpu.memory_space<vmem_shared>> -> memref<10112x128xf32, #tpu.memory_space<vmem_shared>>
        tpu.wait_indirect_dma semaphore(%run_scoped3A_282 : memref<!tpu.dma_semaphore, #tpu.memory_space<semaphore_mem>>) src(%arg11 : memref<128x128xf32, #tpu.memory_space<vmem>>) dst(%dma_wait3A_294 : memref<10112x128xf32, #tpu.memory_space<vmem_shared>>)
        tpu.yield
      }) : () -> ()
      %dma_start3A_91 = arith.constant 1 : i32
      %dma_start3A_92 = arith.constant 0 : i32
      %dma_start3A_93 = tpu.memref_slice %arg7[%dma_start3A_91, %dma_start3A_92] : memref<16x128xi32, #tpu.memory_space<vmem>> -> memref<1x128xi32, #tpu.memory_space<vmem>>
      %dma_start3A_94 = tpu.memref_squeeze %dma_start3A_93 : memref<1x128xi32, #tpu.memory_space<vmem>> -> memref<128xi32, #tpu.memory_space<vmem>>
      %dma_start3A_95 = arith.constant 0 : i32
      %dma_start3A_96 = arith.constant 0 : i32
      %dma_start3A_97 = tpu.memref_slice %arg2[%dma_start3A_95, %dma_start3A_96] : memref<10000x128xf32, #tpu.memory_space<hbm>> -> memref<10000x128xf32, #tpu.memory_space<hbm>>
      tpu.enqueue_indirect_dma source(%dma_start3A_97 : memref<10000x128xf32, #tpu.memory_space<hbm>>) target(%arg11 : memref<128x128xf32, #tpu.memory_space<vmem>>) offsets(%dma_start3A_94 : memref<128xi32, #tpu.memory_space<vmem>>) semaphore(%arg14 : memref<!tpu.dma_semaphore, #tpu.memory_space<semaphore_mem>>)
      %add3A_98 = arith.constant 32 : i32
      %add3A_99 = arith.addi %mul3A_32, %add3A_98 : i32
      %dma_start3A_100 = arith.constant 0 : i32
      %dma_start3A_101 = tpu.memref_slice %arg3[%add3A_99, %dma_start3A_100] : memref<2560x128xi32, #tpu.memory_space<hbm>> -> memref<16x128xi32, #tpu.memory_space<hbm>>
      %dma_start3A_102 = arith.constant 0 : i32
      %dma_start3A_103 = tpu.memref_slice %arg3[%add3A_99, %dma_start3A_102] : memref<2560x128xi32, #tpu.memory_space<hbm>> -> memref<16x128xi32, #tpu.memory_space<hbm>>
      tpu.enqueue_dma source(%dma_start3A_103 : memref<16x128xi32, #tpu.memory_space<hbm>>) target(%arg6 : memref<16x128xi32, #tpu.memory_space<vmem>>) target_semaphore(%arg15 : memref<!tpu.dma_semaphore, #tpu.memory_space<semaphore_mem>>)
      %dma_start3A_104 = arith.constant 0 : i32
      %dma_start3A_105 = tpu.memref_slice %arg4[%add3A_99, %dma_start3A_104] : memref<2560x128xi32, #tpu.memory_space<hbm>> -> memref<16x128xi32, #tpu.memory_space<hbm>>
      %dma_start3A_106 = arith.constant 0 : i32
      %dma_start3A_107 = tpu.memref_slice %arg4[%add3A_99, %dma_start3A_106] : memref<2560x128xi32, #tpu.memory_space<hbm>> -> memref<16x128xi32, #tpu.memory_space<hbm>>
      tpu.enqueue_dma source(%dma_start3A_107 : memref<16x128xi32, #tpu.memory_space<hbm>>) target(%arg8 : memref<16x128xi32, #tpu.memory_space<vmem>>) target_semaphore(%arg15 : memref<!tpu.dma_semaphore, #tpu.memory_space<semaphore_mem>>)
      %scan3A_108 = arith.constant 0 : i32
      %scan3A_109 = arith.constant 0 : i32
      %scan3A_110 = arith.constant 7 : i32
      %scan3A_111 = arith.addi %scan3A_109, %scan3A_110 : i32
      %scan3A_112 = arith.constant 1 : i32
      scf.for %scan3A_282 = %scan3A_109 to %scan3A_111 step %scan3A_112  : i32 {
        %mul3A_283 = arith.constant 2 : i32
        %mul3A_284 = arith.muli %mul3A_283, %scan3A_282 : i32
        %mul3A_285 = arith.constant 2 : i32
        %mul3A_286 = arith.muli %mul3A_285, %scan3A_282 : i32
        %add3A_287 = arith.constant 2 : i32
        %add3A_288 = arith.addi %mul3A_286, %add3A_287 : i32
        %dma_wait3A_289 = arith.constant 0 : i32
        %dma_wait3A_290 = tpu.memref_slice %arg7[%mul3A_284, %dma_wait3A_289] : memref<16x128xi32, #tpu.memory_space<vmem>> -> memref<1x128xi32, #tpu.memory_space<vmem>>
        %dma_wait3A_291 = tpu.memref_squeeze %dma_wait3A_290 : memref<1x128xi32, #tpu.memory_space<vmem>> -> memref<128xi32, #tpu.memory_space<vmem>>
        %dma_wait3A_292 = arith.constant 0 : i32
        %dma_wait3A_293 = arith.constant 0 : i32
        %dma_wait3A_294 = tpu.memref_slice %arg2[%dma_wait3A_292, %dma_wait3A_293] : memref<10000x128xf32, #tpu.memory_space<hbm>> -> memref<10000x128xf32, #tpu.memory_space<hbm>>
        tpu.wait_indirect_dma semaphore(%arg13 : memref<!tpu.dma_semaphore, #tpu.memory_space<semaphore_mem>>) src(%dma_wait3A_294 : memref<10000x128xf32, #tpu.memory_space<hbm>>) dst(%arg10 : memref<128x128xf32, #tpu.memory_space<vmem>>)
        "tpu.region"() ({
          %run_scoped3A_321 = tpu.sem_alloc : memref<!tpu.dma_semaphore, #tpu.memory_space<semaphore_mem>>
          %dma_start3A_322 = arith.constant 0 : i32
          %dma_start3A_323 = tpu.memref_slice %arg9[%mul3A_284, %dma_start3A_322] : memref<16x128xi32, #tpu.memory_space<vmem>> -> memref<1x128xi32, #tpu.memory_space<vmem>>
          %dma_start3A_324 = tpu.memref_squeeze %dma_start3A_323 : memref<1x128xi32, #tpu.memory_space<vmem>> -> memref<128xi32, #tpu.memory_space<vmem>>
          %dma_start3A_325 = arith.constant 0 : i32
          %dma_start3A_326 = arith.constant 0 : i32
          %dma_start3A_327 = tpu.memref_slice %arg12[%dma_start3A_325, %dma_start3A_326] : memref<10112x128xf32, #tpu.memory_space<vmem_shared>> -> memref<10112x128xf32, #tpu.memory_space<vmem_shared>>
          tpu.enqueue_indirect_dma source(%arg10 : memref<128x128xf32, #tpu.memory_space<vmem>>) target(%dma_start3A_327 : memref<10112x128xf32, #tpu.memory_space<vmem_shared>>) offsets(%dma_start3A_324 : memref<128xi32, #tpu.memory_space<vmem>>) semaphore(%run_scoped3A_321 : memref<!tpu.dma_semaphore, #tpu.memory_space<semaphore_mem>>) {add = true}
          %dma_wait3A_328 = arith.constant 0 : i32
          %dma_wait3A_329 = tpu.memref_slice %arg9[%mul3A_284, %dma_wait3A_328] : memref<16x128xi32, #tpu.memory_space<vmem>> -> memref<1x128xi32, #tpu.memory_space<vmem>>
          %dma_wait3A_330 = tpu.memref_squeeze %dma_wait3A_329 : memref<1x128xi32, #tpu.memory_space<vmem>> -> memref<128xi32, #tpu.memory_space<vmem>>
          %dma_wait3A_331 = arith.constant 0 : i32
          %dma_wait3A_332 = arith.constant 0 : i32
          %dma_wait3A_333 = tpu.memref_slice %arg12[%dma_wait3A_331, %dma_wait3A_332] : memref<10112x128xf32, #tpu.memory_space<vmem_shared>> -> memref<10112x128xf32, #tpu.memory_space<vmem_shared>>
          tpu.wait_indirect_dma semaphore(%run_scoped3A_321 : memref<!tpu.dma_semaphore, #tpu.memory_space<semaphore_mem>>) src(%arg10 : memref<128x128xf32, #tpu.memory_space<vmem>>) dst(%dma_wait3A_333 : memref<10112x128xf32, #tpu.memory_space<vmem_shared>>)
          tpu.yield
        }) : () -> ()
        %dma_start3A_295 = arith.constant 0 : i32
        %dma_start3A_296 = tpu.memref_slice %arg7[%add3A_288, %dma_start3A_295] : memref<16x128xi32, #tpu.memory_space<vmem>> -> memref<1x128xi32, #tpu.memory_space<vmem>>
        %dma_start3A_297 = tpu.memref_squeeze %dma_start3A_296 : memref<1x128xi32, #tpu.memory_space<vmem>> -> memref<128xi32, #tpu.memory_space<vmem>>
        %dma_start3A_298 = arith.constant 0 : i32
        %dma_start3A_299 = arith.constant 0 : i32
        %dma_start3A_300 = tpu.memref_slice %arg2[%dma_start3A_298, %dma_start3A_299] : memref<10000x128xf32, #tpu.memory_space<hbm>> -> memref<10000x128xf32, #tpu.memory_space<hbm>>
        tpu.enqueue_indirect_dma source(%dma_start3A_300 : memref<10000x128xf32, #tpu.memory_space<hbm>>) target(%arg10 : memref<128x128xf32, #tpu.memory_space<vmem>>) offsets(%dma_start3A_297 : memref<128xi32, #tpu.memory_space<vmem>>) semaphore(%arg13 : memref<!tpu.dma_semaphore, #tpu.memory_space<semaphore_mem>>)
        %mul3A_301 = arith.constant 2 : i32
        %mul3A_302 = arith.muli %mul3A_301, %scan3A_282 : i32
        %add3A_303 = arith.constant 1 : i32
        %add3A_304 = arith.addi %mul3A_302, %add3A_303 : i32
        %mul3A_305 = arith.constant 2 : i32
        %mul3A_306 = arith.muli %mul3A_305, %scan3A_282 : i32
        %add3A_307 = arith.constant 3 : i32
        %add3A_308 = arith.addi %mul3A_306, %add3A_307 : i32
        %dma_wait3A_309 = arith.constant 0 : i32
        %dma_wait3A_310 = tpu.memref_slice %arg7[%add3A_304, %dma_wait3A_309] : memref<16x128xi32, #tpu.memory_space<vmem>> -> memref<1x128xi32, #tpu.memory_space<vmem>>
        %dma_wait3A_311 = tpu.memref_squeeze %dma_wait3A_310 : memref<1x128xi32, #tpu.memory_space<vmem>> -> memref<128xi32, #tpu.memory_space<vmem>>
        %dma_wait3A_312 = arith.constant 0 : i32
        %dma_wait3A_313 = arith.constant 0 : i32
        %dma_wait3A_314 = tpu.memref_slice %arg2[%dma_wait3A_312, %dma_wait3A_313] : memref<10000x128xf32, #tpu.memory_space<hbm>> -> memref<10000x128xf32, #tpu.memory_space<hbm>>
        tpu.wait_indirect_dma semaphore(%arg14 : memref<!tpu.dma_semaphore, #tpu.memory_space<semaphore_mem>>) src(%dma_wait3A_314 : memref<10000x128xf32, #tpu.memory_space<hbm>>) dst(%arg11 : memref<128x128xf32, #tpu.memory_space<vmem>>)
        "tpu.region"() ({
          %run_scoped3A_321 = tpu.sem_alloc : memref<!tpu.dma_semaphore, #tpu.memory_space<semaphore_mem>>
          %dma_start3A_322 = arith.constant 0 : i32
          %dma_start3A_323 = tpu.memref_slice %arg9[%add3A_304, %dma_start3A_322] : memref<16x128xi32, #tpu.memory_space<vmem>> -> memref<1x128xi32, #tpu.memory_space<vmem>>
          %dma_start3A_324 = tpu.memref_squeeze %dma_start3A_323 : memref<1x128xi32, #tpu.memory_space<vmem>> -> memref<128xi32, #tpu.memory_space<vmem>>
          %dma_start3A_325 = arith.constant 0 : i32
          %dma_start3A_326 = arith.constant 0 : i32
          %dma_start3A_327 = tpu.memref_slice %arg12[%dma_start3A_325, %dma_start3A_326] : memref<10112x128xf32, #tpu.memory_space<vmem_shared>> -> memref<10112x128xf32, #tpu.memory_space<vmem_shared>>
          tpu.enqueue_indirect_dma source(%arg11 : memref<128x128xf32, #tpu.memory_space<vmem>>) target(%dma_start3A_327 : memref<10112x128xf32, #tpu.memory_space<vmem_shared>>) offsets(%dma_start3A_324 : memref<128xi32, #tpu.memory_space<vmem>>) semaphore(%run_scoped3A_321 : memref<!tpu.dma_semaphore, #tpu.memory_space<semaphore_mem>>) {add = true}
          %dma_wait3A_328 = arith.constant 0 : i32
          %dma_wait3A_329 = tpu.memref_slice %arg9[%add3A_304, %dma_wait3A_328] : memref<16x128xi32, #tpu.memory_space<vmem>> -> memref<1x128xi32, #tpu.memory_space<vmem>>
          %dma_wait3A_330 = tpu.memref_squeeze %dma_wait3A_329 : memref<1x128xi32, #tpu.memory_space<vmem>> -> memref<128xi32, #tpu.memory_space<vmem>>
          %dma_wait3A_331 = arith.constant 0 : i32
          %dma_wait3A_332 = arith.constant 0 : i32
          %dma_wait3A_333 = tpu.memref_slice %arg12[%dma_wait3A_331, %dma_wait3A_332] : memref<10112x128xf32, #tpu.memory_space<vmem_shared>> -> memref<10112x128xf32, #tpu.memory_space<vmem_shared>>
          tpu.wait_indirect_dma semaphore(%run_scoped3A_321 : memref<!tpu.dma_semaphore, #tpu.memory_space<semaphore_mem>>) src(%arg11 : memref<128x128xf32, #tpu.memory_space<vmem>>) dst(%dma_wait3A_333 : memref<10112x128xf32, #tpu.memory_space<vmem_shared>>)
          tpu.yield
        }) : () -> ()
        %dma_start3A_315 = arith.constant 0 : i32
        %dma_start3A_316 = tpu.memref_slice %arg7[%add3A_308, %dma_start3A_315] : memref<16x128xi32, #tpu.memory_space<vmem>> -> memref<1x128xi32, #tpu.memory_space<vmem>>
        %dma_start3A_317 = tpu.memref_squeeze %dma_start3A_316 : memref<1x128xi32, #tpu.memory_space<vmem>> -> memref<128xi32, #tpu.memory_space<vmem>>
        %dma_start3A_318 = arith.constant 0 : i32
        %dma_start3A_319 = arith.constant 0 : i32
        %dma_start3A_320 = tpu.memref_slice %arg2[%dma_start3A_318, %dma_start3A_319] : memref<10000x128xf32, #tpu.memory_space<hbm>> -> memref<10000x128xf32, #tpu.memory_space<hbm>>
        tpu.enqueue_indirect_dma source(%dma_start3A_320 : memref<10000x128xf32, #tpu.memory_space<hbm>>) target(%arg11 : memref<128x128xf32, #tpu.memory_space<vmem>>) offsets(%dma_start3A_317 : memref<128xi32, #tpu.memory_space<vmem>>) semaphore(%arg14 : memref<!tpu.dma_semaphore, #tpu.memory_space<semaphore_mem>>)
      }
      %scan3A_113 = arith.constant 7 : i32
      %dma_wait3A_114 = arith.constant 0 : i32
      %dma_wait3A_115 = tpu.memref_slice %arg3[%mul3A_32, %dma_wait3A_114] : memref<2560x128xi32, #tpu.memory_space<hbm>> -> memref<16x128xi32, #tpu.memory_space<hbm>>
      %dma_wait3A_116 = arith.constant 0 : i32
      %dma_wait3A_117 = tpu.memref_slice %arg3[%mul3A_32, %dma_wait3A_116] : memref<2560x128xi32, #tpu.memory_space<hbm>> -> memref<16x128xi32, #tpu.memory_space<hbm>>
      tpu.wait_dma2 semaphore(%arg15 : memref<!tpu.dma_semaphore, #tpu.memory_space<semaphore_mem>>) src(%dma_wait3A_117 : memref<16x128xi32, #tpu.memory_space<hbm>>) dst(%arg6 : memref<16x128xi32, #tpu.memory_space<vmem>>)
      %dma_wait3A_118 = arith.constant 0 : i32
      %dma_wait3A_119 = tpu.memref_slice %arg4[%mul3A_32, %dma_wait3A_118] : memref<2560x128xi32, #tpu.memory_space<hbm>> -> memref<16x128xi32, #tpu.memory_space<hbm>>
      %dma_wait3A_120 = arith.constant 0 : i32
      %dma_wait3A_121 = tpu.memref_slice %arg4[%mul3A_32, %dma_wait3A_120] : memref<2560x128xi32, #tpu.memory_space<hbm>> -> memref<16x128xi32, #tpu.memory_space<hbm>>
      tpu.wait_dma2 semaphore(%arg15 : memref<!tpu.dma_semaphore, #tpu.memory_space<semaphore_mem>>) src(%dma_wait3A_121 : memref<16x128xi32, #tpu.memory_space<hbm>>) dst(%arg8 : memref<16x128xi32, #tpu.memory_space<vmem>>)
      %dma_wait3A_122 = arith.constant 14 : i32
      %dma_wait3A_123 = arith.constant 0 : i32
      %dma_wait3A_124 = tpu.memref_slice %arg7[%dma_wait3A_122, %dma_wait3A_123] : memref<16x128xi32, #tpu.memory_space<vmem>> -> memref<1x128xi32, #tpu.memory_space<vmem>>
      %dma_wait3A_125 = tpu.memref_squeeze %dma_wait3A_124 : memref<1x128xi32, #tpu.memory_space<vmem>> -> memref<128xi32, #tpu.memory_space<vmem>>
      %dma_wait3A_126 = arith.constant 0 : i32
      %dma_wait3A_127 = arith.constant 0 : i32
      %dma_wait3A_128 = tpu.memref_slice %arg2[%dma_wait3A_126, %dma_wait3A_127] : memref<10000x128xf32, #tpu.memory_space<hbm>> -> memref<10000x128xf32, #tpu.memory_space<hbm>>
      tpu.wait_indirect_dma semaphore(%arg13 : memref<!tpu.dma_semaphore, #tpu.memory_space<semaphore_mem>>) src(%dma_wait3A_128 : memref<10000x128xf32, #tpu.memory_space<hbm>>) dst(%arg10 : memref<128x128xf32, #tpu.memory_space<vmem>>)
      %run_scoped3A_129 = arith.constant 14 : i32
      "tpu.region"() ({
        %run_scoped3A_282 = tpu.sem_alloc : memref<!tpu.dma_semaphore, #tpu.memory_space<semaphore_mem>>
        %dma_start3A_283 = arith.constant 0 : i32
        %dma_start3A_284 = tpu.memref_slice %arg9[%run_scoped3A_129, %dma_start3A_283] : memref<16x128xi32, #tpu.memory_space<vmem>> -> memref<1x128xi32, #tpu.memory_space<vmem>>
        %dma_start3A_285 = tpu.memref_squeeze %dma_start3A_284 : memref<1x128xi32, #tpu.memory_space<vmem>> -> memref<128xi32, #tpu.memory_space<vmem>>
        %dma_start3A_286 = arith.constant 0 : i32
        %dma_start3A_287 = arith.constant 0 : i32
        %dma_start3A_288 = tpu.memref_slice %arg12[%dma_start3A_286, %dma_start3A_287] : memref<10112x128xf32, #tpu.memory_space<vmem_shared>> -> memref<10112x128xf32, #tpu.memory_space<vmem_shared>>
        tpu.enqueue_indirect_dma source(%arg10 : memref<128x128xf32, #tpu.memory_space<vmem>>) target(%dma_start3A_288 : memref<10112x128xf32, #tpu.memory_space<vmem_shared>>) offsets(%dma_start3A_285 : memref<128xi32, #tpu.memory_space<vmem>>) semaphore(%run_scoped3A_282 : memref<!tpu.dma_semaphore, #tpu.memory_space<semaphore_mem>>) {add = true}
        %dma_wait3A_289 = arith.constant 0 : i32
        %dma_wait3A_290 = tpu.memref_slice %arg9[%run_scoped3A_129, %dma_wait3A_289] : memref<16x128xi32, #tpu.memory_space<vmem>> -> memref<1x128xi32, #tpu.memory_space<vmem>>
        %dma_wait3A_291 = tpu.memref_squeeze %dma_wait3A_290 : memref<1x128xi32, #tpu.memory_space<vmem>> -> memref<128xi32, #tpu.memory_space<vmem>>
        %dma_wait3A_292 = arith.constant 0 : i32
        %dma_wait3A_293 = arith.constant 0 : i32
        %dma_wait3A_294 = tpu.memref_slice %arg12[%dma_wait3A_292, %dma_wait3A_293] : memref<10112x128xf32, #tpu.memory_space<vmem_shared>> -> memref<10112x128xf32, #tpu.memory_space<vmem_shared>>
        tpu.wait_indirect_dma semaphore(%run_scoped3A_282 : memref<!tpu.dma_semaphore, #tpu.memory_space<semaphore_mem>>) src(%arg10 : memref<128x128xf32, #tpu.memory_space<vmem>>) dst(%dma_wait3A_294 : memref<10112x128xf32, #tpu.memory_space<vmem_shared>>)
        tpu.yield
      }) : () -> ()
      %dma_start3A_130 = arith.constant 0 : i32
      %dma_start3A_131 = arith.constant 0 : i32
      %dma_start3A_132 = tpu.memref_slice %arg6[%dma_start3A_130, %dma_start3A_131] : memref<16x128xi32, #tpu.memory_space<vmem>> -> memref<1x128xi32, #tpu.memory_space<vmem>>
      %dma_start3A_133 = tpu.memref_squeeze %dma_start3A_132 : memref<1x128xi32, #tpu.memory_space<vmem>> -> memref<128xi32, #tpu.memory_space<vmem>>
      %dma_start3A_134 = arith.constant 0 : i32
      %dma_start3A_135 = arith.constant 0 : i32
      %dma_start3A_136 = tpu.memref_slice %arg2[%dma_start3A_134, %dma_start3A_135] : memref<10000x128xf32, #tpu.memory_space<hbm>> -> memref<10000x128xf32, #tpu.memory_space<hbm>>
      tpu.enqueue_indirect_dma source(%dma_start3A_136 : memref<10000x128xf32, #tpu.memory_space<hbm>>) target(%arg10 : memref<128x128xf32, #tpu.memory_space<vmem>>) offsets(%dma_start3A_133 : memref<128xi32, #tpu.memory_space<vmem>>) semaphore(%arg13 : memref<!tpu.dma_semaphore, #tpu.memory_space<semaphore_mem>>)
      %dma_wait3A_137 = arith.constant 15 : i32
      %dma_wait3A_138 = arith.constant 0 : i32
      %dma_wait3A_139 = tpu.memref_slice %arg7[%dma_wait3A_137, %dma_wait3A_138] : memref<16x128xi32, #tpu.memory_space<vmem>> -> memref<1x128xi32, #tpu.memory_space<vmem>>
      %dma_wait3A_140 = tpu.memref_squeeze %dma_wait3A_139 : memref<1x128xi32, #tpu.memory_space<vmem>> -> memref<128xi32, #tpu.memory_space<vmem>>
      %dma_wait3A_141 = arith.constant 0 : i32
      %dma_wait3A_142 = arith.constant 0 : i32
      %dma_wait3A_143 = tpu.memref_slice %arg2[%dma_wait3A_141, %dma_wait3A_142] : memref<10000x128xf32, #tpu.memory_space<hbm>> -> memref<10000x128xf32, #tpu.memory_space<hbm>>
      tpu.wait_indirect_dma semaphore(%arg14 : memref<!tpu.dma_semaphore, #tpu.memory_space<semaphore_mem>>) src(%dma_wait3A_143 : memref<10000x128xf32, #tpu.memory_space<hbm>>) dst(%arg11 : memref<128x128xf32, #tpu.memory_space<vmem>>)
      %run_scoped3A_144 = arith.constant 15 : i32
      "tpu.region"() ({
        %run_scoped3A_282 = tpu.sem_alloc : memref<!tpu.dma_semaphore, #tpu.memory_space<semaphore_mem>>
        %dma_start3A_283 = arith.constant 0 : i32
        %dma_start3A_284 = tpu.memref_slice %arg9[%run_scoped3A_144, %dma_start3A_283] : memref<16x128xi32, #tpu.memory_space<vmem>> -> memref<1x128xi32, #tpu.memory_space<vmem>>
        %dma_start3A_285 = tpu.memref_squeeze %dma_start3A_284 : memref<1x128xi32, #tpu.memory_space<vmem>> -> memref<128xi32, #tpu.memory_space<vmem>>
        %dma_start3A_286 = arith.constant 0 : i32
        %dma_start3A_287 = arith.constant 0 : i32
        %dma_start3A_288 = tpu.memref_slice %arg12[%dma_start3A_286, %dma_start3A_287] : memref<10112x128xf32, #tpu.memory_space<vmem_shared>> -> memref<10112x128xf32, #tpu.memory_space<vmem_shared>>
        tpu.enqueue_indirect_dma source(%arg11 : memref<128x128xf32, #tpu.memory_space<vmem>>) target(%dma_start3A_288 : memref<10112x128xf32, #tpu.memory_space<vmem_shared>>) offsets(%dma_start3A_285 : memref<128xi32, #tpu.memory_space<vmem>>) semaphore(%run_scoped3A_282 : memref<!tpu.dma_semaphore, #tpu.memory_space<semaphore_mem>>) {add = true}
        %dma_wait3A_289 = arith.constant 0 : i32
        %dma_wait3A_290 = tpu.memref_slice %arg9[%run_scoped3A_144, %dma_wait3A_289] : memref<16x128xi32, #tpu.memory_space<vmem>> -> memref<1x128xi32, #tpu.memory_space<vmem>>
        %dma_wait3A_291 = tpu.memref_squeeze %dma_wait3A_290 : memref<1x128xi32, #tpu.memory_space<vmem>> -> memref<128xi32, #tpu.memory_space<vmem>>
        %dma_wait3A_292 = arith.constant 0 : i32
        %dma_wait3A_293 = arith.constant 0 : i32
        %dma_wait3A_294 = tpu.memref_slice %arg12[%dma_wait3A_292, %dma_wait3A_293] : memref<10112x128xf32, #tpu.memory_space<vmem_shared>> -> memref<10112x128xf32, #tpu.memory_space<vmem_shared>>
        tpu.wait_indirect_dma semaphore(%run_scoped3A_282 : memref<!tpu.dma_semaphore, #tpu.memory_space<semaphore_mem>>) src(%arg11 : memref<128x128xf32, #tpu.memory_space<vmem>>) dst(%dma_wait3A_294 : memref<10112x128xf32, #tpu.memory_space<vmem_shared>>)
        tpu.yield
      }) : () -> ()
      %dma_start3A_145 = arith.constant 1 : i32
      %dma_start3A_146 = arith.constant 0 : i32
      %dma_start3A_147 = tpu.memref_slice %arg6[%dma_start3A_145, %dma_start3A_146] : memref<16x128xi32, #tpu.memory_space<vmem>> -> memref<1x128xi32, #tpu.memory_space<vmem>>
      %dma_start3A_148 = tpu.memref_squeeze %dma_start3A_147 : memref<1x128xi32, #tpu.memory_space<vmem>> -> memref<128xi32, #tpu.memory_space<vmem>>
      %dma_start3A_149 = arith.constant 0 : i32
      %dma_start3A_150 = arith.constant 0 : i32
      %dma_start3A_151 = tpu.memref_slice %arg2[%dma_start3A_149, %dma_start3A_150] : memref<10000x128xf32, #tpu.memory_space<hbm>> -> memref<10000x128xf32, #tpu.memory_space<hbm>>
      tpu.enqueue_indirect_dma source(%dma_start3A_151 : memref<10000x128xf32, #tpu.memory_space<hbm>>) target(%arg11 : memref<128x128xf32, #tpu.memory_space<vmem>>) offsets(%dma_start3A_148 : memref<128xi32, #tpu.memory_space<vmem>>) semaphore(%arg14 : memref<!tpu.dma_semaphore, #tpu.memory_space<semaphore_mem>>)
      %add3A_152 = arith.constant 48 : i32
      %add3A_153 = arith.addi %mul3A_32, %add3A_152 : i32
      %dma_start3A_154 = arith.constant 0 : i32
      %dma_start3A_155 = tpu.memref_slice %arg3[%add3A_153, %dma_start3A_154] : memref<2560x128xi32, #tpu.memory_space<hbm>> -> memref<16x128xi32, #tpu.memory_space<hbm>>
      %dma_start3A_156 = arith.constant 0 : i32
      %dma_start3A_157 = tpu.memref_slice %arg3[%add3A_153, %dma_start3A_156] : memref<2560x128xi32, #tpu.memory_space<hbm>> -> memref<16x128xi32, #tpu.memory_space<hbm>>
      tpu.enqueue_dma source(%dma_start3A_157 : memref<16x128xi32, #tpu.memory_space<hbm>>) target(%arg7 : memref<16x128xi32, #tpu.memory_space<vmem>>) target_semaphore(%arg15 : memref<!tpu.dma_semaphore, #tpu.memory_space<semaphore_mem>>)
      %dma_start3A_158 = arith.constant 0 : i32
      %dma_start3A_159 = tpu.memref_slice %arg4[%add3A_153, %dma_start3A_158] : memref<2560x128xi32, #tpu.memory_space<hbm>> -> memref<16x128xi32, #tpu.memory_space<hbm>>
      %dma_start3A_160 = arith.constant 0 : i32
      %dma_start3A_161 = tpu.memref_slice %arg4[%add3A_153, %dma_start3A_160] : memref<2560x128xi32, #tpu.memory_space<hbm>> -> memref<16x128xi32, #tpu.memory_space<hbm>>
      tpu.enqueue_dma source(%dma_start3A_161 : memref<16x128xi32, #tpu.memory_space<hbm>>) target(%arg9 : memref<16x128xi32, #tpu.memory_space<vmem>>) target_semaphore(%arg15 : memref<!tpu.dma_semaphore, #tpu.memory_space<semaphore_mem>>)
      %scan3A_162 = arith.constant 0 : i32
      %scan3A_163 = arith.constant 0 : i32
      %scan3A_164 = arith.constant 7 : i32
      %scan3A_165 = arith.addi %scan3A_163, %scan3A_164 : i32
      %scan3A_166 = arith.constant 1 : i32
      scf.for %scan3A_282 = %scan3A_163 to %scan3A_165 step %scan3A_166  : i32 {
        %mul3A_283 = arith.constant 2 : i32
        %mul3A_284 = arith.muli %mul3A_283, %scan3A_282 : i32
        %mul3A_285 = arith.constant 2 : i32
        %mul3A_286 = arith.muli %mul3A_285, %scan3A_282 : i32
        %add3A_287 = arith.constant 2 : i32
        %add3A_288 = arith.addi %mul3A_286, %add3A_287 : i32
        %dma_wait3A_289 = arith.constant 0 : i32
        %dma_wait3A_290 = tpu.memref_slice %arg6[%mul3A_284, %dma_wait3A_289] : memref<16x128xi32, #tpu.memory_space<vmem>> -> memref<1x128xi32, #tpu.memory_space<vmem>>
        %dma_wait3A_291 = tpu.memref_squeeze %dma_wait3A_290 : memref<1x128xi32, #tpu.memory_space<vmem>> -> memref<128xi32, #tpu.memory_space<vmem>>
        %dma_wait3A_292 = arith.constant 0 : i32
        %dma_wait3A_293 = arith.constant 0 : i32
        %dma_wait3A_294 = tpu.memref_slice %arg2[%dma_wait3A_292, %dma_wait3A_293] : memref<10000x128xf32, #tpu.memory_space<hbm>> -> memref<10000x128xf32, #tpu.memory_space<hbm>>
        tpu.wait_indirect_dma semaphore(%arg13 : memref<!tpu.dma_semaphore, #tpu.memory_space<semaphore_mem>>) src(%dma_wait3A_294 : memref<10000x128xf32, #tpu.memory_space<hbm>>) dst(%arg10 : memref<128x128xf32, #tpu.memory_space<vmem>>)
        "tpu.region"() ({
          %run_scoped3A_321 = tpu.sem_alloc : memref<!tpu.dma_semaphore, #tpu.memory_space<semaphore_mem>>
          %dma_start3A_322 = arith.constant 0 : i32
          %dma_start3A_323 = tpu.memref_slice %arg8[%mul3A_284, %dma_start3A_322] : memref<16x128xi32, #tpu.memory_space<vmem>> -> memref<1x128xi32, #tpu.memory_space<vmem>>
          %dma_start3A_324 = tpu.memref_squeeze %dma_start3A_323 : memref<1x128xi32, #tpu.memory_space<vmem>> -> memref<128xi32, #tpu.memory_space<vmem>>
          %dma_start3A_325 = arith.constant 0 : i32
          %dma_start3A_326 = arith.constant 0 : i32
          %dma_start3A_327 = tpu.memref_slice %arg12[%dma_start3A_325, %dma_start3A_326] : memref<10112x128xf32, #tpu.memory_space<vmem_shared>> -> memref<10112x128xf32, #tpu.memory_space<vmem_shared>>
          tpu.enqueue_indirect_dma source(%arg10 : memref<128x128xf32, #tpu.memory_space<vmem>>) target(%dma_start3A_327 : memref<10112x128xf32, #tpu.memory_space<vmem_shared>>) offsets(%dma_start3A_324 : memref<128xi32, #tpu.memory_space<vmem>>) semaphore(%run_scoped3A_321 : memref<!tpu.dma_semaphore, #tpu.memory_space<semaphore_mem>>) {add = true}
          %dma_wait3A_328 = arith.constant 0 : i32
          %dma_wait3A_329 = tpu.memref_slice %arg8[%mul3A_284, %dma_wait3A_328] : memref<16x128xi32, #tpu.memory_space<vmem>> -> memref<1x128xi32, #tpu.memory_space<vmem>>
          %dma_wait3A_330 = tpu.memref_squeeze %dma_wait3A_329 : memref<1x128xi32, #tpu.memory_space<vmem>> -> memref<128xi32, #tpu.memory_space<vmem>>
          %dma_wait3A_331 = arith.constant 0 : i32
          %dma_wait3A_332 = arith.constant 0 : i32
          %dma_wait3A_333 = tpu.memref_slice %arg12[%dma_wait3A_331, %dma_wait3A_332] : memref<10112x128xf32, #tpu.memory_space<vmem_shared>> -> memref<10112x128xf32, #tpu.memory_space<vmem_shared>>
          tpu.wait_indirect_dma semaphore(%run_scoped3A_321 : memref<!tpu.dma_semaphore, #tpu.memory_space<semaphore_mem>>) src(%arg10 : memref<128x128xf32, #tpu.memory_space<vmem>>) dst(%dma_wait3A_333 : memref<10112x128xf32, #tpu.memory_space<vmem_shared>>)
          tpu.yield
        }) : () -> ()
        %dma_start3A_295 = arith.constant 0 : i32
        %dma_start3A_296 = tpu.memref_slice %arg6[%add3A_288, %dma_start3A_295] : memref<16x128xi32, #tpu.memory_space<vmem>> -> memref<1x128xi32, #tpu.memory_space<vmem>>
        %dma_start3A_297 = tpu.memref_squeeze %dma_start3A_296 : memref<1x128xi32, #tpu.memory_space<vmem>> -> memref<128xi32, #tpu.memory_space<vmem>>
        %dma_start3A_298 = arith.constant 0 : i32
        %dma_start3A_299 = arith.constant 0 : i32
        %dma_start3A_300 = tpu.memref_slice %arg2[%dma_start3A_298, %dma_start3A_299] : memref<10000x128xf32, #tpu.memory_space<hbm>> -> memref<10000x128xf32, #tpu.memory_space<hbm>>
        tpu.enqueue_indirect_dma source(%dma_start3A_300 : memref<10000x128xf32, #tpu.memory_space<hbm>>) target(%arg10 : memref<128x128xf32, #tpu.memory_space<vmem>>) offsets(%dma_start3A_297 : memref<128xi32, #tpu.memory_space<vmem>>) semaphore(%arg13 : memref<!tpu.dma_semaphore, #tpu.memory_space<semaphore_mem>>)
        %mul3A_301 = arith.constant 2 : i32
        %mul3A_302 = arith.muli %mul3A_301, %scan3A_282 : i32
        %add3A_303 = arith.constant 1 : i32
        %add3A_304 = arith.addi %mul3A_302, %add3A_303 : i32
        %mul3A_305 = arith.constant 2 : i32
        %mul3A_306 = arith.muli %mul3A_305, %scan3A_282 : i32
        %add3A_307 = arith.constant 3 : i32
        %add3A_308 = arith.addi %mul3A_306, %add3A_307 : i32
        %dma_wait3A_309 = arith.constant 0 : i32
        %dma_wait3A_310 = tpu.memref_slice %arg6[%add3A_304, %dma_wait3A_309] : memref<16x128xi32, #tpu.memory_space<vmem>> -> memref<1x128xi32, #tpu.memory_space<vmem>>
        %dma_wait3A_311 = tpu.memref_squeeze %dma_wait3A_310 : memref<1x128xi32, #tpu.memory_space<vmem>> -> memref<128xi32, #tpu.memory_space<vmem>>
        %dma_wait3A_312 = arith.constant 0 : i32
        %dma_wait3A_313 = arith.constant 0 : i32
        %dma_wait3A_314 = tpu.memref_slice %arg2[%dma_wait3A_312, %dma_wait3A_313] : memref<10000x128xf32, #tpu.memory_space<hbm>> -> memref<10000x128xf32, #tpu.memory_space<hbm>>
        tpu.wait_indirect_dma semaphore(%arg14 : memref<!tpu.dma_semaphore, #tpu.memory_space<semaphore_mem>>) src(%dma_wait3A_314 : memref<10000x128xf32, #tpu.memory_space<hbm>>) dst(%arg11 : memref<128x128xf32, #tpu.memory_space<vmem>>)
        "tpu.region"() ({
          %run_scoped3A_321 = tpu.sem_alloc : memref<!tpu.dma_semaphore, #tpu.memory_space<semaphore_mem>>
          %dma_start3A_322 = arith.constant 0 : i32
          %dma_start3A_323 = tpu.memref_slice %arg8[%add3A_304, %dma_start3A_322] : memref<16x128xi32, #tpu.memory_space<vmem>> -> memref<1x128xi32, #tpu.memory_space<vmem>>
          %dma_start3A_324 = tpu.memref_squeeze %dma_start3A_323 : memref<1x128xi32, #tpu.memory_space<vmem>> -> memref<128xi32, #tpu.memory_space<vmem>>
          %dma_start3A_325 = arith.constant 0 : i32
          %dma_start3A_326 = arith.constant 0 : i32
          %dma_start3A_327 = tpu.memref_slice %arg12[%dma_start3A_325, %dma_start3A_326] : memref<10112x128xf32, #tpu.memory_space<vmem_shared>> -> memref<10112x128xf32, #tpu.memory_space<vmem_shared>>
          tpu.enqueue_indirect_dma source(%arg11 : memref<128x128xf32, #tpu.memory_space<vmem>>) target(%dma_start3A_327 : memref<10112x128xf32, #tpu.memory_space<vmem_shared>>) offsets(%dma_start3A_324 : memref<128xi32, #tpu.memory_space<vmem>>) semaphore(%run_scoped3A_321 : memref<!tpu.dma_semaphore, #tpu.memory_space<semaphore_mem>>) {add = true}
          %dma_wait3A_328 = arith.constant 0 : i32
          %dma_wait3A_329 = tpu.memref_slice %arg8[%add3A_304, %dma_wait3A_328] : memref<16x128xi32, #tpu.memory_space<vmem>> -> memref<1x128xi32, #tpu.memory_space<vmem>>
          %dma_wait3A_330 = tpu.memref_squeeze %dma_wait3A_329 : memref<1x128xi32, #tpu.memory_space<vmem>> -> memref<128xi32, #tpu.memory_space<vmem>>
          %dma_wait3A_331 = arith.constant 0 : i32
          %dma_wait3A_332 = arith.constant 0 : i32
          %dma_wait3A_333 = tpu.memref_slice %arg12[%dma_wait3A_331, %dma_wait3A_332] : memref<10112x128xf32, #tpu.memory_space<vmem_shared>> -> memref<10112x128xf32, #tpu.memory_space<vmem_shared>>
          tpu.wait_indirect_dma semaphore(%run_scoped3A_321 : memref<!tpu.dma_semaphore, #tpu.memory_space<semaphore_mem>>) src(%arg11 : memref<128x128xf32, #tpu.memory_space<vmem>>) dst(%dma_wait3A_333 : memref<10112x128xf32, #tpu.memory_space<vmem_shared>>)
          tpu.yield
        }) : () -> ()
        %dma_start3A_315 = arith.constant 0 : i32
        %dma_start3A_316 = tpu.memref_slice %arg6[%add3A_308, %dma_start3A_315] : memref<16x128xi32, #tpu.memory_space<vmem>> -> memref<1x128xi32, #tpu.memory_space<vmem>>
        %dma_start3A_317 = tpu.memref_squeeze %dma_start3A_316 : memref<1x128xi32, #tpu.memory_space<vmem>> -> memref<128xi32, #tpu.memory_space<vmem>>
        %dma_start3A_318 = arith.constant 0 : i32
        %dma_start3A_319 = arith.constant 0 : i32
        %dma_start3A_320 = tpu.memref_slice %arg2[%dma_start3A_318, %dma_start3A_319] : memref<10000x128xf32, #tpu.memory_space<hbm>> -> memref<10000x128xf32, #tpu.memory_space<hbm>>
        tpu.enqueue_indirect_dma source(%dma_start3A_320 : memref<10000x128xf32, #tpu.memory_space<hbm>>) target(%arg11 : memref<128x128xf32, #tpu.memory_space<vmem>>) offsets(%dma_start3A_317 : memref<128xi32, #tpu.memory_space<vmem>>) semaphore(%arg14 : memref<!tpu.dma_semaphore, #tpu.memory_space<semaphore_mem>>)
      }
      %scan3A_167 = arith.constant 7 : i32
      %dma_wait3A_168 = arith.constant 0 : i32
      %dma_wait3A_169 = tpu.memref_slice %arg3[%mul3A_32, %dma_wait3A_168] : memref<2560x128xi32, #tpu.memory_space<hbm>> -> memref<16x128xi32, #tpu.memory_space<hbm>>
      %dma_wait3A_170 = arith.constant 0 : i32
      %dma_wait3A_171 = tpu.memref_slice %arg3[%mul3A_32, %dma_wait3A_170] : memref<2560x128xi32, #tpu.memory_space<hbm>> -> memref<16x128xi32, #tpu.memory_space<hbm>>
      tpu.wait_dma2 semaphore(%arg15 : memref<!tpu.dma_semaphore, #tpu.memory_space<semaphore_mem>>) src(%dma_wait3A_171 : memref<16x128xi32, #tpu.memory_space<hbm>>) dst(%arg7 : memref<16x128xi32, #tpu.memory_space<vmem>>)
      %dma_wait3A_172 = arith.constant 0 : i32
      %dma_wait3A_173 = tpu.memref_slice %arg4[%mul3A_32, %dma_wait3A_172] : memref<2560x128xi32, #tpu.memory_space<hbm>> -> memref<16x128xi32, #tpu.memory_space<hbm>>
      %dma_wait3A_174 = arith.constant 0 : i32
      %dma_wait3A_175 = tpu.memref_slice %arg4[%mul3A_32, %dma_wait3A_174] : memref<2560x128xi32, #tpu.memory_space<hbm>> -> memref<16x128xi32, #tpu.memory_space<hbm>>
      tpu.wait_dma2 semaphore(%arg15 : memref<!tpu.dma_semaphore, #tpu.memory_space<semaphore_mem>>) src(%dma_wait3A_175 : memref<16x128xi32, #tpu.memory_space<hbm>>) dst(%arg9 : memref<16x128xi32, #tpu.memory_space<vmem>>)
      %dma_wait3A_176 = arith.constant 14 : i32
      %dma_wait3A_177 = arith.constant 0 : i32
      %dma_wait3A_178 = tpu.memref_slice %arg6[%dma_wait3A_176, %dma_wait3A_177] : memref<16x128xi32, #tpu.memory_space<vmem>> -> memref<1x128xi32, #tpu.memory_space<vmem>>
      %dma_wait3A_179 = tpu.memref_squeeze %dma_wait3A_178 : memref<1x128xi32, #tpu.memory_space<vmem>> -> memref<128xi32, #tpu.memory_space<vmem>>
      %dma_wait3A_180 = arith.constant 0 : i32
      %dma_wait3A_181 = arith.constant 0 : i32
      %dma_wait3A_182 = tpu.memref_slice %arg2[%dma_wait3A_180, %dma_wait3A_181] : memref<10000x128xf32, #tpu.memory_space<hbm>> -> memref<10000x128xf32, #tpu.memory_space<hbm>>
      tpu.wait_indirect_dma semaphore(%arg13 : memref<!tpu.dma_semaphore, #tpu.memory_space<semaphore_mem>>) src(%dma_wait3A_182 : memref<10000x128xf32, #tpu.memory_space<hbm>>) dst(%arg10 : memref<128x128xf32, #tpu.memory_space<vmem>>)
      %run_scoped3A_183 = arith.constant 14 : i32
      "tpu.region"() ({
        %run_scoped3A_282 = tpu.sem_alloc : memref<!tpu.dma_semaphore, #tpu.memory_space<semaphore_mem>>
        %dma_start3A_283 = arith.constant 0 : i32
        %dma_start3A_284 = tpu.memref_slice %arg8[%run_scoped3A_183, %dma_start3A_283] : memref<16x128xi32, #tpu.memory_space<vmem>> -> memref<1x128xi32, #tpu.memory_space<vmem>>
        %dma_start3A_285 = tpu.memref_squeeze %dma_start3A_284 : memref<1x128xi32, #tpu.memory_space<vmem>> -> memref<128xi32, #tpu.memory_space<vmem>>
        %dma_start3A_286 = arith.constant 0 : i32
        %dma_start3A_287 = arith.constant 0 : i32
        %dma_start3A_288 = tpu.memref_slice %arg12[%dma_start3A_286, %dma_start3A_287] : memref<10112x128xf32, #tpu.memory_space<vmem_shared>> -> memref<10112x128xf32, #tpu.memory_space<vmem_shared>>
        tpu.enqueue_indirect_dma source(%arg10 : memref<128x128xf32, #tpu.memory_space<vmem>>) target(%dma_start3A_288 : memref<10112x128xf32, #tpu.memory_space<vmem_shared>>) offsets(%dma_start3A_285 : memref<128xi32, #tpu.memory_space<vmem>>) semaphore(%run_scoped3A_282 : memref<!tpu.dma_semaphore, #tpu.memory_space<semaphore_mem>>) {add = true}
        %dma_wait3A_289 = arith.constant 0 : i32
        %dma_wait3A_290 = tpu.memref_slice %arg8[%run_scoped3A_183, %dma_wait3A_289] : memref<16x128xi32, #tpu.memory_space<vmem>> -> memref<1x128xi32, #tpu.memory_space<vmem>>
        %dma_wait3A_291 = tpu.memref_squeeze %dma_wait3A_290 : memref<1x128xi32, #tpu.memory_space<vmem>> -> memref<128xi32, #tpu.memory_space<vmem>>
        %dma_wait3A_292 = arith.constant 0 : i32
        %dma_wait3A_293 = arith.constant 0 : i32
        %dma_wait3A_294 = tpu.memref_slice %arg12[%dma_wait3A_292, %dma_wait3A_293] : memref<10112x128xf32, #tpu.memory_space<vmem_shared>> -> memref<10112x128xf32, #tpu.memory_space<vmem_shared>>
        tpu.wait_indirect_dma semaphore(%run_scoped3A_282 : memref<!tpu.dma_semaphore, #tpu.memory_space<semaphore_mem>>) src(%arg10 : memref<128x128xf32, #tpu.memory_space<vmem>>) dst(%dma_wait3A_294 : memref<10112x128xf32, #tpu.memory_space<vmem_shared>>)
        tpu.yield
      }) : () -> ()
      %dma_start3A_184 = arith.constant 0 : i32
      %dma_start3A_185 = arith.constant 0 : i32
      %dma_start3A_186 = tpu.memref_slice %arg7[%dma_start3A_184, %dma_start3A_185] : memref<16x128xi32, #tpu.memory_space<vmem>> -> memref<1x128xi32, #tpu.memory_space<vmem>>
      %dma_start3A_187 = tpu.memref_squeeze %dma_start3A_186 : memref<1x128xi32, #tpu.memory_space<vmem>> -> memref<128xi32, #tpu.memory_space<vmem>>
      %dma_start3A_188 = arith.constant 0 : i32
      %dma_start3A_189 = arith.constant 0 : i32
      %dma_start3A_190 = tpu.memref_slice %arg2[%dma_start3A_188, %dma_start3A_189] : memref<10000x128xf32, #tpu.memory_space<hbm>> -> memref<10000x128xf32, #tpu.memory_space<hbm>>
      tpu.enqueue_indirect_dma source(%dma_start3A_190 : memref<10000x128xf32, #tpu.memory_space<hbm>>) target(%arg10 : memref<128x128xf32, #tpu.memory_space<vmem>>) offsets(%dma_start3A_187 : memref<128xi32, #tpu.memory_space<vmem>>) semaphore(%arg13 : memref<!tpu.dma_semaphore, #tpu.memory_space<semaphore_mem>>)
      %dma_wait3A_191 = arith.constant 15 : i32
      %dma_wait3A_192 = arith.constant 0 : i32
      %dma_wait3A_193 = tpu.memref_slice %arg6[%dma_wait3A_191, %dma_wait3A_192] : memref<16x128xi32, #tpu.memory_space<vmem>> -> memref<1x128xi32, #tpu.memory_space<vmem>>
      %dma_wait3A_194 = tpu.memref_squeeze %dma_wait3A_193 : memref<1x128xi32, #tpu.memory_space<vmem>> -> memref<128xi32, #tpu.memory_space<vmem>>
      %dma_wait3A_195 = arith.constant 0 : i32
      %dma_wait3A_196 = arith.constant 0 : i32
      %dma_wait3A_197 = tpu.memref_slice %arg2[%dma_wait3A_195, %dma_wait3A_196] : memref<10000x128xf32, #tpu.memory_space<hbm>> -> memref<10000x128xf32, #tpu.memory_space<hbm>>
      tpu.wait_indirect_dma semaphore(%arg14 : memref<!tpu.dma_semaphore, #tpu.memory_space<semaphore_mem>>) src(%dma_wait3A_197 : memref<10000x128xf32, #tpu.memory_space<hbm>>) dst(%arg11 : memref<128x128xf32, #tpu.memory_space<vmem>>)
      %run_scoped3A_198 = arith.constant 15 : i32
      "tpu.region"() ({
        %run_scoped3A_282 = tpu.sem_alloc : memref<!tpu.dma_semaphore, #tpu.memory_space<semaphore_mem>>
        %dma_start3A_283 = arith.constant 0 : i32
        %dma_start3A_284 = tpu.memref_slice %arg8[%run_scoped3A_198, %dma_start3A_283] : memref<16x128xi32, #tpu.memory_space<vmem>> -> memref<1x128xi32, #tpu.memory_space<vmem>>
        %dma_start3A_285 = tpu.memref_squeeze %dma_start3A_284 : memref<1x128xi32, #tpu.memory_space<vmem>> -> memref<128xi32, #tpu.memory_space<vmem>>
        %dma_start3A_286 = arith.constant 0 : i32
        %dma_start3A_287 = arith.constant 0 : i32
        %dma_start3A_288 = tpu.memref_slice %arg12[%dma_start3A_286, %dma_start3A_287] : memref<10112x128xf32, #tpu.memory_space<vmem_shared>> -> memref<10112x128xf32, #tpu.memory_space<vmem_shared>>
        tpu.enqueue_indirect_dma source(%arg11 : memref<128x128xf32, #tpu.memory_space<vmem>>) target(%dma_start3A_288 : memref<10112x128xf32, #tpu.memory_space<vmem_shared>>) offsets(%dma_start3A_285 : memref<128xi32, #tpu.memory_space<vmem>>) semaphore(%run_scoped3A_282 : memref<!tpu.dma_semaphore, #tpu.memory_space<semaphore_mem>>) {add = true}
        %dma_wait3A_289 = arith.constant 0 : i32
        %dma_wait3A_290 = tpu.memref_slice %arg8[%run_scoped3A_198, %dma_wait3A_289] : memref<16x128xi32, #tpu.memory_space<vmem>> -> memref<1x128xi32, #tpu.memory_space<vmem>>
        %dma_wait3A_291 = tpu.memref_squeeze %dma_wait3A_290 : memref<1x128xi32, #tpu.memory_space<vmem>> -> memref<128xi32, #tpu.memory_space<vmem>>
        %dma_wait3A_292 = arith.constant 0 : i32
        %dma_wait3A_293 = arith.constant 0 : i32
        %dma_wait3A_294 = tpu.memref_slice %arg12[%dma_wait3A_292, %dma_wait3A_293] : memref<10112x128xf32, #tpu.memory_space<vmem_shared>> -> memref<10112x128xf32, #tpu.memory_space<vmem_shared>>
        tpu.wait_indirect_dma semaphore(%run_scoped3A_282 : memref<!tpu.dma_semaphore, #tpu.memory_space<semaphore_mem>>) src(%arg11 : memref<128x128xf32, #tpu.memory_space<vmem>>) dst(%dma_wait3A_294 : memref<10112x128xf32, #tpu.memory_space<vmem_shared>>)
        tpu.yield
      }) : () -> ()
      %dma_start3A_199 = arith.constant 1 : i32
      %dma_start3A_200 = arith.constant 0 : i32
      %dma_start3A_201 = tpu.memref_slice %arg7[%dma_start3A_199, %dma_start3A_200] : memref<16x128xi32, #tpu.memory_space<vmem>> -> memref<1x128xi32, #tpu.memory_space<vmem>>
      %dma_start3A_202 = tpu.memref_squeeze %dma_start3A_201 : memref<1x128xi32, #tpu.memory_space<vmem>> -> memref<128xi32, #tpu.memory_space<vmem>>
      %dma_start3A_203 = arith.constant 0 : i32
      %dma_start3A_204 = arith.constant 0 : i32
      %dma_start3A_205 = tpu.memref_slice %arg2[%dma_start3A_203, %dma_start3A_204] : memref<10000x128xf32, #tpu.memory_space<hbm>> -> memref<10000x128xf32, #tpu.memory_space<hbm>>
      tpu.enqueue_indirect_dma source(%dma_start3A_205 : memref<10000x128xf32, #tpu.memory_space<hbm>>) target(%arg11 : memref<128x128xf32, #tpu.memory_space<vmem>>) offsets(%dma_start3A_202 : memref<128xi32, #tpu.memory_space<vmem>>) semaphore(%arg14 : memref<!tpu.dma_semaphore, #tpu.memory_space<semaphore_mem>>)
      %add3A_206 = arith.constant 64 : i32
      %add3A_207 = arith.addi %mul3A_32, %add3A_206 : i32
      %dma_start3A_208 = arith.constant 0 : i32
      %dma_start3A_209 = tpu.memref_slice %arg3[%add3A_207, %dma_start3A_208] : memref<2560x128xi32, #tpu.memory_space<hbm>> -> memref<16x128xi32, #tpu.memory_space<hbm>>
      %dma_start3A_210 = arith.constant 0 : i32
      %dma_start3A_211 = tpu.memref_slice %arg3[%add3A_207, %dma_start3A_210] : memref<2560x128xi32, #tpu.memory_space<hbm>> -> memref<16x128xi32, #tpu.memory_space<hbm>>
      tpu.enqueue_dma source(%dma_start3A_211 : memref<16x128xi32, #tpu.memory_space<hbm>>) target(%arg6 : memref<16x128xi32, #tpu.memory_space<vmem>>) target_semaphore(%arg15 : memref<!tpu.dma_semaphore, #tpu.memory_space<semaphore_mem>>)
      %dma_start3A_212 = arith.constant 0 : i32
      %dma_start3A_213 = tpu.memref_slice %arg4[%add3A_207, %dma_start3A_212] : memref<2560x128xi32, #tpu.memory_space<hbm>> -> memref<16x128xi32, #tpu.memory_space<hbm>>
      %dma_start3A_214 = arith.constant 0 : i32
      %dma_start3A_215 = tpu.memref_slice %arg4[%add3A_207, %dma_start3A_214] : memref<2560x128xi32, #tpu.memory_space<hbm>> -> memref<16x128xi32, #tpu.memory_space<hbm>>
      tpu.enqueue_dma source(%dma_start3A_215 : memref<16x128xi32, #tpu.memory_space<hbm>>) target(%arg8 : memref<16x128xi32, #tpu.memory_space<vmem>>) target_semaphore(%arg15 : memref<!tpu.dma_semaphore, #tpu.memory_space<semaphore_mem>>)
      %scan3A_216 = arith.constant 0 : i32
      %scan3A_217 = arith.constant 0 : i32
      %scan3A_218 = arith.constant 7 : i32
      %scan3A_219 = arith.addi %scan3A_217, %scan3A_218 : i32
      %scan3A_220 = arith.constant 1 : i32
      scf.for %scan3A_282 = %scan3A_217 to %scan3A_219 step %scan3A_220  : i32 {
        %mul3A_283 = arith.constant 2 : i32
        %mul3A_284 = arith.muli %mul3A_283, %scan3A_282 : i32
        %mul3A_285 = arith.constant 2 : i32
        %mul3A_286 = arith.muli %mul3A_285, %scan3A_282 : i32
        %add3A_287 = arith.constant 2 : i32
        %add3A_288 = arith.addi %mul3A_286, %add3A_287 : i32
        %dma_wait3A_289 = arith.constant 0 : i32
        %dma_wait3A_290 = tpu.memref_slice %arg7[%mul3A_284, %dma_wait3A_289] : memref<16x128xi32, #tpu.memory_space<vmem>> -> memref<1x128xi32, #tpu.memory_space<vmem>>
        %dma_wait3A_291 = tpu.memref_squeeze %dma_wait3A_290 : memref<1x128xi32, #tpu.memory_space<vmem>> -> memref<128xi32, #tpu.memory_space<vmem>>
        %dma_wait3A_292 = arith.constant 0 : i32
        %dma_wait3A_293 = arith.constant 0 : i32
        %dma_wait3A_294 = tpu.memref_slice %arg2[%dma_wait3A_292, %dma_wait3A_293] : memref<10000x128xf32, #tpu.memory_space<hbm>> -> memref<10000x128xf32, #tpu.memory_space<hbm>>
        tpu.wait_indirect_dma semaphore(%arg13 : memref<!tpu.dma_semaphore, #tpu.memory_space<semaphore_mem>>) src(%dma_wait3A_294 : memref<10000x128xf32, #tpu.memory_space<hbm>>) dst(%arg10 : memref<128x128xf32, #tpu.memory_space<vmem>>)
        "tpu.region"() ({
          %run_scoped3A_321 = tpu.sem_alloc : memref<!tpu.dma_semaphore, #tpu.memory_space<semaphore_mem>>
          %dma_start3A_322 = arith.constant 0 : i32
          %dma_start3A_323 = tpu.memref_slice %arg9[%mul3A_284, %dma_start3A_322] : memref<16x128xi32, #tpu.memory_space<vmem>> -> memref<1x128xi32, #tpu.memory_space<vmem>>
          %dma_start3A_324 = tpu.memref_squeeze %dma_start3A_323 : memref<1x128xi32, #tpu.memory_space<vmem>> -> memref<128xi32, #tpu.memory_space<vmem>>
          %dma_start3A_325 = arith.constant 0 : i32
          %dma_start3A_326 = arith.constant 0 : i32
          %dma_start3A_327 = tpu.memref_slice %arg12[%dma_start3A_325, %dma_start3A_326] : memref<10112x128xf32, #tpu.memory_space<vmem_shared>> -> memref<10112x128xf32, #tpu.memory_space<vmem_shared>>
          tpu.enqueue_indirect_dma source(%arg10 : memref<128x128xf32, #tpu.memory_space<vmem>>) target(%dma_start3A_327 : memref<10112x128xf32, #tpu.memory_space<vmem_shared>>) offsets(%dma_start3A_324 : memref<128xi32, #tpu.memory_space<vmem>>) semaphore(%run_scoped3A_321 : memref<!tpu.dma_semaphore, #tpu.memory_space<semaphore_mem>>) {add = true}
          %dma_wait3A_328 = arith.constant 0 : i32
          %dma_wait3A_329 = tpu.memref_slice %arg9[%mul3A_284, %dma_wait3A_328] : memref<16x128xi32, #tpu.memory_space<vmem>> -> memref<1x128xi32, #tpu.memory_space<vmem>>
          %dma_wait3A_330 = tpu.memref_squeeze %dma_wait3A_329 : memref<1x128xi32, #tpu.memory_space<vmem>> -> memref<128xi32, #tpu.memory_space<vmem>>
          %dma_wait3A_331 = arith.constant 0 : i32
          %dma_wait3A_332 = arith.constant 0 : i32
          %dma_wait3A_333 = tpu.memref_slice %arg12[%dma_wait3A_331, %dma_wait3A_332] : memref<10112x128xf32, #tpu.memory_space<vmem_shared>> -> memref<10112x128xf32, #tpu.memory_space<vmem_shared>>
          tpu.wait_indirect_dma semaphore(%run_scoped3A_321 : memref<!tpu.dma_semaphore, #tpu.memory_space<semaphore_mem>>) src(%arg10 : memref<128x128xf32, #tpu.memory_space<vmem>>) dst(%dma_wait3A_333 : memref<10112x128xf32, #tpu.memory_space<vmem_shared>>)
          tpu.yield
        }) : () -> ()
        %dma_start3A_295 = arith.constant 0 : i32
        %dma_start3A_296 = tpu.memref_slice %arg7[%add3A_288, %dma_start3A_295] : memref<16x128xi32, #tpu.memory_space<vmem>> -> memref<1x128xi32, #tpu.memory_space<vmem>>
        %dma_start3A_297 = tpu.memref_squeeze %dma_start3A_296 : memref<1x128xi32, #tpu.memory_space<vmem>> -> memref<128xi32, #tpu.memory_space<vmem>>
        %dma_start3A_298 = arith.constant 0 : i32
        %dma_start3A_299 = arith.constant 0 : i32
        %dma_start3A_300 = tpu.memref_slice %arg2[%dma_start3A_298, %dma_start3A_299] : memref<10000x128xf32, #tpu.memory_space<hbm>> -> memref<10000x128xf32, #tpu.memory_space<hbm>>
        tpu.enqueue_indirect_dma source(%dma_start3A_300 : memref<10000x128xf32, #tpu.memory_space<hbm>>) target(%arg10 : memref<128x128xf32, #tpu.memory_space<vmem>>) offsets(%dma_start3A_297 : memref<128xi32, #tpu.memory_space<vmem>>) semaphore(%arg13 : memref<!tpu.dma_semaphore, #tpu.memory_space<semaphore_mem>>)
        %mul3A_301 = arith.constant 2 : i32
        %mul3A_302 = arith.muli %mul3A_301, %scan3A_282 : i32
        %add3A_303 = arith.constant 1 : i32
        %add3A_304 = arith.addi %mul3A_302, %add3A_303 : i32
        %mul3A_305 = arith.constant 2 : i32
        %mul3A_306 = arith.muli %mul3A_305, %scan3A_282 : i32
        %add3A_307 = arith.constant 3 : i32
        %add3A_308 = arith.addi %mul3A_306, %add3A_307 : i32
        %dma_wait3A_309 = arith.constant 0 : i32
        %dma_wait3A_310 = tpu.memref_slice %arg7[%add3A_304, %dma_wait3A_309] : memref<16x128xi32, #tpu.memory_space<vmem>> -> memref<1x128xi32, #tpu.memory_space<vmem>>
        %dma_wait3A_311 = tpu.memref_squeeze %dma_wait3A_310 : memref<1x128xi32, #tpu.memory_space<vmem>> -> memref<128xi32, #tpu.memory_space<vmem>>
        %dma_wait3A_312 = arith.constant 0 : i32
        %dma_wait3A_313 = arith.constant 0 : i32
        %dma_wait3A_314 = tpu.memref_slice %arg2[%dma_wait3A_312, %dma_wait3A_313] : memref<10000x128xf32, #tpu.memory_space<hbm>> -> memref<10000x128xf32, #tpu.memory_space<hbm>>
        tpu.wait_indirect_dma semaphore(%arg14 : memref<!tpu.dma_semaphore, #tpu.memory_space<semaphore_mem>>) src(%dma_wait3A_314 : memref<10000x128xf32, #tpu.memory_space<hbm>>) dst(%arg11 : memref<128x128xf32, #tpu.memory_space<vmem>>)
        "tpu.region"() ({
          %run_scoped3A_321 = tpu.sem_alloc : memref<!tpu.dma_semaphore, #tpu.memory_space<semaphore_mem>>
          %dma_start3A_322 = arith.constant 0 : i32
          %dma_start3A_323 = tpu.memref_slice %arg9[%add3A_304, %dma_start3A_322] : memref<16x128xi32, #tpu.memory_space<vmem>> -> memref<1x128xi32, #tpu.memory_space<vmem>>
          %dma_start3A_324 = tpu.memref_squeeze %dma_start3A_323 : memref<1x128xi32, #tpu.memory_space<vmem>> -> memref<128xi32, #tpu.memory_space<vmem>>
          %dma_start3A_325 = arith.constant 0 : i32
          %dma_start3A_326 = arith.constant 0 : i32
          %dma_start3A_327 = tpu.memref_slice %arg12[%dma_start3A_325, %dma_start3A_326] : memref<10112x128xf32, #tpu.memory_space<vmem_shared>> -> memref<10112x128xf32, #tpu.memory_space<vmem_shared>>
          tpu.enqueue_indirect_dma source(%arg11 : memref<128x128xf32, #tpu.memory_space<vmem>>) target(%dma_start3A_327 : memref<10112x128xf32, #tpu.memory_space<vmem_shared>>) offsets(%dma_start3A_324 : memref<128xi32, #tpu.memory_space<vmem>>) semaphore(%run_scoped3A_321 : memref<!tpu.dma_semaphore, #tpu.memory_space<semaphore_mem>>) {add = true}
          %dma_wait3A_328 = arith.constant 0 : i32
          %dma_wait3A_329 = tpu.memref_slice %arg9[%add3A_304, %dma_wait3A_328] : memref<16x128xi32, #tpu.memory_space<vmem>> -> memref<1x128xi32, #tpu.memory_space<vmem>>
          %dma_wait3A_330 = tpu.memref_squeeze %dma_wait3A_329 : memref<1x128xi32, #tpu.memory_space<vmem>> -> memref<128xi32, #tpu.memory_space<vmem>>
          %dma_wait3A_331 = arith.constant 0 : i32
          %dma_wait3A_332 = arith.constant 0 : i32
          %dma_wait3A_333 = tpu.memref_slice %arg12[%dma_wait3A_331, %dma_wait3A_332] : memref<10112x128xf32, #tpu.memory_space<vmem_shared>> -> memref<10112x128xf32, #tpu.memory_space<vmem_shared>>
          tpu.wait_indirect_dma semaphore(%run_scoped3A_321 : memref<!tpu.dma_semaphore, #tpu.memory_space<semaphore_mem>>) src(%arg11 : memref<128x128xf32, #tpu.memory_space<vmem>>) dst(%dma_wait3A_333 : memref<10112x128xf32, #tpu.memory_space<vmem_shared>>)
          tpu.yield
        }) : () -> ()
        %dma_start3A_315 = arith.constant 0 : i32
        %dma_start3A_316 = tpu.memref_slice %arg7[%add3A_308, %dma_start3A_315] : memref<16x128xi32, #tpu.memory_space<vmem>> -> memref<1x128xi32, #tpu.memory_space<vmem>>
        %dma_start3A_317 = tpu.memref_squeeze %dma_start3A_316 : memref<1x128xi32, #tpu.memory_space<vmem>> -> memref<128xi32, #tpu.memory_space<vmem>>
        %dma_start3A_318 = arith.constant 0 : i32
        %dma_start3A_319 = arith.constant 0 : i32
        %dma_start3A_320 = tpu.memref_slice %arg2[%dma_start3A_318, %dma_start3A_319] : memref<10000x128xf32, #tpu.memory_space<hbm>> -> memref<10000x128xf32, #tpu.memory_space<hbm>>
        tpu.enqueue_indirect_dma source(%dma_start3A_320 : memref<10000x128xf32, #tpu.memory_space<hbm>>) target(%arg11 : memref<128x128xf32, #tpu.memory_space<vmem>>) offsets(%dma_start3A_317 : memref<128xi32, #tpu.memory_space<vmem>>) semaphore(%arg14 : memref<!tpu.dma_semaphore, #tpu.memory_space<semaphore_mem>>)
      }
      %scan3A_221 = arith.constant 7 : i32
      %dma_wait3A_222 = arith.constant 0 : i32
      %dma_wait3A_223 = tpu.memref_slice %arg3[%mul3A_32, %dma_wait3A_222] : memref<2560x128xi32, #tpu.memory_space<hbm>> -> memref<16x128xi32, #tpu.memory_space<hbm>>
      %dma_wait3A_224 = arith.constant 0 : i32
      %dma_wait3A_225 = tpu.memref_slice %arg3[%mul3A_32, %dma_wait3A_224] : memref<2560x128xi32, #tpu.memory_space<hbm>> -> memref<16x128xi32, #tpu.memory_space<hbm>>
      tpu.wait_dma2 semaphore(%arg15 : memref<!tpu.dma_semaphore, #tpu.memory_space<semaphore_mem>>) src(%dma_wait3A_225 : memref<16x128xi32, #tpu.memory_space<hbm>>) dst(%arg6 : memref<16x128xi32, #tpu.memory_space<vmem>>)
      %dma_wait3A_226 = arith.constant 0 : i32
      %dma_wait3A_227 = tpu.memref_slice %arg4[%mul3A_32, %dma_wait3A_226] : memref<2560x128xi32, #tpu.memory_space<hbm>> -> memref<16x128xi32, #tpu.memory_space<hbm>>
      %dma_wait3A_228 = arith.constant 0 : i32
      %dma_wait3A_229 = tpu.memref_slice %arg4[%mul3A_32, %dma_wait3A_228] : memref<2560x128xi32, #tpu.memory_space<hbm>> -> memref<16x128xi32, #tpu.memory_space<hbm>>
      tpu.wait_dma2 semaphore(%arg15 : memref<!tpu.dma_semaphore, #tpu.memory_space<semaphore_mem>>) src(%dma_wait3A_229 : memref<16x128xi32, #tpu.memory_space<hbm>>) dst(%arg8 : memref<16x128xi32, #tpu.memory_space<vmem>>)
      %dma_wait3A_230 = arith.constant 14 : i32
      %dma_wait3A_231 = arith.constant 0 : i32
      %dma_wait3A_232 = tpu.memref_slice %arg7[%dma_wait3A_230, %dma_wait3A_231] : memref<16x128xi32, #tpu.memory_space<vmem>> -> memref<1x128xi32, #tpu.memory_space<vmem>>
      %dma_wait3A_233 = tpu.memref_squeeze %dma_wait3A_232 : memref<1x128xi32, #tpu.memory_space<vmem>> -> memref<128xi32, #tpu.memory_space<vmem>>
      %dma_wait3A_234 = arith.constant 0 : i32
      %dma_wait3A_235 = arith.constant 0 : i32
      %dma_wait3A_236 = tpu.memref_slice %arg2[%dma_wait3A_234, %dma_wait3A_235] : memref<10000x128xf32, #tpu.memory_space<hbm>> -> memref<10000x128xf32, #tpu.memory_space<hbm>>
      tpu.wait_indirect_dma semaphore(%arg13 : memref<!tpu.dma_semaphore, #tpu.memory_space<semaphore_mem>>) src(%dma_wait3A_236 : memref<10000x128xf32, #tpu.memory_space<hbm>>) dst(%arg10 : memref<128x128xf32, #tpu.memory_space<vmem>>)
      %run_scoped3A_237 = arith.constant 14 : i32
      "tpu.region"() ({
        %run_scoped3A_282 = tpu.sem_alloc : memref<!tpu.dma_semaphore, #tpu.memory_space<semaphore_mem>>
        %dma_start3A_283 = arith.constant 0 : i32
        %dma_start3A_284 = tpu.memref_slice %arg9[%run_scoped3A_237, %dma_start3A_283] : memref<16x128xi32, #tpu.memory_space<vmem>> -> memref<1x128xi32, #tpu.memory_space<vmem>>
        %dma_start3A_285 = tpu.memref_squeeze %dma_start3A_284 : memref<1x128xi32, #tpu.memory_space<vmem>> -> memref<128xi32, #tpu.memory_space<vmem>>
        %dma_start3A_286 = arith.constant 0 : i32
        %dma_start3A_287 = arith.constant 0 : i32
        %dma_start3A_288 = tpu.memref_slice %arg12[%dma_start3A_286, %dma_start3A_287] : memref<10112x128xf32, #tpu.memory_space<vmem_shared>> -> memref<10112x128xf32, #tpu.memory_space<vmem_shared>>
        tpu.enqueue_indirect_dma source(%arg10 : memref<128x128xf32, #tpu.memory_space<vmem>>) target(%dma_start3A_288 : memref<10112x128xf32, #tpu.memory_space<vmem_shared>>) offsets(%dma_start3A_285 : memref<128xi32, #tpu.memory_space<vmem>>) semaphore(%run_scoped3A_282 : memref<!tpu.dma_semaphore, #tpu.memory_space<semaphore_mem>>) {add = true}
        %dma_wait3A_289 = arith.constant 0 : i32
        %dma_wait3A_290 = tpu.memref_slice %arg9[%run_scoped3A_237, %dma_wait3A_289] : memref<16x128xi32, #tpu.memory_space<vmem>> -> memref<1x128xi32, #tpu.memory_space<vmem>>
        %dma_wait3A_291 = tpu.memref_squeeze %dma_wait3A_290 : memref<1x128xi32, #tpu.memory_space<vmem>> -> memref<128xi32, #tpu.memory_space<vmem>>
        %dma_wait3A_292 = arith.constant 0 : i32
        %dma_wait3A_293 = arith.constant 0 : i32
        %dma_wait3A_294 = tpu.memref_slice %arg12[%dma_wait3A_292, %dma_wait3A_293] : memref<10112x128xf32, #tpu.memory_space<vmem_shared>> -> memref<10112x128xf32, #tpu.memory_space<vmem_shared>>
        tpu.wait_indirect_dma semaphore(%run_scoped3A_282 : memref<!tpu.dma_semaphore, #tpu.memory_space<semaphore_mem>>) src(%arg10 : memref<128x128xf32, #tpu.memory_space<vmem>>) dst(%dma_wait3A_294 : memref<10112x128xf32, #tpu.memory_space<vmem_shared>>)
        tpu.yield
      }) : () -> ()
      %dma_start3A_238 = arith.constant 0 : i32
      %dma_start3A_239 = arith.constant 0 : i32
      %dma_start3A_240 = tpu.memref_slice %arg6[%dma_start3A_238, %dma_start3A_239] : memref<16x128xi32, #tpu.memory_space<vmem>> -> memref<1x128xi32, #tpu.memory_space<vmem>>
      %dma_start3A_241 = tpu.memref_squeeze %dma_start3A_240 : memref<1x128xi32, #tpu.memory_space<vmem>> -> memref<128xi32, #tpu.memory_space<vmem>>
      %dma_start3A_242 = arith.constant 0 : i32
      %dma_start3A_243 = arith.constant 0 : i32
      %dma_start3A_244 = tpu.memref_slice %arg2[%dma_start3A_242, %dma_start3A_243] : memref<10000x128xf32, #tpu.memory_space<hbm>> -> memref<10000x128xf32, #tpu.memory_space<hbm>>
      tpu.enqueue_indirect_dma source(%dma_start3A_244 : memref<10000x128xf32, #tpu.memory_space<hbm>>) target(%arg10 : memref<128x128xf32, #tpu.memory_space<vmem>>) offsets(%dma_start3A_241 : memref<128xi32, #tpu.memory_space<vmem>>) semaphore(%arg13 : memref<!tpu.dma_semaphore, #tpu.memory_space<semaphore_mem>>)
      %dma_wait3A_245 = arith.constant 15 : i32
      %dma_wait3A_246 = arith.constant 0 : i32
      %dma_wait3A_247 = tpu.memref_slice %arg7[%dma_wait3A_245, %dma_wait3A_246] : memref<16x128xi32, #tpu.memory_space<vmem>> -> memref<1x128xi32, #tpu.memory_space<vmem>>
      %dma_wait3A_248 = tpu.memref_squeeze %dma_wait3A_247 : memref<1x128xi32, #tpu.memory_space<vmem>> -> memref<128xi32, #tpu.memory_space<vmem>>
      %dma_wait3A_249 = arith.constant 0 : i32
      %dma_wait3A_250 = arith.constant 0 : i32
      %dma_wait3A_251 = tpu.memref_slice %arg2[%dma_wait3A_249, %dma_wait3A_250] : memref<10000x128xf32, #tpu.memory_space<hbm>> -> memref<10000x128xf32, #tpu.memory_space<hbm>>
      tpu.wait_indirect_dma semaphore(%arg14 : memref<!tpu.dma_semaphore, #tpu.memory_space<semaphore_mem>>) src(%dma_wait3A_251 : memref<10000x128xf32, #tpu.memory_space<hbm>>) dst(%arg11 : memref<128x128xf32, #tpu.memory_space<vmem>>)
      %run_scoped3A_252 = arith.constant 15 : i32
      "tpu.region"() ({
        %run_scoped3A_282 = tpu.sem_alloc : memref<!tpu.dma_semaphore, #tpu.memory_space<semaphore_mem>>
        %dma_start3A_283 = arith.constant 0 : i32
        %dma_start3A_284 = tpu.memref_slice %arg9[%run_scoped3A_252, %dma_start3A_283] : memref<16x128xi32, #tpu.memory_space<vmem>> -> memref<1x128xi32, #tpu.memory_space<vmem>>
        %dma_start3A_285 = tpu.memref_squeeze %dma_start3A_284 : memref<1x128xi32, #tpu.memory_space<vmem>> -> memref<128xi32, #tpu.memory_space<vmem>>
        %dma_start3A_286 = arith.constant 0 : i32
        %dma_start3A_287 = arith.constant 0 : i32
        %dma_start3A_288 = tpu.memref_slice %arg12[%dma_start3A_286, %dma_start3A_287] : memref<10112x128xf32, #tpu.memory_space<vmem_shared>> -> memref<10112x128xf32, #tpu.memory_space<vmem_shared>>
        tpu.enqueue_indirect_dma source(%arg11 : memref<128x128xf32, #tpu.memory_space<vmem>>) target(%dma_start3A_288 : memref<10112x128xf32, #tpu.memory_space<vmem_shared>>) offsets(%dma_start3A_285 : memref<128xi32, #tpu.memory_space<vmem>>) semaphore(%run_scoped3A_282 : memref<!tpu.dma_semaphore, #tpu.memory_space<semaphore_mem>>) {add = true}
        %dma_wait3A_289 = arith.constant 0 : i32
        %dma_wait3A_290 = tpu.memref_slice %arg9[%run_scoped3A_252, %dma_wait3A_289] : memref<16x128xi32, #tpu.memory_space<vmem>> -> memref<1x128xi32, #tpu.memory_space<vmem>>
        %dma_wait3A_291 = tpu.memref_squeeze %dma_wait3A_290 : memref<1x128xi32, #tpu.memory_space<vmem>> -> memref<128xi32, #tpu.memory_space<vmem>>
        %dma_wait3A_292 = arith.constant 0 : i32
        %dma_wait3A_293 = arith.constant 0 : i32
        %dma_wait3A_294 = tpu.memref_slice %arg12[%dma_wait3A_292, %dma_wait3A_293] : memref<10112x128xf32, #tpu.memory_space<vmem_shared>> -> memref<10112x128xf32, #tpu.memory_space<vmem_shared>>
        tpu.wait_indirect_dma semaphore(%run_scoped3A_282 : memref<!tpu.dma_semaphore, #tpu.memory_space<semaphore_mem>>) src(%arg11 : memref<128x128xf32, #tpu.memory_space<vmem>>) dst(%dma_wait3A_294 : memref<10112x128xf32, #tpu.memory_space<vmem_shared>>)
        tpu.yield
      }) : () -> ()
      %dma_start3A_253 = arith.constant 1 : i32
      %dma_start3A_254 = arith.constant 0 : i32
      %dma_start3A_255 = tpu.memref_slice %arg6[%dma_start3A_253, %dma_start3A_254] : memref<16x128xi32, #tpu.memory_space<vmem>> -> memref<1x128xi32, #tpu.memory_space<vmem>>
      %dma_start3A_256 = tpu.memref_squeeze %dma_start3A_255 : memref<1x128xi32, #tpu.memory_space<vmem>> -> memref<128xi32, #tpu.memory_space<vmem>>
      %dma_start3A_257 = arith.constant 0 : i32
      %dma_start3A_258 = arith.constant 0 : i32
      %dma_start3A_259 = tpu.memref_slice %arg2[%dma_start3A_257, %dma_start3A_258] : memref<10000x128xf32, #tpu.memory_space<hbm>> -> memref<10000x128xf32, #tpu.memory_space<hbm>>
      tpu.enqueue_indirect_dma source(%dma_start3A_259 : memref<10000x128xf32, #tpu.memory_space<hbm>>) target(%arg11 : memref<128x128xf32, #tpu.memory_space<vmem>>) offsets(%dma_start3A_256 : memref<128xi32, #tpu.memory_space<vmem>>) semaphore(%arg14 : memref<!tpu.dma_semaphore, #tpu.memory_space<semaphore_mem>>)
      %scan3A_260 = arith.constant 0 : i32
      %scan3A_261 = arith.constant 0 : i32
      %scan3A_262 = arith.constant 7 : i32
      %scan3A_263 = arith.addi %scan3A_261, %scan3A_262 : i32
      %scan3A_264 = arith.constant 1 : i32
      scf.for %scan3A_282 = %scan3A_261 to %scan3A_263 step %scan3A_264  : i32 {
        %mul3A_283 = arith.constant 2 : i32
        %mul3A_284 = arith.muli %mul3A_283, %scan3A_282 : i32
        %mul3A_285 = arith.constant 2 : i32
        %mul3A_286 = arith.muli %mul3A_285, %scan3A_282 : i32
        %add3A_287 = arith.constant 2 : i32
        %add3A_288 = arith.addi %mul3A_286, %add3A_287 : i32
        %dma_wait3A_289 = arith.constant 0 : i32
        %dma_wait3A_290 = tpu.memref_slice %arg6[%mul3A_284, %dma_wait3A_289] : memref<16x128xi32, #tpu.memory_space<vmem>> -> memref<1x128xi32, #tpu.memory_space<vmem>>
        %dma_wait3A_291 = tpu.memref_squeeze %dma_wait3A_290 : memref<1x128xi32, #tpu.memory_space<vmem>> -> memref<128xi32, #tpu.memory_space<vmem>>
        %dma_wait3A_292 = arith.constant 0 : i32
        %dma_wait3A_293 = arith.constant 0 : i32
        %dma_wait3A_294 = tpu.memref_slice %arg2[%dma_wait3A_292, %dma_wait3A_293] : memref<10000x128xf32, #tpu.memory_space<hbm>> -> memref<10000x128xf32, #tpu.memory_space<hbm>>
        tpu.wait_indirect_dma semaphore(%arg13 : memref<!tpu.dma_semaphore, #tpu.memory_space<semaphore_mem>>) src(%dma_wait3A_294 : memref<10000x128xf32, #tpu.memory_space<hbm>>) dst(%arg10 : memref<128x128xf32, #tpu.memory_space<vmem>>)
        "tpu.region"() ({
          %run_scoped3A_321 = tpu.sem_alloc : memref<!tpu.dma_semaphore, #tpu.memory_space<semaphore_mem>>
          %dma_start3A_322 = arith.constant 0 : i32
          %dma_start3A_323 = tpu.memref_slice %arg8[%mul3A_284, %dma_start3A_322] : memref<16x128xi32, #tpu.memory_space<vmem>> -> memref<1x128xi32, #tpu.memory_space<vmem>>
          %dma_start3A_324 = tpu.memref_squeeze %dma_start3A_323 : memref<1x128xi32, #tpu.memory_space<vmem>> -> memref<128xi32, #tpu.memory_space<vmem>>
          %dma_start3A_325 = arith.constant 0 : i32
          %dma_start3A_326 = arith.constant 0 : i32
          %dma_start3A_327 = tpu.memref_slice %arg12[%dma_start3A_325, %dma_start3A_326] : memref<10112x128xf32, #tpu.memory_space<vmem_shared>> -> memref<10112x128xf32, #tpu.memory_space<vmem_shared>>
          tpu.enqueue_indirect_dma source(%arg10 : memref<128x128xf32, #tpu.memory_space<vmem>>) target(%dma_start3A_327 : memref<10112x128xf32, #tpu.memory_space<vmem_shared>>) offsets(%dma_start3A_324 : memref<128xi32, #tpu.memory_space<vmem>>) semaphore(%run_scoped3A_321 : memref<!tpu.dma_semaphore, #tpu.memory_space<semaphore_mem>>) {add = true}
          %dma_wait3A_328 = arith.constant 0 : i32
          %dma_wait3A_329 = tpu.memref_slice %arg8[%mul3A_284, %dma_wait3A_328] : memref<16x128xi32, #tpu.memory_space<vmem>> -> memref<1x128xi32, #tpu.memory_space<vmem>>
          %dma_wait3A_330 = tpu.memref_squeeze %dma_wait3A_329 : memref<1x128xi32, #tpu.memory_space<vmem>> -> memref<128xi32, #tpu.memory_space<vmem>>
          %dma_wait3A_331 = arith.constant 0 : i32
          %dma_wait3A_332 = arith.constant 0 : i32
          %dma_wait3A_333 = tpu.memref_slice %arg12[%dma_wait3A_331, %dma_wait3A_332] : memref<10112x128xf32, #tpu.memory_space<vmem_shared>> -> memref<10112x128xf32, #tpu.memory_space<vmem_shared>>
          tpu.wait_indirect_dma semaphore(%run_scoped3A_321 : memref<!tpu.dma_semaphore, #tpu.memory_space<semaphore_mem>>) src(%arg10 : memref<128x128xf32, #tpu.memory_space<vmem>>) dst(%dma_wait3A_333 : memref<10112x128xf32, #tpu.memory_space<vmem_shared>>)
          tpu.yield
        }) : () -> ()
        %dma_start3A_295 = arith.constant 0 : i32
        %dma_start3A_296 = tpu.memref_slice %arg6[%add3A_288, %dma_start3A_295] : memref<16x128xi32, #tpu.memory_space<vmem>> -> memref<1x128xi32, #tpu.memory_space<vmem>>
        %dma_start3A_297 = tpu.memref_squeeze %dma_start3A_296 : memref<1x128xi32, #tpu.memory_space<vmem>> -> memref<128xi32, #tpu.memory_space<vmem>>
        %dma_start3A_298 = arith.constant 0 : i32
        %dma_start3A_299 = arith.constant 0 : i32
        %dma_start3A_300 = tpu.memref_slice %arg2[%dma_start3A_298, %dma_start3A_299] : memref<10000x128xf32, #tpu.memory_space<hbm>> -> memref<10000x128xf32, #tpu.memory_space<hbm>>
        tpu.enqueue_indirect_dma source(%dma_start3A_300 : memref<10000x128xf32, #tpu.memory_space<hbm>>) target(%arg10 : memref<128x128xf32, #tpu.memory_space<vmem>>) offsets(%dma_start3A_297 : memref<128xi32, #tpu.memory_space<vmem>>) semaphore(%arg13 : memref<!tpu.dma_semaphore, #tpu.memory_space<semaphore_mem>>)
        %mul3A_301 = arith.constant 2 : i32
        %mul3A_302 = arith.muli %mul3A_301, %scan3A_282 : i32
        %add3A_303 = arith.constant 1 : i32
        %add3A_304 = arith.addi %mul3A_302, %add3A_303 : i32
        %mul3A_305 = arith.constant 2 : i32
        %mul3A_306 = arith.muli %mul3A_305, %scan3A_282 : i32
        %add3A_307 = arith.constant 3 : i32
        %add3A_308 = arith.addi %mul3A_306, %add3A_307 : i32
        %dma_wait3A_309 = arith.constant 0 : i32
        %dma_wait3A_310 = tpu.memref_slice %arg6[%add3A_304, %dma_wait3A_309] : memref<16x128xi32, #tpu.memory_space<vmem>> -> memref<1x128xi32, #tpu.memory_space<vmem>>
        %dma_wait3A_311 = tpu.memref_squeeze %dma_wait3A_310 : memref<1x128xi32, #tpu.memory_space<vmem>> -> memref<128xi32, #tpu.memory_space<vmem>>
        %dma_wait3A_312 = arith.constant 0 : i32
        %dma_wait3A_313 = arith.constant 0 : i32
        %dma_wait3A_314 = tpu.memref_slice %arg2[%dma_wait3A_312, %dma_wait3A_313] : memref<10000x128xf32, #tpu.memory_space<hbm>> -> memref<10000x128xf32, #tpu.memory_space<hbm>>
        tpu.wait_indirect_dma semaphore(%arg14 : memref<!tpu.dma_semaphore, #tpu.memory_space<semaphore_mem>>) src(%dma_wait3A_314 : memref<10000x128xf32, #tpu.memory_space<hbm>>) dst(%arg11 : memref<128x128xf32, #tpu.memory_space<vmem>>)
        "tpu.region"() ({
          %run_scoped3A_321 = tpu.sem_alloc : memref<!tpu.dma_semaphore, #tpu.memory_space<semaphore_mem>>
          %dma_start3A_322 = arith.constant 0 : i32
          %dma_start3A_323 = tpu.memref_slice %arg8[%add3A_304, %dma_start3A_322] : memref<16x128xi32, #tpu.memory_space<vmem>> -> memref<1x128xi32, #tpu.memory_space<vmem>>
          %dma_start3A_324 = tpu.memref_squeeze %dma_start3A_323 : memref<1x128xi32, #tpu.memory_space<vmem>> -> memref<128xi32, #tpu.memory_space<vmem>>
          %dma_start3A_325 = arith.constant 0 : i32
          %dma_start3A_326 = arith.constant 0 : i32
          %dma_start3A_327 = tpu.memref_slice %arg12[%dma_start3A_325, %dma_start3A_326] : memref<10112x128xf32, #tpu.memory_space<vmem_shared>> -> memref<10112x128xf32, #tpu.memory_space<vmem_shared>>
          tpu.enqueue_indirect_dma source(%arg11 : memref<128x128xf32, #tpu.memory_space<vmem>>) target(%dma_start3A_327 : memref<10112x128xf32, #tpu.memory_space<vmem_shared>>) offsets(%dma_start3A_324 : memref<128xi32, #tpu.memory_space<vmem>>) semaphore(%run_scoped3A_321 : memref<!tpu.dma_semaphore, #tpu.memory_space<semaphore_mem>>) {add = true}
          %dma_wait3A_328 = arith.constant 0 : i32
          %dma_wait3A_329 = tpu.memref_slice %arg8[%add3A_304, %dma_wait3A_328] : memref<16x128xi32, #tpu.memory_space<vmem>> -> memref<1x128xi32, #tpu.memory_space<vmem>>
          %dma_wait3A_330 = tpu.memref_squeeze %dma_wait3A_329 : memref<1x128xi32, #tpu.memory_space<vmem>> -> memref<128xi32, #tpu.memory_space<vmem>>
          %dma_wait3A_331 = arith.constant 0 : i32
          %dma_wait3A_332 = arith.constant 0 : i32
          %dma_wait3A_333 = tpu.memref_slice %arg12[%dma_wait3A_331, %dma_wait3A_332] : memref<10112x128xf32, #tpu.memory_space<vmem_shared>> -> memref<10112x128xf32, #tpu.memory_space<vmem_shared>>
          tpu.wait_indirect_dma semaphore(%run_scoped3A_321 : memref<!tpu.dma_semaphore, #tpu.memory_space<semaphore_mem>>) src(%arg11 : memref<128x128xf32, #tpu.memory_space<vmem>>) dst(%dma_wait3A_333 : memref<10112x128xf32, #tpu.memory_space<vmem_shared>>)
          tpu.yield
        }) : () -> ()
        %dma_start3A_315 = arith.constant 0 : i32
        %dma_start3A_316 = tpu.memref_slice %arg6[%add3A_308, %dma_start3A_315] : memref<16x128xi32, #tpu.memory_space<vmem>> -> memref<1x128xi32, #tpu.memory_space<vmem>>
        %dma_start3A_317 = tpu.memref_squeeze %dma_start3A_316 : memref<1x128xi32, #tpu.memory_space<vmem>> -> memref<128xi32, #tpu.memory_space<vmem>>
        %dma_start3A_318 = arith.constant 0 : i32
        %dma_start3A_319 = arith.constant 0 : i32
        %dma_start3A_320 = tpu.memref_slice %arg2[%dma_start3A_318, %dma_start3A_319] : memref<10000x128xf32, #tpu.memory_space<hbm>> -> memref<10000x128xf32, #tpu.memory_space<hbm>>
        tpu.enqueue_indirect_dma source(%dma_start3A_320 : memref<10000x128xf32, #tpu.memory_space<hbm>>) target(%arg11 : memref<128x128xf32, #tpu.memory_space<vmem>>) offsets(%dma_start3A_317 : memref<128xi32, #tpu.memory_space<vmem>>) semaphore(%arg14 : memref<!tpu.dma_semaphore, #tpu.memory_space<semaphore_mem>>)
      }
      %scan3A_265 = arith.constant 7 : i32
      %dma_wait3A_266 = arith.constant 14 : i32
      %dma_wait3A_267 = arith.constant 0 : i32
      %dma_wait3A_268 = tpu.memref_slice %arg6[%dma_wait3A_266, %dma_wait3A_267] : memref<16x128xi32, #tpu.memory_space<vmem>> -> memref<1x128xi32, #tpu.memory_space<vmem>>
      %dma_wait3A_269 = tpu.memref_squeeze %dma_wait3A_268 : memref<1x128xi32, #tpu.memory_space<vmem>> -> memref<128xi32, #tpu.memory_space<vmem>>
      %dma_wait3A_270 = arith.constant 0 : i32
      %dma_wait3A_271 = arith.constant 0 : i32
      %dma_wait3A_272 = tpu.memref_slice %arg2[%dma_wait3A_270, %dma_wait3A_271] : memref<10000x128xf32, #tpu.memory_space<hbm>> -> memref<10000x128xf32, #tpu.memory_space<hbm>>
      tpu.wait_indirect_dma semaphore(%arg13 : memref<!tpu.dma_semaphore, #tpu.memory_space<semaphore_mem>>) src(%dma_wait3A_272 : memref<10000x128xf32, #tpu.memory_space<hbm>>) dst(%arg10 : memref<128x128xf32, #tpu.memory_space<vmem>>)
      %run_scoped3A_273 = arith.constant 14 : i32
      "tpu.region"() ({
        %run_scoped3A_282 = tpu.sem_alloc : memref<!tpu.dma_semaphore, #tpu.memory_space<semaphore_mem>>
        %dma_start3A_283 = arith.constant 0 : i32
        %dma_start3A_284 = tpu.memref_slice %arg8[%run_scoped3A_273, %dma_start3A_283] : memref<16x128xi32, #tpu.memory_space<vmem>> -> memref<1x128xi32, #tpu.memory_space<vmem>>
        %dma_start3A_285 = tpu.memref_squeeze %dma_start3A_284 : memref<1x128xi32, #tpu.memory_space<vmem>> -> memref<128xi32, #tpu.memory_space<vmem>>
        %dma_start3A_286 = arith.constant 0 : i32
        %dma_start3A_287 = arith.constant 0 : i32
        %dma_start3A_288 = tpu.memref_slice %arg12[%dma_start3A_286, %dma_start3A_287] : memref<10112x128xf32, #tpu.memory_space<vmem_shared>> -> memref<10112x128xf32, #tpu.memory_space<vmem_shared>>
        tpu.enqueue_indirect_dma source(%arg10 : memref<128x128xf32, #tpu.memory_space<vmem>>) target(%dma_start3A_288 : memref<10112x128xf32, #tpu.memory_space<vmem_shared>>) offsets(%dma_start3A_285 : memref<128xi32, #tpu.memory_space<vmem>>) semaphore(%run_scoped3A_282 : memref<!tpu.dma_semaphore, #tpu.memory_space<semaphore_mem>>) {add = true}
        %dma_wait3A_289 = arith.constant 0 : i32
        %dma_wait3A_290 = tpu.memref_slice %arg8[%run_scoped3A_273, %dma_wait3A_289] : memref<16x128xi32, #tpu.memory_space<vmem>> -> memref<1x128xi32, #tpu.memory_space<vmem>>
        %dma_wait3A_291 = tpu.memref_squeeze %dma_wait3A_290 : memref<1x128xi32, #tpu.memory_space<vmem>> -> memref<128xi32, #tpu.memory_space<vmem>>
        %dma_wait3A_292 = arith.constant 0 : i32
        %dma_wait3A_293 = arith.constant 0 : i32
        %dma_wait3A_294 = tpu.memref_slice %arg12[%dma_wait3A_292, %dma_wait3A_293] : memref<10112x128xf32, #tpu.memory_space<vmem_shared>> -> memref<10112x128xf32, #tpu.memory_space<vmem_shared>>
        tpu.wait_indirect_dma semaphore(%run_scoped3A_282 : memref<!tpu.dma_semaphore, #tpu.memory_space<semaphore_mem>>) src(%arg10 : memref<128x128xf32, #tpu.memory_space<vmem>>) dst(%dma_wait3A_294 : memref<10112x128xf32, #tpu.memory_space<vmem_shared>>)
        tpu.yield
      }) : () -> ()
      %dma_wait3A_274 = arith.constant 15 : i32
      %dma_wait3A_275 = arith.constant 0 : i32
      %dma_wait3A_276 = tpu.memref_slice %arg6[%dma_wait3A_274, %dma_wait3A_275] : memref<16x128xi32, #tpu.memory_space<vmem>> -> memref<1x128xi32, #tpu.memory_space<vmem>>
      %dma_wait3A_277 = tpu.memref_squeeze %dma_wait3A_276 : memref<1x128xi32, #tpu.memory_space<vmem>> -> memref<128xi32, #tpu.memory_space<vmem>>
      %dma_wait3A_278 = arith.constant 0 : i32
      %dma_wait3A_279 = arith.constant 0 : i32
      %dma_wait3A_280 = tpu.memref_slice %arg2[%dma_wait3A_278, %dma_wait3A_279] : memref<10000x128xf32, #tpu.memory_space<hbm>> -> memref<10000x128xf32, #tpu.memory_space<hbm>>
      tpu.wait_indirect_dma semaphore(%arg14 : memref<!tpu.dma_semaphore, #tpu.memory_space<semaphore_mem>>) src(%dma_wait3A_280 : memref<10000x128xf32, #tpu.memory_space<hbm>>) dst(%arg11 : memref<128x128xf32, #tpu.memory_space<vmem>>)
      %run_scoped3A_281 = arith.constant 15 : i32
      "tpu.region"() ({
        %run_scoped3A_282 = tpu.sem_alloc : memref<!tpu.dma_semaphore, #tpu.memory_space<semaphore_mem>>
        %dma_start3A_283 = arith.constant 0 : i32
        %dma_start3A_284 = tpu.memref_slice %arg8[%run_scoped3A_281, %dma_start3A_283] : memref<16x128xi32, #tpu.memory_space<vmem>> -> memref<1x128xi32, #tpu.memory_space<vmem>>
        %dma_start3A_285 = tpu.memref_squeeze %dma_start3A_284 : memref<1x128xi32, #tpu.memory_space<vmem>> -> memref<128xi32, #tpu.memory_space<vmem>>
        %dma_start3A_286 = arith.constant 0 : i32
        %dma_start3A_287 = arith.constant 0 : i32
        %dma_start3A_288 = tpu.memref_slice %arg12[%dma_start3A_286, %dma_start3A_287] : memref<10112x128xf32, #tpu.memory_space<vmem_shared>> -> memref<10112x128xf32, #tpu.memory_space<vmem_shared>>
        tpu.enqueue_indirect_dma source(%arg11 : memref<128x128xf32, #tpu.memory_space<vmem>>) target(%dma_start3A_288 : memref<10112x128xf32, #tpu.memory_space<vmem_shared>>) offsets(%dma_start3A_285 : memref<128xi32, #tpu.memory_space<vmem>>) semaphore(%run_scoped3A_282 : memref<!tpu.dma_semaphore, #tpu.memory_space<semaphore_mem>>) {add = true}
        %dma_wait3A_289 = arith.constant 0 : i32
        %dma_wait3A_290 = tpu.memref_slice %arg8[%run_scoped3A_281, %dma_wait3A_289] : memref<16x128xi32, #tpu.memory_space<vmem>> -> memref<1x128xi32, #tpu.memory_space<vmem>>
        %dma_wait3A_291 = tpu.memref_squeeze %dma_wait3A_290 : memref<1x128xi32, #tpu.memory_space<vmem>> -> memref<128xi32, #tpu.memory_space<vmem>>
        %dma_wait3A_292 = arith.constant 0 : i32
        %dma_wait3A_293 = arith.constant 0 : i32
        %dma_wait3A_294 = tpu.memref_slice %arg12[%dma_wait3A_292, %dma_wait3A_293] : memref<10112x128xf32, #tpu.memory_space<vmem_shared>> -> memref<10112x128xf32, #tpu.memory_space<vmem_shared>>
        tpu.wait_indirect_dma semaphore(%run_scoped3A_282 : memref<!tpu.dma_semaphore, #tpu.memory_space<semaphore_mem>>) src(%arg11 : memref<128x128xf32, #tpu.memory_space<vmem>>) dst(%dma_wait3A_294 : memref<10112x128xf32, #tpu.memory_space<vmem_shared>>)
        tpu.yield
      }) : () -> ()
    } else {
    }
    %eq3A_18 = arith.constant 1 : i32
    %eq3A_19 = arith.cmpi eq, %arg0, %eq3A_18 : i32
    %convert_element_type3A_20 = arith.extui %eq3A_19 : i1 to i32
    %cond3A_21 = arith.constant 0 : i32
    %cond3A_22 = arith.cmpi ne, %convert_element_type3A_20, %cond3A_21 : i32
    scf.if %cond3A_22 {
      %mul3A_31 = arith.constant 80 : i32
      %mul3A_32 = arith.muli %arg1, %mul3A_31 : i32
      %add3A_33 = arith.constant 1280 : i32
      %add3A_34 = arith.addi %add3A_33, %mul3A_32 : i32
      "tpu.region"() ({
        %run_scoped3A_284 = tpu.sem_alloc : memref<!tpu.dma_semaphore, #tpu.memory_space<semaphore_mem>>
        %dma_start3A_285 = arith.constant 0 : i32
        %dma_start3A_286 = tpu.memref_slice %arg3[%add3A_34, %dma_start3A_285] : memref<2560x128xi32, #tpu.memory_space<hbm>> -> memref<16x128xi32, #tpu.memory_space<hbm>>
        %dma_start3A_287 = arith.constant 0 : i32
        %dma_start3A_288 = tpu.memref_slice %arg3[%add3A_34, %dma_start3A_287] : memref<2560x128xi32, #tpu.memory_space<hbm>> -> memref<16x128xi32, #tpu.memory_space<hbm>>
        tpu.enqueue_dma source(%dma_start3A_288 : memref<16x128xi32, #tpu.memory_space<hbm>>) target(%arg6 : memref<16x128xi32, #tpu.memory_space<vmem>>) target_semaphore(%run_scoped3A_284 : memref<!tpu.dma_semaphore, #tpu.memory_space<semaphore_mem>>)
        %dma_wait3A_289 = arith.constant 0 : i32
        %dma_wait3A_290 = tpu.memref_slice %arg3[%add3A_34, %dma_wait3A_289] : memref<2560x128xi32, #tpu.memory_space<hbm>> -> memref<16x128xi32, #tpu.memory_space<hbm>>
        %dma_wait3A_291 = arith.constant 0 : i32
        %dma_wait3A_292 = tpu.memref_slice %arg3[%add3A_34, %dma_wait3A_291] : memref<2560x128xi32, #tpu.memory_space<hbm>> -> memref<16x128xi32, #tpu.memory_space<hbm>>
        tpu.wait_dma2 semaphore(%run_scoped3A_284 : memref<!tpu.dma_semaphore, #tpu.memory_space<semaphore_mem>>) src(%dma_wait3A_292 : memref<16x128xi32, #tpu.memory_space<hbm>>) dst(%arg6 : memref<16x128xi32, #tpu.memory_space<vmem>>)
        tpu.yield
      }) : () -> ()
      "tpu.region"() ({
        %run_scoped3A_284 = tpu.sem_alloc : memref<!tpu.dma_semaphore, #tpu.memory_space<semaphore_mem>>
        %dma_start3A_285 = arith.constant 0 : i32
        %dma_start3A_286 = tpu.memref_slice %arg4[%add3A_34, %dma_start3A_285] : memref<2560x128xi32, #tpu.memory_space<hbm>> -> memref<16x128xi32, #tpu.memory_space<hbm>>
        %dma_start3A_287 = arith.constant 0 : i32
        %dma_start3A_288 = tpu.memref_slice %arg4[%add3A_34, %dma_start3A_287] : memref<2560x128xi32, #tpu.memory_space<hbm>> -> memref<16x128xi32, #tpu.memory_space<hbm>>
        tpu.enqueue_dma source(%dma_start3A_288 : memref<16x128xi32, #tpu.memory_space<hbm>>) target(%arg8 : memref<16x128xi32, #tpu.memory_space<vmem>>) target_semaphore(%run_scoped3A_284 : memref<!tpu.dma_semaphore, #tpu.memory_space<semaphore_mem>>)
        %dma_wait3A_289 = arith.constant 0 : i32
        %dma_wait3A_290 = tpu.memref_slice %arg4[%add3A_34, %dma_wait3A_289] : memref<2560x128xi32, #tpu.memory_space<hbm>> -> memref<16x128xi32, #tpu.memory_space<hbm>>
        %dma_wait3A_291 = arith.constant 0 : i32
        %dma_wait3A_292 = tpu.memref_slice %arg4[%add3A_34, %dma_wait3A_291] : memref<2560x128xi32, #tpu.memory_space<hbm>> -> memref<16x128xi32, #tpu.memory_space<hbm>>
        tpu.wait_dma2 semaphore(%run_scoped3A_284 : memref<!tpu.dma_semaphore, #tpu.memory_space<semaphore_mem>>) src(%dma_wait3A_292 : memref<16x128xi32, #tpu.memory_space<hbm>>) dst(%arg8 : memref<16x128xi32, #tpu.memory_space<vmem>>)
        tpu.yield
      }) : () -> ()
      %dma_start3A = arith.constant 0 : i32
      %dma_start3A_35 = arith.constant 0 : i32
      %dma_start3A_36 = tpu.memref_slice %arg6[%dma_start3A, %dma_start3A_35] : memref<16x128xi32, #tpu.memory_space<vmem>> -> memref<1x128xi32, #tpu.memory_space<vmem>>
      %dma_start3A_37 = tpu.memref_squeeze %dma_start3A_36 : memref<1x128xi32, #tpu.memory_space<vmem>> -> memref<128xi32, #tpu.memory_space<vmem>>
      %dma_start3A_38 = arith.constant 0 : i32
      %dma_start3A_39 = arith.constant 0 : i32
      %dma_start3A_40 = tpu.memref_slice %arg2[%dma_start3A_38, %dma_start3A_39] : memref<10000x128xf32, #tpu.memory_space<hbm>> -> memref<10000x128xf32, #tpu.memory_space<hbm>>
      tpu.enqueue_indirect_dma source(%dma_start3A_40 : memref<10000x128xf32, #tpu.memory_space<hbm>>) target(%arg10 : memref<128x128xf32, #tpu.memory_space<vmem>>) offsets(%dma_start3A_37 : memref<128xi32, #tpu.memory_space<vmem>>) semaphore(%arg13 : memref<!tpu.dma_semaphore, #tpu.memory_space<semaphore_mem>>)
      %dma_start3A_41 = arith.constant 1 : i32
      %dma_start3A_42 = arith.constant 0 : i32
      %dma_start3A_43 = tpu.memref_slice %arg6[%dma_start3A_41, %dma_start3A_42] : memref<16x128xi32, #tpu.memory_space<vmem>> -> memref<1x128xi32, #tpu.memory_space<vmem>>
      %dma_start3A_44 = tpu.memref_squeeze %dma_start3A_43 : memref<1x128xi32, #tpu.memory_space<vmem>> -> memref<128xi32, #tpu.memory_space<vmem>>
      %dma_start3A_45 = arith.constant 0 : i32
      %dma_start3A_46 = arith.constant 0 : i32
      %dma_start3A_47 = tpu.memref_slice %arg2[%dma_start3A_45, %dma_start3A_46] : memref<10000x128xf32, #tpu.memory_space<hbm>> -> memref<10000x128xf32, #tpu.memory_space<hbm>>
      tpu.enqueue_indirect_dma source(%dma_start3A_47 : memref<10000x128xf32, #tpu.memory_space<hbm>>) target(%arg11 : memref<128x128xf32, #tpu.memory_space<vmem>>) offsets(%dma_start3A_44 : memref<128xi32, #tpu.memory_space<vmem>>) semaphore(%arg14 : memref<!tpu.dma_semaphore, #tpu.memory_space<semaphore_mem>>)
      %add3A_48 = arith.constant 16 : i32
      %add3A_49 = arith.addi %add3A_34, %add3A_48 : i32
      %dma_start3A_50 = arith.constant 0 : i32
      %dma_start3A_51 = tpu.memref_slice %arg3[%add3A_49, %dma_start3A_50] : memref<2560x128xi32, #tpu.memory_space<hbm>> -> memref<16x128xi32, #tpu.memory_space<hbm>>
      %dma_start3A_52 = arith.constant 0 : i32
      %dma_start3A_53 = tpu.memref_slice %arg3[%add3A_49, %dma_start3A_52] : memref<2560x128xi32, #tpu.memory_space<hbm>> -> memref<16x128xi32, #tpu.memory_space<hbm>>
      tpu.enqueue_dma source(%dma_start3A_53 : memref<16x128xi32, #tpu.memory_space<hbm>>) target(%arg7 : memref<16x128xi32, #tpu.memory_space<vmem>>) target_semaphore(%arg15 : memref<!tpu.dma_semaphore, #tpu.memory_space<semaphore_mem>>)
      %dma_start3A_54 = arith.constant 0 : i32
      %dma_start3A_55 = tpu.memref_slice %arg4[%add3A_49, %dma_start3A_54] : memref<2560x128xi32, #tpu.memory_space<hbm>> -> memref<16x128xi32, #tpu.memory_space<hbm>>
      %dma_start3A_56 = arith.constant 0 : i32
      %dma_start3A_57 = tpu.memref_slice %arg4[%add3A_49, %dma_start3A_56] : memref<2560x128xi32, #tpu.memory_space<hbm>> -> memref<16x128xi32, #tpu.memory_space<hbm>>
      tpu.enqueue_dma source(%dma_start3A_57 : memref<16x128xi32, #tpu.memory_space<hbm>>) target(%arg9 : memref<16x128xi32, #tpu.memory_space<vmem>>) target_semaphore(%arg15 : memref<!tpu.dma_semaphore, #tpu.memory_space<semaphore_mem>>)
      %scan3A_58 = arith.constant 0 : i32
      %scan3A_59 = arith.constant 0 : i32
      %scan3A_60 = arith.constant 7 : i32
      %scan3A_61 = arith.addi %scan3A_59, %scan3A_60 : i32
      %scan3A_62 = arith.constant 1 : i32
      scf.for %scan3A_284 = %scan3A_59 to %scan3A_61 step %scan3A_62  : i32 {
        %mul3A_285 = arith.constant 2 : i32
        %mul3A_286 = arith.muli %mul3A_285, %scan3A_284 : i32
        %mul3A_287 = arith.constant 2 : i32
        %mul3A_288 = arith.muli %mul3A_287, %scan3A_284 : i32
        %add3A_289 = arith.constant 2 : i32
        %add3A_290 = arith.addi %mul3A_288, %add3A_289 : i32
        %dma_wait3A_291 = arith.constant 0 : i32
        %dma_wait3A_292 = tpu.memref_slice %arg6[%mul3A_286, %dma_wait3A_291] : memref<16x128xi32, #tpu.memory_space<vmem>> -> memref<1x128xi32, #tpu.memory_space<vmem>>
        %dma_wait3A_293 = tpu.memref_squeeze %dma_wait3A_292 : memref<1x128xi32, #tpu.memory_space<vmem>> -> memref<128xi32, #tpu.memory_space<vmem>>
        %dma_wait3A_294 = arith.constant 0 : i32
        %dma_wait3A_295 = arith.constant 0 : i32
        %dma_wait3A_296 = tpu.memref_slice %arg2[%dma_wait3A_294, %dma_wait3A_295] : memref<10000x128xf32, #tpu.memory_space<hbm>> -> memref<10000x128xf32, #tpu.memory_space<hbm>>
        tpu.wait_indirect_dma semaphore(%arg13 : memref<!tpu.dma_semaphore, #tpu.memory_space<semaphore_mem>>) src(%dma_wait3A_296 : memref<10000x128xf32, #tpu.memory_space<hbm>>) dst(%arg10 : memref<128x128xf32, #tpu.memory_space<vmem>>)
        "tpu.region"() ({
          %run_scoped3A_323 = tpu.sem_alloc : memref<!tpu.dma_semaphore, #tpu.memory_space<semaphore_mem>>
          %dma_start3A_324 = arith.constant 0 : i32
          %dma_start3A_325 = tpu.memref_slice %arg8[%mul3A_286, %dma_start3A_324] : memref<16x128xi32, #tpu.memory_space<vmem>> -> memref<1x128xi32, #tpu.memory_space<vmem>>
          %dma_start3A_326 = tpu.memref_squeeze %dma_start3A_325 : memref<1x128xi32, #tpu.memory_space<vmem>> -> memref<128xi32, #tpu.memory_space<vmem>>
          %dma_start3A_327 = arith.constant 0 : i32
          %dma_start3A_328 = arith.constant 0 : i32
          %dma_start3A_329 = tpu.memref_slice %arg12[%dma_start3A_327, %dma_start3A_328] : memref<10112x128xf32, #tpu.memory_space<vmem_shared>> -> memref<10112x128xf32, #tpu.memory_space<vmem_shared>>
          tpu.enqueue_indirect_dma source(%arg10 : memref<128x128xf32, #tpu.memory_space<vmem>>) target(%dma_start3A_329 : memref<10112x128xf32, #tpu.memory_space<vmem_shared>>) offsets(%dma_start3A_326 : memref<128xi32, #tpu.memory_space<vmem>>) semaphore(%run_scoped3A_323 : memref<!tpu.dma_semaphore, #tpu.memory_space<semaphore_mem>>) {add = true}
          %dma_wait3A_330 = arith.constant 0 : i32
          %dma_wait3A_331 = tpu.memref_slice %arg8[%mul3A_286, %dma_wait3A_330] : memref<16x128xi32, #tpu.memory_space<vmem>> -> memref<1x128xi32, #tpu.memory_space<vmem>>
          %dma_wait3A_332 = tpu.memref_squeeze %dma_wait3A_331 : memref<1x128xi32, #tpu.memory_space<vmem>> -> memref<128xi32, #tpu.memory_space<vmem>>
          %dma_wait3A_333 = arith.constant 0 : i32
          %dma_wait3A_334 = arith.constant 0 : i32
          %dma_wait3A_335 = tpu.memref_slice %arg12[%dma_wait3A_333, %dma_wait3A_334] : memref<10112x128xf32, #tpu.memory_space<vmem_shared>> -> memref<10112x128xf32, #tpu.memory_space<vmem_shared>>
          tpu.wait_indirect_dma semaphore(%run_scoped3A_323 : memref<!tpu.dma_semaphore, #tpu.memory_space<semaphore_mem>>) src(%arg10 : memref<128x128xf32, #tpu.memory_space<vmem>>) dst(%dma_wait3A_335 : memref<10112x128xf32, #tpu.memory_space<vmem_shared>>)
          tpu.yield
        }) : () -> ()
        %dma_start3A_297 = arith.constant 0 : i32
        %dma_start3A_298 = tpu.memref_slice %arg6[%add3A_290, %dma_start3A_297] : memref<16x128xi32, #tpu.memory_space<vmem>> -> memref<1x128xi32, #tpu.memory_space<vmem>>
        %dma_start3A_299 = tpu.memref_squeeze %dma_start3A_298 : memref<1x128xi32, #tpu.memory_space<vmem>> -> memref<128xi32, #tpu.memory_space<vmem>>
        %dma_start3A_300 = arith.constant 0 : i32
        %dma_start3A_301 = arith.constant 0 : i32
        %dma_start3A_302 = tpu.memref_slice %arg2[%dma_start3A_300, %dma_start3A_301] : memref<10000x128xf32, #tpu.memory_space<hbm>> -> memref<10000x128xf32, #tpu.memory_space<hbm>>
        tpu.enqueue_indirect_dma source(%dma_start3A_302 : memref<10000x128xf32, #tpu.memory_space<hbm>>) target(%arg10 : memref<128x128xf32, #tpu.memory_space<vmem>>) offsets(%dma_start3A_299 : memref<128xi32, #tpu.memory_space<vmem>>) semaphore(%arg13 : memref<!tpu.dma_semaphore, #tpu.memory_space<semaphore_mem>>)
        %mul3A_303 = arith.constant 2 : i32
        %mul3A_304 = arith.muli %mul3A_303, %scan3A_284 : i32
        %add3A_305 = arith.constant 1 : i32
        %add3A_306 = arith.addi %mul3A_304, %add3A_305 : i32
        %mul3A_307 = arith.constant 2 : i32
        %mul3A_308 = arith.muli %mul3A_307, %scan3A_284 : i32
        %add3A_309 = arith.constant 3 : i32
        %add3A_310 = arith.addi %mul3A_308, %add3A_309 : i32
        %dma_wait3A_311 = arith.constant 0 : i32
        %dma_wait3A_312 = tpu.memref_slice %arg6[%add3A_306, %dma_wait3A_311] : memref<16x128xi32, #tpu.memory_space<vmem>> -> memref<1x128xi32, #tpu.memory_space<vmem>>
        %dma_wait3A_313 = tpu.memref_squeeze %dma_wait3A_312 : memref<1x128xi32, #tpu.memory_space<vmem>> -> memref<128xi32, #tpu.memory_space<vmem>>
        %dma_wait3A_314 = arith.constant 0 : i32
        %dma_wait3A_315 = arith.constant 0 : i32
        %dma_wait3A_316 = tpu.memref_slice %arg2[%dma_wait3A_314, %dma_wait3A_315] : memref<10000x128xf32, #tpu.memory_space<hbm>> -> memref<10000x128xf32, #tpu.memory_space<hbm>>
        tpu.wait_indirect_dma semaphore(%arg14 : memref<!tpu.dma_semaphore, #tpu.memory_space<semaphore_mem>>) src(%dma_wait3A_316 : memref<10000x128xf32, #tpu.memory_space<hbm>>) dst(%arg11 : memref<128x128xf32, #tpu.memory_space<vmem>>)
        "tpu.region"() ({
          %run_scoped3A_323 = tpu.sem_alloc : memref<!tpu.dma_semaphore, #tpu.memory_space<semaphore_mem>>
          %dma_start3A_324 = arith.constant 0 : i32
          %dma_start3A_325 = tpu.memref_slice %arg8[%add3A_306, %dma_start3A_324] : memref<16x128xi32, #tpu.memory_space<vmem>> -> memref<1x128xi32, #tpu.memory_space<vmem>>
          %dma_start3A_326 = tpu.memref_squeeze %dma_start3A_325 : memref<1x128xi32, #tpu.memory_space<vmem>> -> memref<128xi32, #tpu.memory_space<vmem>>
          %dma_start3A_327 = arith.constant 0 : i32
          %dma_start3A_328 = arith.constant 0 : i32
          %dma_start3A_329 = tpu.memref_slice %arg12[%dma_start3A_327, %dma_start3A_328] : memref<10112x128xf32, #tpu.memory_space<vmem_shared>> -> memref<10112x128xf32, #tpu.memory_space<vmem_shared>>
          tpu.enqueue_indirect_dma source(%arg11 : memref<128x128xf32, #tpu.memory_space<vmem>>) target(%dma_start3A_329 : memref<10112x128xf32, #tpu.memory_space<vmem_shared>>) offsets(%dma_start3A_326 : memref<128xi32, #tpu.memory_space<vmem>>) semaphore(%run_scoped3A_323 : memref<!tpu.dma_semaphore, #tpu.memory_space<semaphore_mem>>) {add = true}
          %dma_wait3A_330 = arith.constant 0 : i32
          %dma_wait3A_331 = tpu.memref_slice %arg8[%add3A_306, %dma_wait3A_330] : memref<16x128xi32, #tpu.memory_space<vmem>> -> memref<1x128xi32, #tpu.memory_space<vmem>>
          %dma_wait3A_332 = tpu.memref_squeeze %dma_wait3A_331 : memref<1x128xi32, #tpu.memory_space<vmem>> -> memref<128xi32, #tpu.memory_space<vmem>>
          %dma_wait3A_333 = arith.constant 0 : i32
          %dma_wait3A_334 = arith.constant 0 : i32
          %dma_wait3A_335 = tpu.memref_slice %arg12[%dma_wait3A_333, %dma_wait3A_334] : memref<10112x128xf32, #tpu.memory_space<vmem_shared>> -> memref<10112x128xf32, #tpu.memory_space<vmem_shared>>
          tpu.wait_indirect_dma semaphore(%run_scoped3A_323 : memref<!tpu.dma_semaphore, #tpu.memory_space<semaphore_mem>>) src(%arg11 : memref<128x128xf32, #tpu.memory_space<vmem>>) dst(%dma_wait3A_335 : memref<10112x128xf32, #tpu.memory_space<vmem_shared>>)
          tpu.yield
        }) : () -> ()
        %dma_start3A_317 = arith.constant 0 : i32
        %dma_start3A_318 = tpu.memref_slice %arg6[%add3A_310, %dma_start3A_317] : memref<16x128xi32, #tpu.memory_space<vmem>> -> memref<1x128xi32, #tpu.memory_space<vmem>>
        %dma_start3A_319 = tpu.memref_squeeze %dma_start3A_318 : memref<1x128xi32, #tpu.memory_space<vmem>> -> memref<128xi32, #tpu.memory_space<vmem>>
        %dma_start3A_320 = arith.constant 0 : i32
        %dma_start3A_321 = arith.constant 0 : i32
        %dma_start3A_322 = tpu.memref_slice %arg2[%dma_start3A_320, %dma_start3A_321] : memref<10000x128xf32, #tpu.memory_space<hbm>> -> memref<10000x128xf32, #tpu.memory_space<hbm>>
        tpu.enqueue_indirect_dma source(%dma_start3A_322 : memref<10000x128xf32, #tpu.memory_space<hbm>>) target(%arg11 : memref<128x128xf32, #tpu.memory_space<vmem>>) offsets(%dma_start3A_319 : memref<128xi32, #tpu.memory_space<vmem>>) semaphore(%arg14 : memref<!tpu.dma_semaphore, #tpu.memory_space<semaphore_mem>>)
      }
      %scan3A_63 = arith.constant 7 : i32
      %dma_wait3A = arith.constant 0 : i32
      %dma_wait3A_64 = tpu.memref_slice %arg3[%add3A_34, %dma_wait3A] : memref<2560x128xi32, #tpu.memory_space<hbm>> -> memref<16x128xi32, #tpu.memory_space<hbm>>
      %dma_wait3A_65 = arith.constant 0 : i32
      %dma_wait3A_66 = tpu.memref_slice %arg3[%add3A_34, %dma_wait3A_65] : memref<2560x128xi32, #tpu.memory_space<hbm>> -> memref<16x128xi32, #tpu.memory_space<hbm>>
      tpu.wait_dma2 semaphore(%arg15 : memref<!tpu.dma_semaphore, #tpu.memory_space<semaphore_mem>>) src(%dma_wait3A_66 : memref<16x128xi32, #tpu.memory_space<hbm>>) dst(%arg7 : memref<16x128xi32, #tpu.memory_space<vmem>>)
      %dma_wait3A_67 = arith.constant 0 : i32
      %dma_wait3A_68 = tpu.memref_slice %arg4[%add3A_34, %dma_wait3A_67] : memref<2560x128xi32, #tpu.memory_space<hbm>> -> memref<16x128xi32, #tpu.memory_space<hbm>>
      %dma_wait3A_69 = arith.constant 0 : i32
      %dma_wait3A_70 = tpu.memref_slice %arg4[%add3A_34, %dma_wait3A_69] : memref<2560x128xi32, #tpu.memory_space<hbm>> -> memref<16x128xi32, #tpu.memory_space<hbm>>
      tpu.wait_dma2 semaphore(%arg15 : memref<!tpu.dma_semaphore, #tpu.memory_space<semaphore_mem>>) src(%dma_wait3A_70 : memref<16x128xi32, #tpu.memory_space<hbm>>) dst(%arg9 : memref<16x128xi32, #tpu.memory_space<vmem>>)
      %dma_wait3A_71 = arith.constant 14 : i32
      %dma_wait3A_72 = arith.constant 0 : i32
      %dma_wait3A_73 = tpu.memref_slice %arg6[%dma_wait3A_71, %dma_wait3A_72] : memref<16x128xi32, #tpu.memory_space<vmem>> -> memref<1x128xi32, #tpu.memory_space<vmem>>
      %dma_wait3A_74 = tpu.memref_squeeze %dma_wait3A_73 : memref<1x128xi32, #tpu.memory_space<vmem>> -> memref<128xi32, #tpu.memory_space<vmem>>
      %dma_wait3A_75 = arith.constant 0 : i32
      %dma_wait3A_76 = arith.constant 0 : i32
      %dma_wait3A_77 = tpu.memref_slice %arg2[%dma_wait3A_75, %dma_wait3A_76] : memref<10000x128xf32, #tpu.memory_space<hbm>> -> memref<10000x128xf32, #tpu.memory_space<hbm>>
      tpu.wait_indirect_dma semaphore(%arg13 : memref<!tpu.dma_semaphore, #tpu.memory_space<semaphore_mem>>) src(%dma_wait3A_77 : memref<10000x128xf32, #tpu.memory_space<hbm>>) dst(%arg10 : memref<128x128xf32, #tpu.memory_space<vmem>>)
      %run_scoped3A = arith.constant 14 : i32
      "tpu.region"() ({
        %run_scoped3A_284 = tpu.sem_alloc : memref<!tpu.dma_semaphore, #tpu.memory_space<semaphore_mem>>
        %dma_start3A_285 = arith.constant 0 : i32
        %dma_start3A_286 = tpu.memref_slice %arg8[%run_scoped3A, %dma_start3A_285] : memref<16x128xi32, #tpu.memory_space<vmem>> -> memref<1x128xi32, #tpu.memory_space<vmem>>
        %dma_start3A_287 = tpu.memref_squeeze %dma_start3A_286 : memref<1x128xi32, #tpu.memory_space<vmem>> -> memref<128xi32, #tpu.memory_space<vmem>>
        %dma_start3A_288 = arith.constant 0 : i32
        %dma_start3A_289 = arith.constant 0 : i32
        %dma_start3A_290 = tpu.memref_slice %arg12[%dma_start3A_288, %dma_start3A_289] : memref<10112x128xf32, #tpu.memory_space<vmem_shared>> -> memref<10112x128xf32, #tpu.memory_space<vmem_shared>>
        tpu.enqueue_indirect_dma source(%arg10 : memref<128x128xf32, #tpu.memory_space<vmem>>) target(%dma_start3A_290 : memref<10112x128xf32, #tpu.memory_space<vmem_shared>>) offsets(%dma_start3A_287 : memref<128xi32, #tpu.memory_space<vmem>>) semaphore(%run_scoped3A_284 : memref<!tpu.dma_semaphore, #tpu.memory_space<semaphore_mem>>) {add = true}
        %dma_wait3A_291 = arith.constant 0 : i32
        %dma_wait3A_292 = tpu.memref_slice %arg8[%run_scoped3A, %dma_wait3A_291] : memref<16x128xi32, #tpu.memory_space<vmem>> -> memref<1x128xi32, #tpu.memory_space<vmem>>
        %dma_wait3A_293 = tpu.memref_squeeze %dma_wait3A_292 : memref<1x128xi32, #tpu.memory_space<vmem>> -> memref<128xi32, #tpu.memory_space<vmem>>
        %dma_wait3A_294 = arith.constant 0 : i32
        %dma_wait3A_295 = arith.constant 0 : i32
        %dma_wait3A_296 = tpu.memref_slice %arg12[%dma_wait3A_294, %dma_wait3A_295] : memref<10112x128xf32, #tpu.memory_space<vmem_shared>> -> memref<10112x128xf32, #tpu.memory_space<vmem_shared>>
        tpu.wait_indirect_dma semaphore(%run_scoped3A_284 : memref<!tpu.dma_semaphore, #tpu.memory_space<semaphore_mem>>) src(%arg10 : memref<128x128xf32, #tpu.memory_space<vmem>>) dst(%dma_wait3A_296 : memref<10112x128xf32, #tpu.memory_space<vmem_shared>>)
        tpu.yield
      }) : () -> ()
      %dma_start3A_78 = arith.constant 0 : i32
      %dma_start3A_79 = arith.constant 0 : i32
      %dma_start3A_80 = tpu.memref_slice %arg7[%dma_start3A_78, %dma_start3A_79] : memref<16x128xi32, #tpu.memory_space<vmem>> -> memref<1x128xi32, #tpu.memory_space<vmem>>
      %dma_start3A_81 = tpu.memref_squeeze %dma_start3A_80 : memref<1x128xi32, #tpu.memory_space<vmem>> -> memref<128xi32, #tpu.memory_space<vmem>>
      %dma_start3A_82 = arith.constant 0 : i32
      %dma_start3A_83 = arith.constant 0 : i32
      %dma_start3A_84 = tpu.memref_slice %arg2[%dma_start3A_82, %dma_start3A_83] : memref<10000x128xf32, #tpu.memory_space<hbm>> -> memref<10000x128xf32, #tpu.memory_space<hbm>>
      tpu.enqueue_indirect_dma source(%dma_start3A_84 : memref<10000x128xf32, #tpu.memory_space<hbm>>) target(%arg10 : memref<128x128xf32, #tpu.memory_space<vmem>>) offsets(%dma_start3A_81 : memref<128xi32, #tpu.memory_space<vmem>>) semaphore(%arg13 : memref<!tpu.dma_semaphore, #tpu.memory_space<semaphore_mem>>)
      %dma_wait3A_85 = arith.constant 15 : i32
      %dma_wait3A_86 = arith.constant 0 : i32
      %dma_wait3A_87 = tpu.memref_slice %arg6[%dma_wait3A_85, %dma_wait3A_86] : memref<16x128xi32, #tpu.memory_space<vmem>> -> memref<1x128xi32, #tpu.memory_space<vmem>>
      %dma_wait3A_88 = tpu.memref_squeeze %dma_wait3A_87 : memref<1x128xi32, #tpu.memory_space<vmem>> -> memref<128xi32, #tpu.memory_space<vmem>>
      %dma_wait3A_89 = arith.constant 0 : i32
      %dma_wait3A_90 = arith.constant 0 : i32
      %dma_wait3A_91 = tpu.memref_slice %arg2[%dma_wait3A_89, %dma_wait3A_90] : memref<10000x128xf32, #tpu.memory_space<hbm>> -> memref<10000x128xf32, #tpu.memory_space<hbm>>
      tpu.wait_indirect_dma semaphore(%arg14 : memref<!tpu.dma_semaphore, #tpu.memory_space<semaphore_mem>>) src(%dma_wait3A_91 : memref<10000x128xf32, #tpu.memory_space<hbm>>) dst(%arg11 : memref<128x128xf32, #tpu.memory_space<vmem>>)
      %run_scoped3A_92 = arith.constant 15 : i32
      "tpu.region"() ({
        %run_scoped3A_284 = tpu.sem_alloc : memref<!tpu.dma_semaphore, #tpu.memory_space<semaphore_mem>>
        %dma_start3A_285 = arith.constant 0 : i32
        %dma_start3A_286 = tpu.memref_slice %arg8[%run_scoped3A_92, %dma_start3A_285] : memref<16x128xi32, #tpu.memory_space<vmem>> -> memref<1x128xi32, #tpu.memory_space<vmem>>
        %dma_start3A_287 = tpu.memref_squeeze %dma_start3A_286 : memref<1x128xi32, #tpu.memory_space<vmem>> -> memref<128xi32, #tpu.memory_space<vmem>>
        %dma_start3A_288 = arith.constant 0 : i32
        %dma_start3A_289 = arith.constant 0 : i32
        %dma_start3A_290 = tpu.memref_slice %arg12[%dma_start3A_288, %dma_start3A_289] : memref<10112x128xf32, #tpu.memory_space<vmem_shared>> -> memref<10112x128xf32, #tpu.memory_space<vmem_shared>>
        tpu.enqueue_indirect_dma source(%arg11 : memref<128x128xf32, #tpu.memory_space<vmem>>) target(%dma_start3A_290 : memref<10112x128xf32, #tpu.memory_space<vmem_shared>>) offsets(%dma_start3A_287 : memref<128xi32, #tpu.memory_space<vmem>>) semaphore(%run_scoped3A_284 : memref<!tpu.dma_semaphore, #tpu.memory_space<semaphore_mem>>) {add = true}
        %dma_wait3A_291 = arith.constant 0 : i32
        %dma_wait3A_292 = tpu.memref_slice %arg8[%run_scoped3A_92, %dma_wait3A_291] : memref<16x128xi32, #tpu.memory_space<vmem>> -> memref<1x128xi32, #tpu.memory_space<vmem>>
        %dma_wait3A_293 = tpu.memref_squeeze %dma_wait3A_292 : memref<1x128xi32, #tpu.memory_space<vmem>> -> memref<128xi32, #tpu.memory_space<vmem>>
        %dma_wait3A_294 = arith.constant 0 : i32
        %dma_wait3A_295 = arith.constant 0 : i32
        %dma_wait3A_296 = tpu.memref_slice %arg12[%dma_wait3A_294, %dma_wait3A_295] : memref<10112x128xf32, #tpu.memory_space<vmem_shared>> -> memref<10112x128xf32, #tpu.memory_space<vmem_shared>>
        tpu.wait_indirect_dma semaphore(%run_scoped3A_284 : memref<!tpu.dma_semaphore, #tpu.memory_space<semaphore_mem>>) src(%arg11 : memref<128x128xf32, #tpu.memory_space<vmem>>) dst(%dma_wait3A_296 : memref<10112x128xf32, #tpu.memory_space<vmem_shared>>)
        tpu.yield
      }) : () -> ()
      %dma_start3A_93 = arith.constant 1 : i32
      %dma_start3A_94 = arith.constant 0 : i32
      %dma_start3A_95 = tpu.memref_slice %arg7[%dma_start3A_93, %dma_start3A_94] : memref<16x128xi32, #tpu.memory_space<vmem>> -> memref<1x128xi32, #tpu.memory_space<vmem>>
      %dma_start3A_96 = tpu.memref_squeeze %dma_start3A_95 : memref<1x128xi32, #tpu.memory_space<vmem>> -> memref<128xi32, #tpu.memory_space<vmem>>
      %dma_start3A_97 = arith.constant 0 : i32
      %dma_start3A_98 = arith.constant 0 : i32
      %dma_start3A_99 = tpu.memref_slice %arg2[%dma_start3A_97, %dma_start3A_98] : memref<10000x128xf32, #tpu.memory_space<hbm>> -> memref<10000x128xf32, #tpu.memory_space<hbm>>
      tpu.enqueue_indirect_dma source(%dma_start3A_99 : memref<10000x128xf32, #tpu.memory_space<hbm>>) target(%arg11 : memref<128x128xf32, #tpu.memory_space<vmem>>) offsets(%dma_start3A_96 : memref<128xi32, #tpu.memory_space<vmem>>) semaphore(%arg14 : memref<!tpu.dma_semaphore, #tpu.memory_space<semaphore_mem>>)
      %add3A_100 = arith.constant 32 : i32
      %add3A_101 = arith.addi %add3A_34, %add3A_100 : i32
      %dma_start3A_102 = arith.constant 0 : i32
      %dma_start3A_103 = tpu.memref_slice %arg3[%add3A_101, %dma_start3A_102] : memref<2560x128xi32, #tpu.memory_space<hbm>> -> memref<16x128xi32, #tpu.memory_space<hbm>>
      %dma_start3A_104 = arith.constant 0 : i32
      %dma_start3A_105 = tpu.memref_slice %arg3[%add3A_101, %dma_start3A_104] : memref<2560x128xi32, #tpu.memory_space<hbm>> -> memref<16x128xi32, #tpu.memory_space<hbm>>
      tpu.enqueue_dma source(%dma_start3A_105 : memref<16x128xi32, #tpu.memory_space<hbm>>) target(%arg6 : memref<16x128xi32, #tpu.memory_space<vmem>>) target_semaphore(%arg15 : memref<!tpu.dma_semaphore, #tpu.memory_space<semaphore_mem>>)
      %dma_start3A_106 = arith.constant 0 : i32
      %dma_start3A_107 = tpu.memref_slice %arg4[%add3A_101, %dma_start3A_106] : memref<2560x128xi32, #tpu.memory_space<hbm>> -> memref<16x128xi32, #tpu.memory_space<hbm>>
      %dma_start3A_108 = arith.constant 0 : i32
      %dma_start3A_109 = tpu.memref_slice %arg4[%add3A_101, %dma_start3A_108] : memref<2560x128xi32, #tpu.memory_space<hbm>> -> memref<16x128xi32, #tpu.memory_space<hbm>>
      tpu.enqueue_dma source(%dma_start3A_109 : memref<16x128xi32, #tpu.memory_space<hbm>>) target(%arg8 : memref<16x128xi32, #tpu.memory_space<vmem>>) target_semaphore(%arg15 : memref<!tpu.dma_semaphore, #tpu.memory_space<semaphore_mem>>)
      %scan3A_110 = arith.constant 0 : i32
      %scan3A_111 = arith.constant 0 : i32
      %scan3A_112 = arith.constant 7 : i32
      %scan3A_113 = arith.addi %scan3A_111, %scan3A_112 : i32
      %scan3A_114 = arith.constant 1 : i32
      scf.for %scan3A_284 = %scan3A_111 to %scan3A_113 step %scan3A_114  : i32 {
        %mul3A_285 = arith.constant 2 : i32
        %mul3A_286 = arith.muli %mul3A_285, %scan3A_284 : i32
        %mul3A_287 = arith.constant 2 : i32
        %mul3A_288 = arith.muli %mul3A_287, %scan3A_284 : i32
        %add3A_289 = arith.constant 2 : i32
        %add3A_290 = arith.addi %mul3A_288, %add3A_289 : i32
        %dma_wait3A_291 = arith.constant 0 : i32
        %dma_wait3A_292 = tpu.memref_slice %arg7[%mul3A_286, %dma_wait3A_291] : memref<16x128xi32, #tpu.memory_space<vmem>> -> memref<1x128xi32, #tpu.memory_space<vmem>>
        %dma_wait3A_293 = tpu.memref_squeeze %dma_wait3A_292 : memref<1x128xi32, #tpu.memory_space<vmem>> -> memref<128xi32, #tpu.memory_space<vmem>>
        %dma_wait3A_294 = arith.constant 0 : i32
        %dma_wait3A_295 = arith.constant 0 : i32
        %dma_wait3A_296 = tpu.memref_slice %arg2[%dma_wait3A_294, %dma_wait3A_295] : memref<10000x128xf32, #tpu.memory_space<hbm>> -> memref<10000x128xf32, #tpu.memory_space<hbm>>
        tpu.wait_indirect_dma semaphore(%arg13 : memref<!tpu.dma_semaphore, #tpu.memory_space<semaphore_mem>>) src(%dma_wait3A_296 : memref<10000x128xf32, #tpu.memory_space<hbm>>) dst(%arg10 : memref<128x128xf32, #tpu.memory_space<vmem>>)
        "tpu.region"() ({
          %run_scoped3A_323 = tpu.sem_alloc : memref<!tpu.dma_semaphore, #tpu.memory_space<semaphore_mem>>
          %dma_start3A_324 = arith.constant 0 : i32
          %dma_start3A_325 = tpu.memref_slice %arg9[%mul3A_286, %dma_start3A_324] : memref<16x128xi32, #tpu.memory_space<vmem>> -> memref<1x128xi32, #tpu.memory_space<vmem>>
          %dma_start3A_326 = tpu.memref_squeeze %dma_start3A_325 : memref<1x128xi32, #tpu.memory_space<vmem>> -> memref<128xi32, #tpu.memory_space<vmem>>
          %dma_start3A_327 = arith.constant 0 : i32
          %dma_start3A_328 = arith.constant 0 : i32
          %dma_start3A_329 = tpu.memref_slice %arg12[%dma_start3A_327, %dma_start3A_328] : memref<10112x128xf32, #tpu.memory_space<vmem_shared>> -> memref<10112x128xf32, #tpu.memory_space<vmem_shared>>
          tpu.enqueue_indirect_dma source(%arg10 : memref<128x128xf32, #tpu.memory_space<vmem>>) target(%dma_start3A_329 : memref<10112x128xf32, #tpu.memory_space<vmem_shared>>) offsets(%dma_start3A_326 : memref<128xi32, #tpu.memory_space<vmem>>) semaphore(%run_scoped3A_323 : memref<!tpu.dma_semaphore, #tpu.memory_space<semaphore_mem>>) {add = true}
          %dma_wait3A_330 = arith.constant 0 : i32
          %dma_wait3A_331 = tpu.memref_slice %arg9[%mul3A_286, %dma_wait3A_330] : memref<16x128xi32, #tpu.memory_space<vmem>> -> memref<1x128xi32, #tpu.memory_space<vmem>>
          %dma_wait3A_332 = tpu.memref_squeeze %dma_wait3A_331 : memref<1x128xi32, #tpu.memory_space<vmem>> -> memref<128xi32, #tpu.memory_space<vmem>>
          %dma_wait3A_333 = arith.constant 0 : i32
          %dma_wait3A_334 = arith.constant 0 : i32
          %dma_wait3A_335 = tpu.memref_slice %arg12[%dma_wait3A_333, %dma_wait3A_334] : memref<10112x128xf32, #tpu.memory_space<vmem_shared>> -> memref<10112x128xf32, #tpu.memory_space<vmem_shared>>
          tpu.wait_indirect_dma semaphore(%run_scoped3A_323 : memref<!tpu.dma_semaphore, #tpu.memory_space<semaphore_mem>>) src(%arg10 : memref<128x128xf32, #tpu.memory_space<vmem>>) dst(%dma_wait3A_335 : memref<10112x128xf32, #tpu.memory_space<vmem_shared>>)
          tpu.yield
        }) : () -> ()
        %dma_start3A_297 = arith.constant 0 : i32
        %dma_start3A_298 = tpu.memref_slice %arg7[%add3A_290, %dma_start3A_297] : memref<16x128xi32, #tpu.memory_space<vmem>> -> memref<1x128xi32, #tpu.memory_space<vmem>>
        %dma_start3A_299 = tpu.memref_squeeze %dma_start3A_298 : memref<1x128xi32, #tpu.memory_space<vmem>> -> memref<128xi32, #tpu.memory_space<vmem>>
        %dma_start3A_300 = arith.constant 0 : i32
        %dma_start3A_301 = arith.constant 0 : i32
        %dma_start3A_302 = tpu.memref_slice %arg2[%dma_start3A_300, %dma_start3A_301] : memref<10000x128xf32, #tpu.memory_space<hbm>> -> memref<10000x128xf32, #tpu.memory_space<hbm>>
        tpu.enqueue_indirect_dma source(%dma_start3A_302 : memref<10000x128xf32, #tpu.memory_space<hbm>>) target(%arg10 : memref<128x128xf32, #tpu.memory_space<vmem>>) offsets(%dma_start3A_299 : memref<128xi32, #tpu.memory_space<vmem>>) semaphore(%arg13 : memref<!tpu.dma_semaphore, #tpu.memory_space<semaphore_mem>>)
        %mul3A_303 = arith.constant 2 : i32
        %mul3A_304 = arith.muli %mul3A_303, %scan3A_284 : i32
        %add3A_305 = arith.constant 1 : i32
        %add3A_306 = arith.addi %mul3A_304, %add3A_305 : i32
        %mul3A_307 = arith.constant 2 : i32
        %mul3A_308 = arith.muli %mul3A_307, %scan3A_284 : i32
        %add3A_309 = arith.constant 3 : i32
        %add3A_310 = arith.addi %mul3A_308, %add3A_309 : i32
        %dma_wait3A_311 = arith.constant 0 : i32
        %dma_wait3A_312 = tpu.memref_slice %arg7[%add3A_306, %dma_wait3A_311] : memref<16x128xi32, #tpu.memory_space<vmem>> -> memref<1x128xi32, #tpu.memory_space<vmem>>
        %dma_wait3A_313 = tpu.memref_squeeze %dma_wait3A_312 : memref<1x128xi32, #tpu.memory_space<vmem>> -> memref<128xi32, #tpu.memory_space<vmem>>
        %dma_wait3A_314 = arith.constant 0 : i32
        %dma_wait3A_315 = arith.constant 0 : i32
        %dma_wait3A_316 = tpu.memref_slice %arg2[%dma_wait3A_314, %dma_wait3A_315] : memref<10000x128xf32, #tpu.memory_space<hbm>> -> memref<10000x128xf32, #tpu.memory_space<hbm>>
        tpu.wait_indirect_dma semaphore(%arg14 : memref<!tpu.dma_semaphore, #tpu.memory_space<semaphore_mem>>) src(%dma_wait3A_316 : memref<10000x128xf32, #tpu.memory_space<hbm>>) dst(%arg11 : memref<128x128xf32, #tpu.memory_space<vmem>>)
        "tpu.region"() ({
          %run_scoped3A_323 = tpu.sem_alloc : memref<!tpu.dma_semaphore, #tpu.memory_space<semaphore_mem>>
          %dma_start3A_324 = arith.constant 0 : i32
          %dma_start3A_325 = tpu.memref_slice %arg9[%add3A_306, %dma_start3A_324] : memref<16x128xi32, #tpu.memory_space<vmem>> -> memref<1x128xi32, #tpu.memory_space<vmem>>
          %dma_start3A_326 = tpu.memref_squeeze %dma_start3A_325 : memref<1x128xi32, #tpu.memory_space<vmem>> -> memref<128xi32, #tpu.memory_space<vmem>>
          %dma_start3A_327 = arith.constant 0 : i32
          %dma_start3A_328 = arith.constant 0 : i32
          %dma_start3A_329 = tpu.memref_slice %arg12[%dma_start3A_327, %dma_start3A_328] : memref<10112x128xf32, #tpu.memory_space<vmem_shared>> -> memref<10112x128xf32, #tpu.memory_space<vmem_shared>>
          tpu.enqueue_indirect_dma source(%arg11 : memref<128x128xf32, #tpu.memory_space<vmem>>) target(%dma_start3A_329 : memref<10112x128xf32, #tpu.memory_space<vmem_shared>>) offsets(%dma_start3A_326 : memref<128xi32, #tpu.memory_space<vmem>>) semaphore(%run_scoped3A_323 : memref<!tpu.dma_semaphore, #tpu.memory_space<semaphore_mem>>) {add = true}
          %dma_wait3A_330 = arith.constant 0 : i32
          %dma_wait3A_331 = tpu.memref_slice %arg9[%add3A_306, %dma_wait3A_330] : memref<16x128xi32, #tpu.memory_space<vmem>> -> memref<1x128xi32, #tpu.memory_space<vmem>>
          %dma_wait3A_332 = tpu.memref_squeeze %dma_wait3A_331 : memref<1x128xi32, #tpu.memory_space<vmem>> -> memref<128xi32, #tpu.memory_space<vmem>>
          %dma_wait3A_333 = arith.constant 0 : i32
          %dma_wait3A_334 = arith.constant 0 : i32
          %dma_wait3A_335 = tpu.memref_slice %arg12[%dma_wait3A_333, %dma_wait3A_334] : memref<10112x128xf32, #tpu.memory_space<vmem_shared>> -> memref<10112x128xf32, #tpu.memory_space<vmem_shared>>
          tpu.wait_indirect_dma semaphore(%run_scoped3A_323 : memref<!tpu.dma_semaphore, #tpu.memory_space<semaphore_mem>>) src(%arg11 : memref<128x128xf32, #tpu.memory_space<vmem>>) dst(%dma_wait3A_335 : memref<10112x128xf32, #tpu.memory_space<vmem_shared>>)
          tpu.yield
        }) : () -> ()
        %dma_start3A_317 = arith.constant 0 : i32
        %dma_start3A_318 = tpu.memref_slice %arg7[%add3A_310, %dma_start3A_317] : memref<16x128xi32, #tpu.memory_space<vmem>> -> memref<1x128xi32, #tpu.memory_space<vmem>>
        %dma_start3A_319 = tpu.memref_squeeze %dma_start3A_318 : memref<1x128xi32, #tpu.memory_space<vmem>> -> memref<128xi32, #tpu.memory_space<vmem>>
        %dma_start3A_320 = arith.constant 0 : i32
        %dma_start3A_321 = arith.constant 0 : i32
        %dma_start3A_322 = tpu.memref_slice %arg2[%dma_start3A_320, %dma_start3A_321] : memref<10000x128xf32, #tpu.memory_space<hbm>> -> memref<10000x128xf32, #tpu.memory_space<hbm>>
        tpu.enqueue_indirect_dma source(%dma_start3A_322 : memref<10000x128xf32, #tpu.memory_space<hbm>>) target(%arg11 : memref<128x128xf32, #tpu.memory_space<vmem>>) offsets(%dma_start3A_319 : memref<128xi32, #tpu.memory_space<vmem>>) semaphore(%arg14 : memref<!tpu.dma_semaphore, #tpu.memory_space<semaphore_mem>>)
      }
      %scan3A_115 = arith.constant 7 : i32
      %dma_wait3A_116 = arith.constant 0 : i32
      %dma_wait3A_117 = tpu.memref_slice %arg3[%add3A_34, %dma_wait3A_116] : memref<2560x128xi32, #tpu.memory_space<hbm>> -> memref<16x128xi32, #tpu.memory_space<hbm>>
      %dma_wait3A_118 = arith.constant 0 : i32
      %dma_wait3A_119 = tpu.memref_slice %arg3[%add3A_34, %dma_wait3A_118] : memref<2560x128xi32, #tpu.memory_space<hbm>> -> memref<16x128xi32, #tpu.memory_space<hbm>>
      tpu.wait_dma2 semaphore(%arg15 : memref<!tpu.dma_semaphore, #tpu.memory_space<semaphore_mem>>) src(%dma_wait3A_119 : memref<16x128xi32, #tpu.memory_space<hbm>>) dst(%arg6 : memref<16x128xi32, #tpu.memory_space<vmem>>)
      %dma_wait3A_120 = arith.constant 0 : i32
      %dma_wait3A_121 = tpu.memref_slice %arg4[%add3A_34, %dma_wait3A_120] : memref<2560x128xi32, #tpu.memory_space<hbm>> -> memref<16x128xi32, #tpu.memory_space<hbm>>
      %dma_wait3A_122 = arith.constant 0 : i32
      %dma_wait3A_123 = tpu.memref_slice %arg4[%add3A_34, %dma_wait3A_122] : memref<2560x128xi32, #tpu.memory_space<hbm>> -> memref<16x128xi32, #tpu.memory_space<hbm>>
      tpu.wait_dma2 semaphore(%arg15 : memref<!tpu.dma_semaphore, #tpu.memory_space<semaphore_mem>>) src(%dma_wait3A_123 : memref<16x128xi32, #tpu.memory_space<hbm>>) dst(%arg8 : memref<16x128xi32, #tpu.memory_space<vmem>>)
      %dma_wait3A_124 = arith.constant 14 : i32
      %dma_wait3A_125 = arith.constant 0 : i32
      %dma_wait3A_126 = tpu.memref_slice %arg7[%dma_wait3A_124, %dma_wait3A_125] : memref<16x128xi32, #tpu.memory_space<vmem>> -> memref<1x128xi32, #tpu.memory_space<vmem>>
      %dma_wait3A_127 = tpu.memref_squeeze %dma_wait3A_126 : memref<1x128xi32, #tpu.memory_space<vmem>> -> memref<128xi32, #tpu.memory_space<vmem>>
      %dma_wait3A_128 = arith.constant 0 : i32
      %dma_wait3A_129 = arith.constant 0 : i32
      %dma_wait3A_130 = tpu.memref_slice %arg2[%dma_wait3A_128, %dma_wait3A_129] : memref<10000x128xf32, #tpu.memory_space<hbm>> -> memref<10000x128xf32, #tpu.memory_space<hbm>>
      tpu.wait_indirect_dma semaphore(%arg13 : memref<!tpu.dma_semaphore, #tpu.memory_space<semaphore_mem>>) src(%dma_wait3A_130 : memref<10000x128xf32, #tpu.memory_space<hbm>>) dst(%arg10 : memref<128x128xf32, #tpu.memory_space<vmem>>)
      %run_scoped3A_131 = arith.constant 14 : i32
      "tpu.region"() ({
        %run_scoped3A_284 = tpu.sem_alloc : memref<!tpu.dma_semaphore, #tpu.memory_space<semaphore_mem>>
        %dma_start3A_285 = arith.constant 0 : i32
        %dma_start3A_286 = tpu.memref_slice %arg9[%run_scoped3A_131, %dma_start3A_285] : memref<16x128xi32, #tpu.memory_space<vmem>> -> memref<1x128xi32, #tpu.memory_space<vmem>>
        %dma_start3A_287 = tpu.memref_squeeze %dma_start3A_286 : memref<1x128xi32, #tpu.memory_space<vmem>> -> memref<128xi32, #tpu.memory_space<vmem>>
        %dma_start3A_288 = arith.constant 0 : i32
        %dma_start3A_289 = arith.constant 0 : i32
        %dma_start3A_290 = tpu.memref_slice %arg12[%dma_start3A_288, %dma_start3A_289] : memref<10112x128xf32, #tpu.memory_space<vmem_shared>> -> memref<10112x128xf32, #tpu.memory_space<vmem_shared>>
        tpu.enqueue_indirect_dma source(%arg10 : memref<128x128xf32, #tpu.memory_space<vmem>>) target(%dma_start3A_290 : memref<10112x128xf32, #tpu.memory_space<vmem_shared>>) offsets(%dma_start3A_287 : memref<128xi32, #tpu.memory_space<vmem>>) semaphore(%run_scoped3A_284 : memref<!tpu.dma_semaphore, #tpu.memory_space<semaphore_mem>>) {add = true}
        %dma_wait3A_291 = arith.constant 0 : i32
        %dma_wait3A_292 = tpu.memref_slice %arg9[%run_scoped3A_131, %dma_wait3A_291] : memref<16x128xi32, #tpu.memory_space<vmem>> -> memref<1x128xi32, #tpu.memory_space<vmem>>
        %dma_wait3A_293 = tpu.memref_squeeze %dma_wait3A_292 : memref<1x128xi32, #tpu.memory_space<vmem>> -> memref<128xi32, #tpu.memory_space<vmem>>
        %dma_wait3A_294 = arith.constant 0 : i32
        %dma_wait3A_295 = arith.constant 0 : i32
        %dma_wait3A_296 = tpu.memref_slice %arg12[%dma_wait3A_294, %dma_wait3A_295] : memref<10112x128xf32, #tpu.memory_space<vmem_shared>> -> memref<10112x128xf32, #tpu.memory_space<vmem_shared>>
        tpu.wait_indirect_dma semaphore(%run_scoped3A_284 : memref<!tpu.dma_semaphore, #tpu.memory_space<semaphore_mem>>) src(%arg10 : memref<128x128xf32, #tpu.memory_space<vmem>>) dst(%dma_wait3A_296 : memref<10112x128xf32, #tpu.memory_space<vmem_shared>>)
        tpu.yield
      }) : () -> ()
      %dma_start3A_132 = arith.constant 0 : i32
      %dma_start3A_133 = arith.constant 0 : i32
      %dma_start3A_134 = tpu.memref_slice %arg6[%dma_start3A_132, %dma_start3A_133] : memref<16x128xi32, #tpu.memory_space<vmem>> -> memref<1x128xi32, #tpu.memory_space<vmem>>
      %dma_start3A_135 = tpu.memref_squeeze %dma_start3A_134 : memref<1x128xi32, #tpu.memory_space<vmem>> -> memref<128xi32, #tpu.memory_space<vmem>>
      %dma_start3A_136 = arith.constant 0 : i32
      %dma_start3A_137 = arith.constant 0 : i32
      %dma_start3A_138 = tpu.memref_slice %arg2[%dma_start3A_136, %dma_start3A_137] : memref<10000x128xf32, #tpu.memory_space<hbm>> -> memref<10000x128xf32, #tpu.memory_space<hbm>>
      tpu.enqueue_indirect_dma source(%dma_start3A_138 : memref<10000x128xf32, #tpu.memory_space<hbm>>) target(%arg10 : memref<128x128xf32, #tpu.memory_space<vmem>>) offsets(%dma_start3A_135 : memref<128xi32, #tpu.memory_space<vmem>>) semaphore(%arg13 : memref<!tpu.dma_semaphore, #tpu.memory_space<semaphore_mem>>)
      %dma_wait3A_139 = arith.constant 15 : i32
      %dma_wait3A_140 = arith.constant 0 : i32
      %dma_wait3A_141 = tpu.memref_slice %arg7[%dma_wait3A_139, %dma_wait3A_140] : memref<16x128xi32, #tpu.memory_space<vmem>> -> memref<1x128xi32, #tpu.memory_space<vmem>>
      %dma_wait3A_142 = tpu.memref_squeeze %dma_wait3A_141 : memref<1x128xi32, #tpu.memory_space<vmem>> -> memref<128xi32, #tpu.memory_space<vmem>>
      %dma_wait3A_143 = arith.constant 0 : i32
      %dma_wait3A_144 = arith.constant 0 : i32
      %dma_wait3A_145 = tpu.memref_slice %arg2[%dma_wait3A_143, %dma_wait3A_144] : memref<10000x128xf32, #tpu.memory_space<hbm>> -> memref<10000x128xf32, #tpu.memory_space<hbm>>
      tpu.wait_indirect_dma semaphore(%arg14 : memref<!tpu.dma_semaphore, #tpu.memory_space<semaphore_mem>>) src(%dma_wait3A_145 : memref<10000x128xf32, #tpu.memory_space<hbm>>) dst(%arg11 : memref<128x128xf32, #tpu.memory_space<vmem>>)
      %run_scoped3A_146 = arith.constant 15 : i32
      "tpu.region"() ({
        %run_scoped3A_284 = tpu.sem_alloc : memref<!tpu.dma_semaphore, #tpu.memory_space<semaphore_mem>>
        %dma_start3A_285 = arith.constant 0 : i32
        %dma_start3A_286 = tpu.memref_slice %arg9[%run_scoped3A_146, %dma_start3A_285] : memref<16x128xi32, #tpu.memory_space<vmem>> -> memref<1x128xi32, #tpu.memory_space<vmem>>
        %dma_start3A_287 = tpu.memref_squeeze %dma_start3A_286 : memref<1x128xi32, #tpu.memory_space<vmem>> -> memref<128xi32, #tpu.memory_space<vmem>>
        %dma_start3A_288 = arith.constant 0 : i32
        %dma_start3A_289 = arith.constant 0 : i32
        %dma_start3A_290 = tpu.memref_slice %arg12[%dma_start3A_288, %dma_start3A_289] : memref<10112x128xf32, #tpu.memory_space<vmem_shared>> -> memref<10112x128xf32, #tpu.memory_space<vmem_shared>>
        tpu.enqueue_indirect_dma source(%arg11 : memref<128x128xf32, #tpu.memory_space<vmem>>) target(%dma_start3A_290 : memref<10112x128xf32, #tpu.memory_space<vmem_shared>>) offsets(%dma_start3A_287 : memref<128xi32, #tpu.memory_space<vmem>>) semaphore(%run_scoped3A_284 : memref<!tpu.dma_semaphore, #tpu.memory_space<semaphore_mem>>) {add = true}
        %dma_wait3A_291 = arith.constant 0 : i32
        %dma_wait3A_292 = tpu.memref_slice %arg9[%run_scoped3A_146, %dma_wait3A_291] : memref<16x128xi32, #tpu.memory_space<vmem>> -> memref<1x128xi32, #tpu.memory_space<vmem>>
        %dma_wait3A_293 = tpu.memref_squeeze %dma_wait3A_292 : memref<1x128xi32, #tpu.memory_space<vmem>> -> memref<128xi32, #tpu.memory_space<vmem>>
        %dma_wait3A_294 = arith.constant 0 : i32
        %dma_wait3A_295 = arith.constant 0 : i32
        %dma_wait3A_296 = tpu.memref_slice %arg12[%dma_wait3A_294, %dma_wait3A_295] : memref<10112x128xf32, #tpu.memory_space<vmem_shared>> -> memref<10112x128xf32, #tpu.memory_space<vmem_shared>>
        tpu.wait_indirect_dma semaphore(%run_scoped3A_284 : memref<!tpu.dma_semaphore, #tpu.memory_space<semaphore_mem>>) src(%arg11 : memref<128x128xf32, #tpu.memory_space<vmem>>) dst(%dma_wait3A_296 : memref<10112x128xf32, #tpu.memory_space<vmem_shared>>)
        tpu.yield
      }) : () -> ()
      %dma_start3A_147 = arith.constant 1 : i32
      %dma_start3A_148 = arith.constant 0 : i32
      %dma_start3A_149 = tpu.memref_slice %arg6[%dma_start3A_147, %dma_start3A_148] : memref<16x128xi32, #tpu.memory_space<vmem>> -> memref<1x128xi32, #tpu.memory_space<vmem>>
      %dma_start3A_150 = tpu.memref_squeeze %dma_start3A_149 : memref<1x128xi32, #tpu.memory_space<vmem>> -> memref<128xi32, #tpu.memory_space<vmem>>
      %dma_start3A_151 = arith.constant 0 : i32
      %dma_start3A_152 = arith.constant 0 : i32
      %dma_start3A_153 = tpu.memref_slice %arg2[%dma_start3A_151, %dma_start3A_152] : memref<10000x128xf32, #tpu.memory_space<hbm>> -> memref<10000x128xf32, #tpu.memory_space<hbm>>
      tpu.enqueue_indirect_dma source(%dma_start3A_153 : memref<10000x128xf32, #tpu.memory_space<hbm>>) target(%arg11 : memref<128x128xf32, #tpu.memory_space<vmem>>) offsets(%dma_start3A_150 : memref<128xi32, #tpu.memory_space<vmem>>) semaphore(%arg14 : memref<!tpu.dma_semaphore, #tpu.memory_space<semaphore_mem>>)
      %add3A_154 = arith.constant 48 : i32
      %add3A_155 = arith.addi %add3A_34, %add3A_154 : i32
      %dma_start3A_156 = arith.constant 0 : i32
      %dma_start3A_157 = tpu.memref_slice %arg3[%add3A_155, %dma_start3A_156] : memref<2560x128xi32, #tpu.memory_space<hbm>> -> memref<16x128xi32, #tpu.memory_space<hbm>>
      %dma_start3A_158 = arith.constant 0 : i32
      %dma_start3A_159 = tpu.memref_slice %arg3[%add3A_155, %dma_start3A_158] : memref<2560x128xi32, #tpu.memory_space<hbm>> -> memref<16x128xi32, #tpu.memory_space<hbm>>
      tpu.enqueue_dma source(%dma_start3A_159 : memref<16x128xi32, #tpu.memory_space<hbm>>) target(%arg7 : memref<16x128xi32, #tpu.memory_space<vmem>>) target_semaphore(%arg15 : memref<!tpu.dma_semaphore, #tpu.memory_space<semaphore_mem>>)
      %dma_start3A_160 = arith.constant 0 : i32
      %dma_start3A_161 = tpu.memref_slice %arg4[%add3A_155, %dma_start3A_160] : memref<2560x128xi32, #tpu.memory_space<hbm>> -> memref<16x128xi32, #tpu.memory_space<hbm>>
      %dma_start3A_162 = arith.constant 0 : i32
      %dma_start3A_163 = tpu.memref_slice %arg4[%add3A_155, %dma_start3A_162] : memref<2560x128xi32, #tpu.memory_space<hbm>> -> memref<16x128xi32, #tpu.memory_space<hbm>>
      tpu.enqueue_dma source(%dma_start3A_163 : memref<16x128xi32, #tpu.memory_space<hbm>>) target(%arg9 : memref<16x128xi32, #tpu.memory_space<vmem>>) target_semaphore(%arg15 : memref<!tpu.dma_semaphore, #tpu.memory_space<semaphore_mem>>)
      %scan3A_164 = arith.constant 0 : i32
      %scan3A_165 = arith.constant 0 : i32
      %scan3A_166 = arith.constant 7 : i32
      %scan3A_167 = arith.addi %scan3A_165, %scan3A_166 : i32
      %scan3A_168 = arith.constant 1 : i32
      scf.for %scan3A_284 = %scan3A_165 to %scan3A_167 step %scan3A_168  : i32 {
        %mul3A_285 = arith.constant 2 : i32
        %mul3A_286 = arith.muli %mul3A_285, %scan3A_284 : i32
        %mul3A_287 = arith.constant 2 : i32
        %mul3A_288 = arith.muli %mul3A_287, %scan3A_284 : i32
        %add3A_289 = arith.constant 2 : i32
        %add3A_290 = arith.addi %mul3A_288, %add3A_289 : i32
        %dma_wait3A_291 = arith.constant 0 : i32
        %dma_wait3A_292 = tpu.memref_slice %arg6[%mul3A_286, %dma_wait3A_291] : memref<16x128xi32, #tpu.memory_space<vmem>> -> memref<1x128xi32, #tpu.memory_space<vmem>>
        %dma_wait3A_293 = tpu.memref_squeeze %dma_wait3A_292 : memref<1x128xi32, #tpu.memory_space<vmem>> -> memref<128xi32, #tpu.memory_space<vmem>>
        %dma_wait3A_294 = arith.constant 0 : i32
        %dma_wait3A_295 = arith.constant 0 : i32
        %dma_wait3A_296 = tpu.memref_slice %arg2[%dma_wait3A_294, %dma_wait3A_295] : memref<10000x128xf32, #tpu.memory_space<hbm>> -> memref<10000x128xf32, #tpu.memory_space<hbm>>
        tpu.wait_indirect_dma semaphore(%arg13 : memref<!tpu.dma_semaphore, #tpu.memory_space<semaphore_mem>>) src(%dma_wait3A_296 : memref<10000x128xf32, #tpu.memory_space<hbm>>) dst(%arg10 : memref<128x128xf32, #tpu.memory_space<vmem>>)
        "tpu.region"() ({
          %run_scoped3A_323 = tpu.sem_alloc : memref<!tpu.dma_semaphore, #tpu.memory_space<semaphore_mem>>
          %dma_start3A_324 = arith.constant 0 : i32
          %dma_start3A_325 = tpu.memref_slice %arg8[%mul3A_286, %dma_start3A_324] : memref<16x128xi32, #tpu.memory_space<vmem>> -> memref<1x128xi32, #tpu.memory_space<vmem>>
          %dma_start3A_326 = tpu.memref_squeeze %dma_start3A_325 : memref<1x128xi32, #tpu.memory_space<vmem>> -> memref<128xi32, #tpu.memory_space<vmem>>
          %dma_start3A_327 = arith.constant 0 : i32
          %dma_start3A_328 = arith.constant 0 : i32
          %dma_start3A_329 = tpu.memref_slice %arg12[%dma_start3A_327, %dma_start3A_328] : memref<10112x128xf32, #tpu.memory_space<vmem_shared>> -> memref<10112x128xf32, #tpu.memory_space<vmem_shared>>
          tpu.enqueue_indirect_dma source(%arg10 : memref<128x128xf32, #tpu.memory_space<vmem>>) target(%dma_start3A_329 : memref<10112x128xf32, #tpu.memory_space<vmem_shared>>) offsets(%dma_start3A_326 : memref<128xi32, #tpu.memory_space<vmem>>) semaphore(%run_scoped3A_323 : memref<!tpu.dma_semaphore, #tpu.memory_space<semaphore_mem>>) {add = true}
          %dma_wait3A_330 = arith.constant 0 : i32
          %dma_wait3A_331 = tpu.memref_slice %arg8[%mul3A_286, %dma_wait3A_330] : memref<16x128xi32, #tpu.memory_space<vmem>> -> memref<1x128xi32, #tpu.memory_space<vmem>>
          %dma_wait3A_332 = tpu.memref_squeeze %dma_wait3A_331 : memref<1x128xi32, #tpu.memory_space<vmem>> -> memref<128xi32, #tpu.memory_space<vmem>>
          %dma_wait3A_333 = arith.constant 0 : i32
          %dma_wait3A_334 = arith.constant 0 : i32
          %dma_wait3A_335 = tpu.memref_slice %arg12[%dma_wait3A_333, %dma_wait3A_334] : memref<10112x128xf32, #tpu.memory_space<vmem_shared>> -> memref<10112x128xf32, #tpu.memory_space<vmem_shared>>
          tpu.wait_indirect_dma semaphore(%run_scoped3A_323 : memref<!tpu.dma_semaphore, #tpu.memory_space<semaphore_mem>>) src(%arg10 : memref<128x128xf32, #tpu.memory_space<vmem>>) dst(%dma_wait3A_335 : memref<10112x128xf32, #tpu.memory_space<vmem_shared>>)
          tpu.yield
        }) : () -> ()
        %dma_start3A_297 = arith.constant 0 : i32
        %dma_start3A_298 = tpu.memref_slice %arg6[%add3A_290, %dma_start3A_297] : memref<16x128xi32, #tpu.memory_space<vmem>> -> memref<1x128xi32, #tpu.memory_space<vmem>>
        %dma_start3A_299 = tpu.memref_squeeze %dma_start3A_298 : memref<1x128xi32, #tpu.memory_space<vmem>> -> memref<128xi32, #tpu.memory_space<vmem>>
        %dma_start3A_300 = arith.constant 0 : i32
        %dma_start3A_301 = arith.constant 0 : i32
        %dma_start3A_302 = tpu.memref_slice %arg2[%dma_start3A_300, %dma_start3A_301] : memref<10000x128xf32, #tpu.memory_space<hbm>> -> memref<10000x128xf32, #tpu.memory_space<hbm>>
        tpu.enqueue_indirect_dma source(%dma_start3A_302 : memref<10000x128xf32, #tpu.memory_space<hbm>>) target(%arg10 : memref<128x128xf32, #tpu.memory_space<vmem>>) offsets(%dma_start3A_299 : memref<128xi32, #tpu.memory_space<vmem>>) semaphore(%arg13 : memref<!tpu.dma_semaphore, #tpu.memory_space<semaphore_mem>>)
        %mul3A_303 = arith.constant 2 : i32
        %mul3A_304 = arith.muli %mul3A_303, %scan3A_284 : i32
        %add3A_305 = arith.constant 1 : i32
        %add3A_306 = arith.addi %mul3A_304, %add3A_305 : i32
        %mul3A_307 = arith.constant 2 : i32
        %mul3A_308 = arith.muli %mul3A_307, %scan3A_284 : i32
        %add3A_309 = arith.constant 3 : i32
        %add3A_310 = arith.addi %mul3A_308, %add3A_309 : i32
        %dma_wait3A_311 = arith.constant 0 : i32
        %dma_wait3A_312 = tpu.memref_slice %arg6[%add3A_306, %dma_wait3A_311] : memref<16x128xi32, #tpu.memory_space<vmem>> -> memref<1x128xi32, #tpu.memory_space<vmem>>
        %dma_wait3A_313 = tpu.memref_squeeze %dma_wait3A_312 : memref<1x128xi32, #tpu.memory_space<vmem>> -> memref<128xi32, #tpu.memory_space<vmem>>
        %dma_wait3A_314 = arith.constant 0 : i32
        %dma_wait3A_315 = arith.constant 0 : i32
        %dma_wait3A_316 = tpu.memref_slice %arg2[%dma_wait3A_314, %dma_wait3A_315] : memref<10000x128xf32, #tpu.memory_space<hbm>> -> memref<10000x128xf32, #tpu.memory_space<hbm>>
        tpu.wait_indirect_dma semaphore(%arg14 : memref<!tpu.dma_semaphore, #tpu.memory_space<semaphore_mem>>) src(%dma_wait3A_316 : memref<10000x128xf32, #tpu.memory_space<hbm>>) dst(%arg11 : memref<128x128xf32, #tpu.memory_space<vmem>>)
        "tpu.region"() ({
          %run_scoped3A_323 = tpu.sem_alloc : memref<!tpu.dma_semaphore, #tpu.memory_space<semaphore_mem>>
          %dma_start3A_324 = arith.constant 0 : i32
          %dma_start3A_325 = tpu.memref_slice %arg8[%add3A_306, %dma_start3A_324] : memref<16x128xi32, #tpu.memory_space<vmem>> -> memref<1x128xi32, #tpu.memory_space<vmem>>
          %dma_start3A_326 = tpu.memref_squeeze %dma_start3A_325 : memref<1x128xi32, #tpu.memory_space<vmem>> -> memref<128xi32, #tpu.memory_space<vmem>>
          %dma_start3A_327 = arith.constant 0 : i32
          %dma_start3A_328 = arith.constant 0 : i32
          %dma_start3A_329 = tpu.memref_slice %arg12[%dma_start3A_327, %dma_start3A_328] : memref<10112x128xf32, #tpu.memory_space<vmem_shared>> -> memref<10112x128xf32, #tpu.memory_space<vmem_shared>>
          tpu.enqueue_indirect_dma source(%arg11 : memref<128x128xf32, #tpu.memory_space<vmem>>) target(%dma_start3A_329 : memref<10112x128xf32, #tpu.memory_space<vmem_shared>>) offsets(%dma_start3A_326 : memref<128xi32, #tpu.memory_space<vmem>>) semaphore(%run_scoped3A_323 : memref<!tpu.dma_semaphore, #tpu.memory_space<semaphore_mem>>) {add = true}
          %dma_wait3A_330 = arith.constant 0 : i32
          %dma_wait3A_331 = tpu.memref_slice %arg8[%add3A_306, %dma_wait3A_330] : memref<16x128xi32, #tpu.memory_space<vmem>> -> memref<1x128xi32, #tpu.memory_space<vmem>>
          %dma_wait3A_332 = tpu.memref_squeeze %dma_wait3A_331 : memref<1x128xi32, #tpu.memory_space<vmem>> -> memref<128xi32, #tpu.memory_space<vmem>>
          %dma_wait3A_333 = arith.constant 0 : i32
          %dma_wait3A_334 = arith.constant 0 : i32
          %dma_wait3A_335 = tpu.memref_slice %arg12[%dma_wait3A_333, %dma_wait3A_334] : memref<10112x128xf32, #tpu.memory_space<vmem_shared>> -> memref<10112x128xf32, #tpu.memory_space<vmem_shared>>
          tpu.wait_indirect_dma semaphore(%run_scoped3A_323 : memref<!tpu.dma_semaphore, #tpu.memory_space<semaphore_mem>>) src(%arg11 : memref<128x128xf32, #tpu.memory_space<vmem>>) dst(%dma_wait3A_335 : memref<10112x128xf32, #tpu.memory_space<vmem_shared>>)
          tpu.yield
        }) : () -> ()
        %dma_start3A_317 = arith.constant 0 : i32
        %dma_start3A_318 = tpu.memref_slice %arg6[%add3A_310, %dma_start3A_317] : memref<16x128xi32, #tpu.memory_space<vmem>> -> memref<1x128xi32, #tpu.memory_space<vmem>>
        %dma_start3A_319 = tpu.memref_squeeze %dma_start3A_318 : memref<1x128xi32, #tpu.memory_space<vmem>> -> memref<128xi32, #tpu.memory_space<vmem>>
        %dma_start3A_320 = arith.constant 0 : i32
        %dma_start3A_321 = arith.constant 0 : i32
        %dma_start3A_322 = tpu.memref_slice %arg2[%dma_start3A_320, %dma_start3A_321] : memref<10000x128xf32, #tpu.memory_space<hbm>> -> memref<10000x128xf32, #tpu.memory_space<hbm>>
        tpu.enqueue_indirect_dma source(%dma_start3A_322 : memref<10000x128xf32, #tpu.memory_space<hbm>>) target(%arg11 : memref<128x128xf32, #tpu.memory_space<vmem>>) offsets(%dma_start3A_319 : memref<128xi32, #tpu.memory_space<vmem>>) semaphore(%arg14 : memref<!tpu.dma_semaphore, #tpu.memory_space<semaphore_mem>>)
      }
      %scan3A_169 = arith.constant 7 : i32
      %dma_wait3A_170 = arith.constant 0 : i32
      %dma_wait3A_171 = tpu.memref_slice %arg3[%add3A_34, %dma_wait3A_170] : memref<2560x128xi32, #tpu.memory_space<hbm>> -> memref<16x128xi32, #tpu.memory_space<hbm>>
      %dma_wait3A_172 = arith.constant 0 : i32
      %dma_wait3A_173 = tpu.memref_slice %arg3[%add3A_34, %dma_wait3A_172] : memref<2560x128xi32, #tpu.memory_space<hbm>> -> memref<16x128xi32, #tpu.memory_space<hbm>>
      tpu.wait_dma2 semaphore(%arg15 : memref<!tpu.dma_semaphore, #tpu.memory_space<semaphore_mem>>) src(%dma_wait3A_173 : memref<16x128xi32, #tpu.memory_space<hbm>>) dst(%arg7 : memref<16x128xi32, #tpu.memory_space<vmem>>)
      %dma_wait3A_174 = arith.constant 0 : i32
      %dma_wait3A_175 = tpu.memref_slice %arg4[%add3A_34, %dma_wait3A_174] : memref<2560x128xi32, #tpu.memory_space<hbm>> -> memref<16x128xi32, #tpu.memory_space<hbm>>
      %dma_wait3A_176 = arith.constant 0 : i32
      %dma_wait3A_177 = tpu.memref_slice %arg4[%add3A_34, %dma_wait3A_176] : memref<2560x128xi32, #tpu.memory_space<hbm>> -> memref<16x128xi32, #tpu.memory_space<hbm>>
      tpu.wait_dma2 semaphore(%arg15 : memref<!tpu.dma_semaphore, #tpu.memory_space<semaphore_mem>>) src(%dma_wait3A_177 : memref<16x128xi32, #tpu.memory_space<hbm>>) dst(%arg9 : memref<16x128xi32, #tpu.memory_space<vmem>>)
      %dma_wait3A_178 = arith.constant 14 : i32
      %dma_wait3A_179 = arith.constant 0 : i32
      %dma_wait3A_180 = tpu.memref_slice %arg6[%dma_wait3A_178, %dma_wait3A_179] : memref<16x128xi32, #tpu.memory_space<vmem>> -> memref<1x128xi32, #tpu.memory_space<vmem>>
      %dma_wait3A_181 = tpu.memref_squeeze %dma_wait3A_180 : memref<1x128xi32, #tpu.memory_space<vmem>> -> memref<128xi32, #tpu.memory_space<vmem>>
      %dma_wait3A_182 = arith.constant 0 : i32
      %dma_wait3A_183 = arith.constant 0 : i32
      %dma_wait3A_184 = tpu.memref_slice %arg2[%dma_wait3A_182, %dma_wait3A_183] : memref<10000x128xf32, #tpu.memory_space<hbm>> -> memref<10000x128xf32, #tpu.memory_space<hbm>>
      tpu.wait_indirect_dma semaphore(%arg13 : memref<!tpu.dma_semaphore, #tpu.memory_space<semaphore_mem>>) src(%dma_wait3A_184 : memref<10000x128xf32, #tpu.memory_space<hbm>>) dst(%arg10 : memref<128x128xf32, #tpu.memory_space<vmem>>)
      %run_scoped3A_185 = arith.constant 14 : i32
      "tpu.region"() ({
        %run_scoped3A_284 = tpu.sem_alloc : memref<!tpu.dma_semaphore, #tpu.memory_space<semaphore_mem>>
        %dma_start3A_285 = arith.constant 0 : i32
        %dma_start3A_286 = tpu.memref_slice %arg8[%run_scoped3A_185, %dma_start3A_285] : memref<16x128xi32, #tpu.memory_space<vmem>> -> memref<1x128xi32, #tpu.memory_space<vmem>>
        %dma_start3A_287 = tpu.memref_squeeze %dma_start3A_286 : memref<1x128xi32, #tpu.memory_space<vmem>> -> memref<128xi32, #tpu.memory_space<vmem>>
        %dma_start3A_288 = arith.constant 0 : i32
        %dma_start3A_289 = arith.constant 0 : i32
        %dma_start3A_290 = tpu.memref_slice %arg12[%dma_start3A_288, %dma_start3A_289] : memref<10112x128xf32, #tpu.memory_space<vmem_shared>> -> memref<10112x128xf32, #tpu.memory_space<vmem_shared>>
        tpu.enqueue_indirect_dma source(%arg10 : memref<128x128xf32, #tpu.memory_space<vmem>>) target(%dma_start3A_290 : memref<10112x128xf32, #tpu.memory_space<vmem_shared>>) offsets(%dma_start3A_287 : memref<128xi32, #tpu.memory_space<vmem>>) semaphore(%run_scoped3A_284 : memref<!tpu.dma_semaphore, #tpu.memory_space<semaphore_mem>>) {add = true}
        %dma_wait3A_291 = arith.constant 0 : i32
        %dma_wait3A_292 = tpu.memref_slice %arg8[%run_scoped3A_185, %dma_wait3A_291] : memref<16x128xi32, #tpu.memory_space<vmem>> -> memref<1x128xi32, #tpu.memory_space<vmem>>
        %dma_wait3A_293 = tpu.memref_squeeze %dma_wait3A_292 : memref<1x128xi32, #tpu.memory_space<vmem>> -> memref<128xi32, #tpu.memory_space<vmem>>
        %dma_wait3A_294 = arith.constant 0 : i32
        %dma_wait3A_295 = arith.constant 0 : i32
        %dma_wait3A_296 = tpu.memref_slice %arg12[%dma_wait3A_294, %dma_wait3A_295] : memref<10112x128xf32, #tpu.memory_space<vmem_shared>> -> memref<10112x128xf32, #tpu.memory_space<vmem_shared>>
        tpu.wait_indirect_dma semaphore(%run_scoped3A_284 : memref<!tpu.dma_semaphore, #tpu.memory_space<semaphore_mem>>) src(%arg10 : memref<128x128xf32, #tpu.memory_space<vmem>>) dst(%dma_wait3A_296 : memref<10112x128xf32, #tpu.memory_space<vmem_shared>>)
        tpu.yield
      }) : () -> ()
      %dma_start3A_186 = arith.constant 0 : i32
      %dma_start3A_187 = arith.constant 0 : i32
      %dma_start3A_188 = tpu.memref_slice %arg7[%dma_start3A_186, %dma_start3A_187] : memref<16x128xi32, #tpu.memory_space<vmem>> -> memref<1x128xi32, #tpu.memory_space<vmem>>
      %dma_start3A_189 = tpu.memref_squeeze %dma_start3A_188 : memref<1x128xi32, #tpu.memory_space<vmem>> -> memref<128xi32, #tpu.memory_space<vmem>>
      %dma_start3A_190 = arith.constant 0 : i32
      %dma_start3A_191 = arith.constant 0 : i32
      %dma_start3A_192 = tpu.memref_slice %arg2[%dma_start3A_190, %dma_start3A_191] : memref<10000x128xf32, #tpu.memory_space<hbm>> -> memref<10000x128xf32, #tpu.memory_space<hbm>>
      tpu.enqueue_indirect_dma source(%dma_start3A_192 : memref<10000x128xf32, #tpu.memory_space<hbm>>) target(%arg10 : memref<128x128xf32, #tpu.memory_space<vmem>>) offsets(%dma_start3A_189 : memref<128xi32, #tpu.memory_space<vmem>>) semaphore(%arg13 : memref<!tpu.dma_semaphore, #tpu.memory_space<semaphore_mem>>)
      %dma_wait3A_193 = arith.constant 15 : i32
      %dma_wait3A_194 = arith.constant 0 : i32
      %dma_wait3A_195 = tpu.memref_slice %arg6[%dma_wait3A_193, %dma_wait3A_194] : memref<16x128xi32, #tpu.memory_space<vmem>> -> memref<1x128xi32, #tpu.memory_space<vmem>>
      %dma_wait3A_196 = tpu.memref_squeeze %dma_wait3A_195 : memref<1x128xi32, #tpu.memory_space<vmem>> -> memref<128xi32, #tpu.memory_space<vmem>>
      %dma_wait3A_197 = arith.constant 0 : i32
      %dma_wait3A_198 = arith.constant 0 : i32
      %dma_wait3A_199 = tpu.memref_slice %arg2[%dma_wait3A_197, %dma_wait3A_198] : memref<10000x128xf32, #tpu.memory_space<hbm>> -> memref<10000x128xf32, #tpu.memory_space<hbm>>
      tpu.wait_indirect_dma semaphore(%arg14 : memref<!tpu.dma_semaphore, #tpu.memory_space<semaphore_mem>>) src(%dma_wait3A_199 : memref<10000x128xf32, #tpu.memory_space<hbm>>) dst(%arg11 : memref<128x128xf32, #tpu.memory_space<vmem>>)
      %run_scoped3A_200 = arith.constant 15 : i32
      "tpu.region"() ({
        %run_scoped3A_284 = tpu.sem_alloc : memref<!tpu.dma_semaphore, #tpu.memory_space<semaphore_mem>>
        %dma_start3A_285 = arith.constant 0 : i32
        %dma_start3A_286 = tpu.memref_slice %arg8[%run_scoped3A_200, %dma_start3A_285] : memref<16x128xi32, #tpu.memory_space<vmem>> -> memref<1x128xi32, #tpu.memory_space<vmem>>
        %dma_start3A_287 = tpu.memref_squeeze %dma_start3A_286 : memref<1x128xi32, #tpu.memory_space<vmem>> -> memref<128xi32, #tpu.memory_space<vmem>>
        %dma_start3A_288 = arith.constant 0 : i32
        %dma_start3A_289 = arith.constant 0 : i32
        %dma_start3A_290 = tpu.memref_slice %arg12[%dma_start3A_288, %dma_start3A_289] : memref<10112x128xf32, #tpu.memory_space<vmem_shared>> -> memref<10112x128xf32, #tpu.memory_space<vmem_shared>>
        tpu.enqueue_indirect_dma source(%arg11 : memref<128x128xf32, #tpu.memory_space<vmem>>) target(%dma_start3A_290 : memref<10112x128xf32, #tpu.memory_space<vmem_shared>>) offsets(%dma_start3A_287 : memref<128xi32, #tpu.memory_space<vmem>>) semaphore(%run_scoped3A_284 : memref<!tpu.dma_semaphore, #tpu.memory_space<semaphore_mem>>) {add = true}
        %dma_wait3A_291 = arith.constant 0 : i32
        %dma_wait3A_292 = tpu.memref_slice %arg8[%run_scoped3A_200, %dma_wait3A_291] : memref<16x128xi32, #tpu.memory_space<vmem>> -> memref<1x128xi32, #tpu.memory_space<vmem>>
        %dma_wait3A_293 = tpu.memref_squeeze %dma_wait3A_292 : memref<1x128xi32, #tpu.memory_space<vmem>> -> memref<128xi32, #tpu.memory_space<vmem>>
        %dma_wait3A_294 = arith.constant 0 : i32
        %dma_wait3A_295 = arith.constant 0 : i32
        %dma_wait3A_296 = tpu.memref_slice %arg12[%dma_wait3A_294, %dma_wait3A_295] : memref<10112x128xf32, #tpu.memory_space<vmem_shared>> -> memref<10112x128xf32, #tpu.memory_space<vmem_shared>>
        tpu.wait_indirect_dma semaphore(%run_scoped3A_284 : memref<!tpu.dma_semaphore, #tpu.memory_space<semaphore_mem>>) src(%arg11 : memref<128x128xf32, #tpu.memory_space<vmem>>) dst(%dma_wait3A_296 : memref<10112x128xf32, #tpu.memory_space<vmem_shared>>)
        tpu.yield
      }) : () -> ()
      %dma_start3A_201 = arith.constant 1 : i32
      %dma_start3A_202 = arith.constant 0 : i32
      %dma_start3A_203 = tpu.memref_slice %arg7[%dma_start3A_201, %dma_start3A_202] : memref<16x128xi32, #tpu.memory_space<vmem>> -> memref<1x128xi32, #tpu.memory_space<vmem>>
      %dma_start3A_204 = tpu.memref_squeeze %dma_start3A_203 : memref<1x128xi32, #tpu.memory_space<vmem>> -> memref<128xi32, #tpu.memory_space<vmem>>
      %dma_start3A_205 = arith.constant 0 : i32
      %dma_start3A_206 = arith.constant 0 : i32
      %dma_start3A_207 = tpu.memref_slice %arg2[%dma_start3A_205, %dma_start3A_206] : memref<10000x128xf32, #tpu.memory_space<hbm>> -> memref<10000x128xf32, #tpu.memory_space<hbm>>
      tpu.enqueue_indirect_dma source(%dma_start3A_207 : memref<10000x128xf32, #tpu.memory_space<hbm>>) target(%arg11 : memref<128x128xf32, #tpu.memory_space<vmem>>) offsets(%dma_start3A_204 : memref<128xi32, #tpu.memory_space<vmem>>) semaphore(%arg14 : memref<!tpu.dma_semaphore, #tpu.memory_space<semaphore_mem>>)
      %add3A_208 = arith.constant 64 : i32
      %add3A_209 = arith.addi %add3A_34, %add3A_208 : i32
      %dma_start3A_210 = arith.constant 0 : i32
      %dma_start3A_211 = tpu.memref_slice %arg3[%add3A_209, %dma_start3A_210] : memref<2560x128xi32, #tpu.memory_space<hbm>> -> memref<16x128xi32, #tpu.memory_space<hbm>>
      %dma_start3A_212 = arith.constant 0 : i32
      %dma_start3A_213 = tpu.memref_slice %arg3[%add3A_209, %dma_start3A_212] : memref<2560x128xi32, #tpu.memory_space<hbm>> -> memref<16x128xi32, #tpu.memory_space<hbm>>
      tpu.enqueue_dma source(%dma_start3A_213 : memref<16x128xi32, #tpu.memory_space<hbm>>) target(%arg6 : memref<16x128xi32, #tpu.memory_space<vmem>>) target_semaphore(%arg15 : memref<!tpu.dma_semaphore, #tpu.memory_space<semaphore_mem>>)
      %dma_start3A_214 = arith.constant 0 : i32
      %dma_start3A_215 = tpu.memref_slice %arg4[%add3A_209, %dma_start3A_214] : memref<2560x128xi32, #tpu.memory_space<hbm>> -> memref<16x128xi32, #tpu.memory_space<hbm>>
      %dma_start3A_216 = arith.constant 0 : i32
      %dma_start3A_217 = tpu.memref_slice %arg4[%add3A_209, %dma_start3A_216] : memref<2560x128xi32, #tpu.memory_space<hbm>> -> memref<16x128xi32, #tpu.memory_space<hbm>>
      tpu.enqueue_dma source(%dma_start3A_217 : memref<16x128xi32, #tpu.memory_space<hbm>>) target(%arg8 : memref<16x128xi32, #tpu.memory_space<vmem>>) target_semaphore(%arg15 : memref<!tpu.dma_semaphore, #tpu.memory_space<semaphore_mem>>)
      %scan3A_218 = arith.constant 0 : i32
      %scan3A_219 = arith.constant 0 : i32
      %scan3A_220 = arith.constant 7 : i32
      %scan3A_221 = arith.addi %scan3A_219, %scan3A_220 : i32
      %scan3A_222 = arith.constant 1 : i32
      scf.for %scan3A_284 = %scan3A_219 to %scan3A_221 step %scan3A_222  : i32 {
        %mul3A_285 = arith.constant 2 : i32
        %mul3A_286 = arith.muli %mul3A_285, %scan3A_284 : i32
        %mul3A_287 = arith.constant 2 : i32
        %mul3A_288 = arith.muli %mul3A_287, %scan3A_284 : i32
        %add3A_289 = arith.constant 2 : i32
        %add3A_290 = arith.addi %mul3A_288, %add3A_289 : i32
        %dma_wait3A_291 = arith.constant 0 : i32
        %dma_wait3A_292 = tpu.memref_slice %arg7[%mul3A_286, %dma_wait3A_291] : memref<16x128xi32, #tpu.memory_space<vmem>> -> memref<1x128xi32, #tpu.memory_space<vmem>>
        %dma_wait3A_293 = tpu.memref_squeeze %dma_wait3A_292 : memref<1x128xi32, #tpu.memory_space<vmem>> -> memref<128xi32, #tpu.memory_space<vmem>>
        %dma_wait3A_294 = arith.constant 0 : i32
        %dma_wait3A_295 = arith.constant 0 : i32
        %dma_wait3A_296 = tpu.memref_slice %arg2[%dma_wait3A_294, %dma_wait3A_295] : memref<10000x128xf32, #tpu.memory_space<hbm>> -> memref<10000x128xf32, #tpu.memory_space<hbm>>
        tpu.wait_indirect_dma semaphore(%arg13 : memref<!tpu.dma_semaphore, #tpu.memory_space<semaphore_mem>>) src(%dma_wait3A_296 : memref<10000x128xf32, #tpu.memory_space<hbm>>) dst(%arg10 : memref<128x128xf32, #tpu.memory_space<vmem>>)
        "tpu.region"() ({
          %run_scoped3A_323 = tpu.sem_alloc : memref<!tpu.dma_semaphore, #tpu.memory_space<semaphore_mem>>
          %dma_start3A_324 = arith.constant 0 : i32
          %dma_start3A_325 = tpu.memref_slice %arg9[%mul3A_286, %dma_start3A_324] : memref<16x128xi32, #tpu.memory_space<vmem>> -> memref<1x128xi32, #tpu.memory_space<vmem>>
          %dma_start3A_326 = tpu.memref_squeeze %dma_start3A_325 : memref<1x128xi32, #tpu.memory_space<vmem>> -> memref<128xi32, #tpu.memory_space<vmem>>
          %dma_start3A_327 = arith.constant 0 : i32
          %dma_start3A_328 = arith.constant 0 : i32
          %dma_start3A_329 = tpu.memref_slice %arg12[%dma_start3A_327, %dma_start3A_328] : memref<10112x128xf32, #tpu.memory_space<vmem_shared>> -> memref<10112x128xf32, #tpu.memory_space<vmem_shared>>
          tpu.enqueue_indirect_dma source(%arg10 : memref<128x128xf32, #tpu.memory_space<vmem>>) target(%dma_start3A_329 : memref<10112x128xf32, #tpu.memory_space<vmem_shared>>) offsets(%dma_start3A_326 : memref<128xi32, #tpu.memory_space<vmem>>) semaphore(%run_scoped3A_323 : memref<!tpu.dma_semaphore, #tpu.memory_space<semaphore_mem>>) {add = true}
          %dma_wait3A_330 = arith.constant 0 : i32
          %dma_wait3A_331 = tpu.memref_slice %arg9[%mul3A_286, %dma_wait3A_330] : memref<16x128xi32, #tpu.memory_space<vmem>> -> memref<1x128xi32, #tpu.memory_space<vmem>>
          %dma_wait3A_332 = tpu.memref_squeeze %dma_wait3A_331 : memref<1x128xi32, #tpu.memory_space<vmem>> -> memref<128xi32, #tpu.memory_space<vmem>>
          %dma_wait3A_333 = arith.constant 0 : i32
          %dma_wait3A_334 = arith.constant 0 : i32
          %dma_wait3A_335 = tpu.memref_slice %arg12[%dma_wait3A_333, %dma_wait3A_334] : memref<10112x128xf32, #tpu.memory_space<vmem_shared>> -> memref<10112x128xf32, #tpu.memory_space<vmem_shared>>
          tpu.wait_indirect_dma semaphore(%run_scoped3A_323 : memref<!tpu.dma_semaphore, #tpu.memory_space<semaphore_mem>>) src(%arg10 : memref<128x128xf32, #tpu.memory_space<vmem>>) dst(%dma_wait3A_335 : memref<10112x128xf32, #tpu.memory_space<vmem_shared>>)
          tpu.yield
        }) : () -> ()
        %dma_start3A_297 = arith.constant 0 : i32
        %dma_start3A_298 = tpu.memref_slice %arg7[%add3A_290, %dma_start3A_297] : memref<16x128xi32, #tpu.memory_space<vmem>> -> memref<1x128xi32, #tpu.memory_space<vmem>>
        %dma_start3A_299 = tpu.memref_squeeze %dma_start3A_298 : memref<1x128xi32, #tpu.memory_space<vmem>> -> memref<128xi32, #tpu.memory_space<vmem>>
        %dma_start3A_300 = arith.constant 0 : i32
        %dma_start3A_301 = arith.constant 0 : i32
        %dma_start3A_302 = tpu.memref_slice %arg2[%dma_start3A_300, %dma_start3A_301] : memref<10000x128xf32, #tpu.memory_space<hbm>> -> memref<10000x128xf32, #tpu.memory_space<hbm>>
        tpu.enqueue_indirect_dma source(%dma_start3A_302 : memref<10000x128xf32, #tpu.memory_space<hbm>>) target(%arg10 : memref<128x128xf32, #tpu.memory_space<vmem>>) offsets(%dma_start3A_299 : memref<128xi32, #tpu.memory_space<vmem>>) semaphore(%arg13 : memref<!tpu.dma_semaphore, #tpu.memory_space<semaphore_mem>>)
        %mul3A_303 = arith.constant 2 : i32
        %mul3A_304 = arith.muli %mul3A_303, %scan3A_284 : i32
        %add3A_305 = arith.constant 1 : i32
        %add3A_306 = arith.addi %mul3A_304, %add3A_305 : i32
        %mul3A_307 = arith.constant 2 : i32
        %mul3A_308 = arith.muli %mul3A_307, %scan3A_284 : i32
        %add3A_309 = arith.constant 3 : i32
        %add3A_310 = arith.addi %mul3A_308, %add3A_309 : i32
        %dma_wait3A_311 = arith.constant 0 : i32
        %dma_wait3A_312 = tpu.memref_slice %arg7[%add3A_306, %dma_wait3A_311] : memref<16x128xi32, #tpu.memory_space<vmem>> -> memref<1x128xi32, #tpu.memory_space<vmem>>
        %dma_wait3A_313 = tpu.memref_squeeze %dma_wait3A_312 : memref<1x128xi32, #tpu.memory_space<vmem>> -> memref<128xi32, #tpu.memory_space<vmem>>
        %dma_wait3A_314 = arith.constant 0 : i32
        %dma_wait3A_315 = arith.constant 0 : i32
        %dma_wait3A_316 = tpu.memref_slice %arg2[%dma_wait3A_314, %dma_wait3A_315] : memref<10000x128xf32, #tpu.memory_space<hbm>> -> memref<10000x128xf32, #tpu.memory_space<hbm>>
        tpu.wait_indirect_dma semaphore(%arg14 : memref<!tpu.dma_semaphore, #tpu.memory_space<semaphore_mem>>) src(%dma_wait3A_316 : memref<10000x128xf32, #tpu.memory_space<hbm>>) dst(%arg11 : memref<128x128xf32, #tpu.memory_space<vmem>>)
        "tpu.region"() ({
          %run_scoped3A_323 = tpu.sem_alloc : memref<!tpu.dma_semaphore, #tpu.memory_space<semaphore_mem>>
          %dma_start3A_324 = arith.constant 0 : i32
          %dma_start3A_325 = tpu.memref_slice %arg9[%add3A_306, %dma_start3A_324] : memref<16x128xi32, #tpu.memory_space<vmem>> -> memref<1x128xi32, #tpu.memory_space<vmem>>
          %dma_start3A_326 = tpu.memref_squeeze %dma_start3A_325 : memref<1x128xi32, #tpu.memory_space<vmem>> -> memref<128xi32, #tpu.memory_space<vmem>>
          %dma_start3A_327 = arith.constant 0 : i32
          %dma_start3A_328 = arith.constant 0 : i32
          %dma_start3A_329 = tpu.memref_slice %arg12[%dma_start3A_327, %dma_start3A_328] : memref<10112x128xf32, #tpu.memory_space<vmem_shared>> -> memref<10112x128xf32, #tpu.memory_space<vmem_shared>>
          tpu.enqueue_indirect_dma source(%arg11 : memref<128x128xf32, #tpu.memory_space<vmem>>) target(%dma_start3A_329 : memref<10112x128xf32, #tpu.memory_space<vmem_shared>>) offsets(%dma_start3A_326 : memref<128xi32, #tpu.memory_space<vmem>>) semaphore(%run_scoped3A_323 : memref<!tpu.dma_semaphore, #tpu.memory_space<semaphore_mem>>) {add = true}
          %dma_wait3A_330 = arith.constant 0 : i32
          %dma_wait3A_331 = tpu.memref_slice %arg9[%add3A_306, %dma_wait3A_330] : memref<16x128xi32, #tpu.memory_space<vmem>> -> memref<1x128xi32, #tpu.memory_space<vmem>>
          %dma_wait3A_332 = tpu.memref_squeeze %dma_wait3A_331 : memref<1x128xi32, #tpu.memory_space<vmem>> -> memref<128xi32, #tpu.memory_space<vmem>>
          %dma_wait3A_333 = arith.constant 0 : i32
          %dma_wait3A_334 = arith.constant 0 : i32
          %dma_wait3A_335 = tpu.memref_slice %arg12[%dma_wait3A_333, %dma_wait3A_334] : memref<10112x128xf32, #tpu.memory_space<vmem_shared>> -> memref<10112x128xf32, #tpu.memory_space<vmem_shared>>
          tpu.wait_indirect_dma semaphore(%run_scoped3A_323 : memref<!tpu.dma_semaphore, #tpu.memory_space<semaphore_mem>>) src(%arg11 : memref<128x128xf32, #tpu.memory_space<vmem>>) dst(%dma_wait3A_335 : memref<10112x128xf32, #tpu.memory_space<vmem_shared>>)
          tpu.yield
        }) : () -> ()
        %dma_start3A_317 = arith.constant 0 : i32
        %dma_start3A_318 = tpu.memref_slice %arg7[%add3A_310, %dma_start3A_317] : memref<16x128xi32, #tpu.memory_space<vmem>> -> memref<1x128xi32, #tpu.memory_space<vmem>>
        %dma_start3A_319 = tpu.memref_squeeze %dma_start3A_318 : memref<1x128xi32, #tpu.memory_space<vmem>> -> memref<128xi32, #tpu.memory_space<vmem>>
        %dma_start3A_320 = arith.constant 0 : i32
        %dma_start3A_321 = arith.constant 0 : i32
        %dma_start3A_322 = tpu.memref_slice %arg2[%dma_start3A_320, %dma_start3A_321] : memref<10000x128xf32, #tpu.memory_space<hbm>> -> memref<10000x128xf32, #tpu.memory_space<hbm>>
        tpu.enqueue_indirect_dma source(%dma_start3A_322 : memref<10000x128xf32, #tpu.memory_space<hbm>>) target(%arg11 : memref<128x128xf32, #tpu.memory_space<vmem>>) offsets(%dma_start3A_319 : memref<128xi32, #tpu.memory_space<vmem>>) semaphore(%arg14 : memref<!tpu.dma_semaphore, #tpu.memory_space<semaphore_mem>>)
      }
      %scan3A_223 = arith.constant 7 : i32
      %dma_wait3A_224 = arith.constant 0 : i32
      %dma_wait3A_225 = tpu.memref_slice %arg3[%add3A_34, %dma_wait3A_224] : memref<2560x128xi32, #tpu.memory_space<hbm>> -> memref<16x128xi32, #tpu.memory_space<hbm>>
      %dma_wait3A_226 = arith.constant 0 : i32
      %dma_wait3A_227 = tpu.memref_slice %arg3[%add3A_34, %dma_wait3A_226] : memref<2560x128xi32, #tpu.memory_space<hbm>> -> memref<16x128xi32, #tpu.memory_space<hbm>>
      tpu.wait_dma2 semaphore(%arg15 : memref<!tpu.dma_semaphore, #tpu.memory_space<semaphore_mem>>) src(%dma_wait3A_227 : memref<16x128xi32, #tpu.memory_space<hbm>>) dst(%arg6 : memref<16x128xi32, #tpu.memory_space<vmem>>)
      %dma_wait3A_228 = arith.constant 0 : i32
      %dma_wait3A_229 = tpu.memref_slice %arg4[%add3A_34, %dma_wait3A_228] : memref<2560x128xi32, #tpu.memory_space<hbm>> -> memref<16x128xi32, #tpu.memory_space<hbm>>
      %dma_wait3A_230 = arith.constant 0 : i32
      %dma_wait3A_231 = tpu.memref_slice %arg4[%add3A_34, %dma_wait3A_230] : memref<2560x128xi32, #tpu.memory_space<hbm>> -> memref<16x128xi32, #tpu.memory_space<hbm>>
      tpu.wait_dma2 semaphore(%arg15 : memref<!tpu.dma_semaphore, #tpu.memory_space<semaphore_mem>>) src(%dma_wait3A_231 : memref<16x128xi32, #tpu.memory_space<hbm>>) dst(%arg8 : memref<16x128xi32, #tpu.memory_space<vmem>>)
      %dma_wait3A_232 = arith.constant 14 : i32
      %dma_wait3A_233 = arith.constant 0 : i32
      %dma_wait3A_234 = tpu.memref_slice %arg7[%dma_wait3A_232, %dma_wait3A_233] : memref<16x128xi32, #tpu.memory_space<vmem>> -> memref<1x128xi32, #tpu.memory_space<vmem>>
      %dma_wait3A_235 = tpu.memref_squeeze %dma_wait3A_234 : memref<1x128xi32, #tpu.memory_space<vmem>> -> memref<128xi32, #tpu.memory_space<vmem>>
      %dma_wait3A_236 = arith.constant 0 : i32
      %dma_wait3A_237 = arith.constant 0 : i32
      %dma_wait3A_238 = tpu.memref_slice %arg2[%dma_wait3A_236, %dma_wait3A_237] : memref<10000x128xf32, #tpu.memory_space<hbm>> -> memref<10000x128xf32, #tpu.memory_space<hbm>>
      tpu.wait_indirect_dma semaphore(%arg13 : memref<!tpu.dma_semaphore, #tpu.memory_space<semaphore_mem>>) src(%dma_wait3A_238 : memref<10000x128xf32, #tpu.memory_space<hbm>>) dst(%arg10 : memref<128x128xf32, #tpu.memory_space<vmem>>)
      %run_scoped3A_239 = arith.constant 14 : i32
      "tpu.region"() ({
        %run_scoped3A_284 = tpu.sem_alloc : memref<!tpu.dma_semaphore, #tpu.memory_space<semaphore_mem>>
        %dma_start3A_285 = arith.constant 0 : i32
        %dma_start3A_286 = tpu.memref_slice %arg9[%run_scoped3A_239, %dma_start3A_285] : memref<16x128xi32, #tpu.memory_space<vmem>> -> memref<1x128xi32, #tpu.memory_space<vmem>>
        %dma_start3A_287 = tpu.memref_squeeze %dma_start3A_286 : memref<1x128xi32, #tpu.memory_space<vmem>> -> memref<128xi32, #tpu.memory_space<vmem>>
        %dma_start3A_288 = arith.constant 0 : i32
        %dma_start3A_289 = arith.constant 0 : i32
        %dma_start3A_290 = tpu.memref_slice %arg12[%dma_start3A_288, %dma_start3A_289] : memref<10112x128xf32, #tpu.memory_space<vmem_shared>> -> memref<10112x128xf32, #tpu.memory_space<vmem_shared>>
        tpu.enqueue_indirect_dma source(%arg10 : memref<128x128xf32, #tpu.memory_space<vmem>>) target(%dma_start3A_290 : memref<10112x128xf32, #tpu.memory_space<vmem_shared>>) offsets(%dma_start3A_287 : memref<128xi32, #tpu.memory_space<vmem>>) semaphore(%run_scoped3A_284 : memref<!tpu.dma_semaphore, #tpu.memory_space<semaphore_mem>>) {add = true}
        %dma_wait3A_291 = arith.constant 0 : i32
        %dma_wait3A_292 = tpu.memref_slice %arg9[%run_scoped3A_239, %dma_wait3A_291] : memref<16x128xi32, #tpu.memory_space<vmem>> -> memref<1x128xi32, #tpu.memory_space<vmem>>
        %dma_wait3A_293 = tpu.memref_squeeze %dma_wait3A_292 : memref<1x128xi32, #tpu.memory_space<vmem>> -> memref<128xi32, #tpu.memory_space<vmem>>
        %dma_wait3A_294 = arith.constant 0 : i32
        %dma_wait3A_295 = arith.constant 0 : i32
        %dma_wait3A_296 = tpu.memref_slice %arg12[%dma_wait3A_294, %dma_wait3A_295] : memref<10112x128xf32, #tpu.memory_space<vmem_shared>> -> memref<10112x128xf32, #tpu.memory_space<vmem_shared>>
        tpu.wait_indirect_dma semaphore(%run_scoped3A_284 : memref<!tpu.dma_semaphore, #tpu.memory_space<semaphore_mem>>) src(%arg10 : memref<128x128xf32, #tpu.memory_space<vmem>>) dst(%dma_wait3A_296 : memref<10112x128xf32, #tpu.memory_space<vmem_shared>>)
        tpu.yield
      }) : () -> ()
      %dma_start3A_240 = arith.constant 0 : i32
      %dma_start3A_241 = arith.constant 0 : i32
      %dma_start3A_242 = tpu.memref_slice %arg6[%dma_start3A_240, %dma_start3A_241] : memref<16x128xi32, #tpu.memory_space<vmem>> -> memref<1x128xi32, #tpu.memory_space<vmem>>
      %dma_start3A_243 = tpu.memref_squeeze %dma_start3A_242 : memref<1x128xi32, #tpu.memory_space<vmem>> -> memref<128xi32, #tpu.memory_space<vmem>>
      %dma_start3A_244 = arith.constant 0 : i32
      %dma_start3A_245 = arith.constant 0 : i32
      %dma_start3A_246 = tpu.memref_slice %arg2[%dma_start3A_244, %dma_start3A_245] : memref<10000x128xf32, #tpu.memory_space<hbm>> -> memref<10000x128xf32, #tpu.memory_space<hbm>>
      tpu.enqueue_indirect_dma source(%dma_start3A_246 : memref<10000x128xf32, #tpu.memory_space<hbm>>) target(%arg10 : memref<128x128xf32, #tpu.memory_space<vmem>>) offsets(%dma_start3A_243 : memref<128xi32, #tpu.memory_space<vmem>>) semaphore(%arg13 : memref<!tpu.dma_semaphore, #tpu.memory_space<semaphore_mem>>)
      %dma_wait3A_247 = arith.constant 15 : i32
      %dma_wait3A_248 = arith.constant 0 : i32
      %dma_wait3A_249 = tpu.memref_slice %arg7[%dma_wait3A_247, %dma_wait3A_248] : memref<16x128xi32, #tpu.memory_space<vmem>> -> memref<1x128xi32, #tpu.memory_space<vmem>>
      %dma_wait3A_250 = tpu.memref_squeeze %dma_wait3A_249 : memref<1x128xi32, #tpu.memory_space<vmem>> -> memref<128xi32, #tpu.memory_space<vmem>>
      %dma_wait3A_251 = arith.constant 0 : i32
      %dma_wait3A_252 = arith.constant 0 : i32
      %dma_wait3A_253 = tpu.memref_slice %arg2[%dma_wait3A_251, %dma_wait3A_252] : memref<10000x128xf32, #tpu.memory_space<hbm>> -> memref<10000x128xf32, #tpu.memory_space<hbm>>
      tpu.wait_indirect_dma semaphore(%arg14 : memref<!tpu.dma_semaphore, #tpu.memory_space<semaphore_mem>>) src(%dma_wait3A_253 : memref<10000x128xf32, #tpu.memory_space<hbm>>) dst(%arg11 : memref<128x128xf32, #tpu.memory_space<vmem>>)
      %run_scoped3A_254 = arith.constant 15 : i32
      "tpu.region"() ({
        %run_scoped3A_284 = tpu.sem_alloc : memref<!tpu.dma_semaphore, #tpu.memory_space<semaphore_mem>>
        %dma_start3A_285 = arith.constant 0 : i32
        %dma_start3A_286 = tpu.memref_slice %arg9[%run_scoped3A_254, %dma_start3A_285] : memref<16x128xi32, #tpu.memory_space<vmem>> -> memref<1x128xi32, #tpu.memory_space<vmem>>
        %dma_start3A_287 = tpu.memref_squeeze %dma_start3A_286 : memref<1x128xi32, #tpu.memory_space<vmem>> -> memref<128xi32, #tpu.memory_space<vmem>>
        %dma_start3A_288 = arith.constant 0 : i32
        %dma_start3A_289 = arith.constant 0 : i32
        %dma_start3A_290 = tpu.memref_slice %arg12[%dma_start3A_288, %dma_start3A_289] : memref<10112x128xf32, #tpu.memory_space<vmem_shared>> -> memref<10112x128xf32, #tpu.memory_space<vmem_shared>>
        tpu.enqueue_indirect_dma source(%arg11 : memref<128x128xf32, #tpu.memory_space<vmem>>) target(%dma_start3A_290 : memref<10112x128xf32, #tpu.memory_space<vmem_shared>>) offsets(%dma_start3A_287 : memref<128xi32, #tpu.memory_space<vmem>>) semaphore(%run_scoped3A_284 : memref<!tpu.dma_semaphore, #tpu.memory_space<semaphore_mem>>) {add = true}
        %dma_wait3A_291 = arith.constant 0 : i32
        %dma_wait3A_292 = tpu.memref_slice %arg9[%run_scoped3A_254, %dma_wait3A_291] : memref<16x128xi32, #tpu.memory_space<vmem>> -> memref<1x128xi32, #tpu.memory_space<vmem>>
        %dma_wait3A_293 = tpu.memref_squeeze %dma_wait3A_292 : memref<1x128xi32, #tpu.memory_space<vmem>> -> memref<128xi32, #tpu.memory_space<vmem>>
        %dma_wait3A_294 = arith.constant 0 : i32
        %dma_wait3A_295 = arith.constant 0 : i32
        %dma_wait3A_296 = tpu.memref_slice %arg12[%dma_wait3A_294, %dma_wait3A_295] : memref<10112x128xf32, #tpu.memory_space<vmem_shared>> -> memref<10112x128xf32, #tpu.memory_space<vmem_shared>>
        tpu.wait_indirect_dma semaphore(%run_scoped3A_284 : memref<!tpu.dma_semaphore, #tpu.memory_space<semaphore_mem>>) src(%arg11 : memref<128x128xf32, #tpu.memory_space<vmem>>) dst(%dma_wait3A_296 : memref<10112x128xf32, #tpu.memory_space<vmem_shared>>)
        tpu.yield
      }) : () -> ()
      %dma_start3A_255 = arith.constant 1 : i32
      %dma_start3A_256 = arith.constant 0 : i32
      %dma_start3A_257 = tpu.memref_slice %arg6[%dma_start3A_255, %dma_start3A_256] : memref<16x128xi32, #tpu.memory_space<vmem>> -> memref<1x128xi32, #tpu.memory_space<vmem>>
      %dma_start3A_258 = tpu.memref_squeeze %dma_start3A_257 : memref<1x128xi32, #tpu.memory_space<vmem>> -> memref<128xi32, #tpu.memory_space<vmem>>
      %dma_start3A_259 = arith.constant 0 : i32
      %dma_start3A_260 = arith.constant 0 : i32
      %dma_start3A_261 = tpu.memref_slice %arg2[%dma_start3A_259, %dma_start3A_260] : memref<10000x128xf32, #tpu.memory_space<hbm>> -> memref<10000x128xf32, #tpu.memory_space<hbm>>
      tpu.enqueue_indirect_dma source(%dma_start3A_261 : memref<10000x128xf32, #tpu.memory_space<hbm>>) target(%arg11 : memref<128x128xf32, #tpu.memory_space<vmem>>) offsets(%dma_start3A_258 : memref<128xi32, #tpu.memory_space<vmem>>) semaphore(%arg14 : memref<!tpu.dma_semaphore, #tpu.memory_space<semaphore_mem>>)
      %scan3A_262 = arith.constant 0 : i32
      %scan3A_263 = arith.constant 0 : i32
      %scan3A_264 = arith.constant 7 : i32
      %scan3A_265 = arith.addi %scan3A_263, %scan3A_264 : i32
      %scan3A_266 = arith.constant 1 : i32
      scf.for %scan3A_284 = %scan3A_263 to %scan3A_265 step %scan3A_266  : i32 {
        %mul3A_285 = arith.constant 2 : i32
        %mul3A_286 = arith.muli %mul3A_285, %scan3A_284 : i32
        %mul3A_287 = arith.constant 2 : i32
        %mul3A_288 = arith.muli %mul3A_287, %scan3A_284 : i32
        %add3A_289 = arith.constant 2 : i32
        %add3A_290 = arith.addi %mul3A_288, %add3A_289 : i32
        %dma_wait3A_291 = arith.constant 0 : i32
        %dma_wait3A_292 = tpu.memref_slice %arg6[%mul3A_286, %dma_wait3A_291] : memref<16x128xi32, #tpu.memory_space<vmem>> -> memref<1x128xi32, #tpu.memory_space<vmem>>
        %dma_wait3A_293 = tpu.memref_squeeze %dma_wait3A_292 : memref<1x128xi32, #tpu.memory_space<vmem>> -> memref<128xi32, #tpu.memory_space<vmem>>
        %dma_wait3A_294 = arith.constant 0 : i32
        %dma_wait3A_295 = arith.constant 0 : i32
        %dma_wait3A_296 = tpu.memref_slice %arg2[%dma_wait3A_294, %dma_wait3A_295] : memref<10000x128xf32, #tpu.memory_space<hbm>> -> memref<10000x128xf32, #tpu.memory_space<hbm>>
        tpu.wait_indirect_dma semaphore(%arg13 : memref<!tpu.dma_semaphore, #tpu.memory_space<semaphore_mem>>) src(%dma_wait3A_296 : memref<10000x128xf32, #tpu.memory_space<hbm>>) dst(%arg10 : memref<128x128xf32, #tpu.memory_space<vmem>>)
        "tpu.region"() ({
          %run_scoped3A_323 = tpu.sem_alloc : memref<!tpu.dma_semaphore, #tpu.memory_space<semaphore_mem>>
          %dma_start3A_324 = arith.constant 0 : i32
          %dma_start3A_325 = tpu.memref_slice %arg8[%mul3A_286, %dma_start3A_324] : memref<16x128xi32, #tpu.memory_space<vmem>> -> memref<1x128xi32, #tpu.memory_space<vmem>>
          %dma_start3A_326 = tpu.memref_squeeze %dma_start3A_325 : memref<1x128xi32, #tpu.memory_space<vmem>> -> memref<128xi32, #tpu.memory_space<vmem>>
          %dma_start3A_327 = arith.constant 0 : i32
          %dma_start3A_328 = arith.constant 0 : i32
          %dma_start3A_329 = tpu.memref_slice %arg12[%dma_start3A_327, %dma_start3A_328] : memref<10112x128xf32, #tpu.memory_space<vmem_shared>> -> memref<10112x128xf32, #tpu.memory_space<vmem_shared>>
          tpu.enqueue_indirect_dma source(%arg10 : memref<128x128xf32, #tpu.memory_space<vmem>>) target(%dma_start3A_329 : memref<10112x128xf32, #tpu.memory_space<vmem_shared>>) offsets(%dma_start3A_326 : memref<128xi32, #tpu.memory_space<vmem>>) semaphore(%run_scoped3A_323 : memref<!tpu.dma_semaphore, #tpu.memory_space<semaphore_mem>>) {add = true}
          %dma_wait3A_330 = arith.constant 0 : i32
          %dma_wait3A_331 = tpu.memref_slice %arg8[%mul3A_286, %dma_wait3A_330] : memref<16x128xi32, #tpu.memory_space<vmem>> -> memref<1x128xi32, #tpu.memory_space<vmem>>
          %dma_wait3A_332 = tpu.memref_squeeze %dma_wait3A_331 : memref<1x128xi32, #tpu.memory_space<vmem>> -> memref<128xi32, #tpu.memory_space<vmem>>
          %dma_wait3A_333 = arith.constant 0 : i32
          %dma_wait3A_334 = arith.constant 0 : i32
          %dma_wait3A_335 = tpu.memref_slice %arg12[%dma_wait3A_333, %dma_wait3A_334] : memref<10112x128xf32, #tpu.memory_space<vmem_shared>> -> memref<10112x128xf32, #tpu.memory_space<vmem_shared>>
          tpu.wait_indirect_dma semaphore(%run_scoped3A_323 : memref<!tpu.dma_semaphore, #tpu.memory_space<semaphore_mem>>) src(%arg10 : memref<128x128xf32, #tpu.memory_space<vmem>>) dst(%dma_wait3A_335 : memref<10112x128xf32, #tpu.memory_space<vmem_shared>>)
          tpu.yield
        }) : () -> ()
        %dma_start3A_297 = arith.constant 0 : i32
        %dma_start3A_298 = tpu.memref_slice %arg6[%add3A_290, %dma_start3A_297] : memref<16x128xi32, #tpu.memory_space<vmem>> -> memref<1x128xi32, #tpu.memory_space<vmem>>
        %dma_start3A_299 = tpu.memref_squeeze %dma_start3A_298 : memref<1x128xi32, #tpu.memory_space<vmem>> -> memref<128xi32, #tpu.memory_space<vmem>>
        %dma_start3A_300 = arith.constant 0 : i32
        %dma_start3A_301 = arith.constant 0 : i32
        %dma_start3A_302 = tpu.memref_slice %arg2[%dma_start3A_300, %dma_start3A_301] : memref<10000x128xf32, #tpu.memory_space<hbm>> -> memref<10000x128xf32, #tpu.memory_space<hbm>>
        tpu.enqueue_indirect_dma source(%dma_start3A_302 : memref<10000x128xf32, #tpu.memory_space<hbm>>) target(%arg10 : memref<128x128xf32, #tpu.memory_space<vmem>>) offsets(%dma_start3A_299 : memref<128xi32, #tpu.memory_space<vmem>>) semaphore(%arg13 : memref<!tpu.dma_semaphore, #tpu.memory_space<semaphore_mem>>)
        %mul3A_303 = arith.constant 2 : i32
        %mul3A_304 = arith.muli %mul3A_303, %scan3A_284 : i32
        %add3A_305 = arith.constant 1 : i32
        %add3A_306 = arith.addi %mul3A_304, %add3A_305 : i32
        %mul3A_307 = arith.constant 2 : i32
        %mul3A_308 = arith.muli %mul3A_307, %scan3A_284 : i32
        %add3A_309 = arith.constant 3 : i32
        %add3A_310 = arith.addi %mul3A_308, %add3A_309 : i32
        %dma_wait3A_311 = arith.constant 0 : i32
        %dma_wait3A_312 = tpu.memref_slice %arg6[%add3A_306, %dma_wait3A_311] : memref<16x128xi32, #tpu.memory_space<vmem>> -> memref<1x128xi32, #tpu.memory_space<vmem>>
        %dma_wait3A_313 = tpu.memref_squeeze %dma_wait3A_312 : memref<1x128xi32, #tpu.memory_space<vmem>> -> memref<128xi32, #tpu.memory_space<vmem>>
        %dma_wait3A_314 = arith.constant 0 : i32
        %dma_wait3A_315 = arith.constant 0 : i32
        %dma_wait3A_316 = tpu.memref_slice %arg2[%dma_wait3A_314, %dma_wait3A_315] : memref<10000x128xf32, #tpu.memory_space<hbm>> -> memref<10000x128xf32, #tpu.memory_space<hbm>>
        tpu.wait_indirect_dma semaphore(%arg14 : memref<!tpu.dma_semaphore, #tpu.memory_space<semaphore_mem>>) src(%dma_wait3A_316 : memref<10000x128xf32, #tpu.memory_space<hbm>>) dst(%arg11 : memref<128x128xf32, #tpu.memory_space<vmem>>)
        "tpu.region"() ({
          %run_scoped3A_323 = tpu.sem_alloc : memref<!tpu.dma_semaphore, #tpu.memory_space<semaphore_mem>>
          %dma_start3A_324 = arith.constant 0 : i32
          %dma_start3A_325 = tpu.memref_slice %arg8[%add3A_306, %dma_start3A_324] : memref<16x128xi32, #tpu.memory_space<vmem>> -> memref<1x128xi32, #tpu.memory_space<vmem>>
          %dma_start3A_326 = tpu.memref_squeeze %dma_start3A_325 : memref<1x128xi32, #tpu.memory_space<vmem>> -> memref<128xi32, #tpu.memory_space<vmem>>
          %dma_start3A_327 = arith.constant 0 : i32
          %dma_start3A_328 = arith.constant 0 : i32
          %dma_start3A_329 = tpu.memref_slice %arg12[%dma_start3A_327, %dma_start3A_328] : memref<10112x128xf32, #tpu.memory_space<vmem_shared>> -> memref<10112x128xf32, #tpu.memory_space<vmem_shared>>
          tpu.enqueue_indirect_dma source(%arg11 : memref<128x128xf32, #tpu.memory_space<vmem>>) target(%dma_start3A_329 : memref<10112x128xf32, #tpu.memory_space<vmem_shared>>) offsets(%dma_start3A_326 : memref<128xi32, #tpu.memory_space<vmem>>) semaphore(%run_scoped3A_323 : memref<!tpu.dma_semaphore, #tpu.memory_space<semaphore_mem>>) {add = true}
          %dma_wait3A_330 = arith.constant 0 : i32
          %dma_wait3A_331 = tpu.memref_slice %arg8[%add3A_306, %dma_wait3A_330] : memref<16x128xi32, #tpu.memory_space<vmem>> -> memref<1x128xi32, #tpu.memory_space<vmem>>
          %dma_wait3A_332 = tpu.memref_squeeze %dma_wait3A_331 : memref<1x128xi32, #tpu.memory_space<vmem>> -> memref<128xi32, #tpu.memory_space<vmem>>
          %dma_wait3A_333 = arith.constant 0 : i32
          %dma_wait3A_334 = arith.constant 0 : i32
          %dma_wait3A_335 = tpu.memref_slice %arg12[%dma_wait3A_333, %dma_wait3A_334] : memref<10112x128xf32, #tpu.memory_space<vmem_shared>> -> memref<10112x128xf32, #tpu.memory_space<vmem_shared>>
          tpu.wait_indirect_dma semaphore(%run_scoped3A_323 : memref<!tpu.dma_semaphore, #tpu.memory_space<semaphore_mem>>) src(%arg11 : memref<128x128xf32, #tpu.memory_space<vmem>>) dst(%dma_wait3A_335 : memref<10112x128xf32, #tpu.memory_space<vmem_shared>>)
          tpu.yield
        }) : () -> ()
        %dma_start3A_317 = arith.constant 0 : i32
        %dma_start3A_318 = tpu.memref_slice %arg6[%add3A_310, %dma_start3A_317] : memref<16x128xi32, #tpu.memory_space<vmem>> -> memref<1x128xi32, #tpu.memory_space<vmem>>
        %dma_start3A_319 = tpu.memref_squeeze %dma_start3A_318 : memref<1x128xi32, #tpu.memory_space<vmem>> -> memref<128xi32, #tpu.memory_space<vmem>>
        %dma_start3A_320 = arith.constant 0 : i32
        %dma_start3A_321 = arith.constant 0 : i32
        %dma_start3A_322 = tpu.memref_slice %arg2[%dma_start3A_320, %dma_start3A_321] : memref<10000x128xf32, #tpu.memory_space<hbm>> -> memref<10000x128xf32, #tpu.memory_space<hbm>>
        tpu.enqueue_indirect_dma source(%dma_start3A_322 : memref<10000x128xf32, #tpu.memory_space<hbm>>) target(%arg11 : memref<128x128xf32, #tpu.memory_space<vmem>>) offsets(%dma_start3A_319 : memref<128xi32, #tpu.memory_space<vmem>>) semaphore(%arg14 : memref<!tpu.dma_semaphore, #tpu.memory_space<semaphore_mem>>)
      }
      %scan3A_267 = arith.constant 7 : i32
      %dma_wait3A_268 = arith.constant 14 : i32
      %dma_wait3A_269 = arith.constant 0 : i32
      %dma_wait3A_270 = tpu.memref_slice %arg6[%dma_wait3A_268, %dma_wait3A_269] : memref<16x128xi32, #tpu.memory_space<vmem>> -> memref<1x128xi32, #tpu.memory_space<vmem>>
      %dma_wait3A_271 = tpu.memref_squeeze %dma_wait3A_270 : memref<1x128xi32, #tpu.memory_space<vmem>> -> memref<128xi32, #tpu.memory_space<vmem>>
      %dma_wait3A_272 = arith.constant 0 : i32
      %dma_wait3A_273 = arith.constant 0 : i32
      %dma_wait3A_274 = tpu.memref_slice %arg2[%dma_wait3A_272, %dma_wait3A_273] : memref<10000x128xf32, #tpu.memory_space<hbm>> -> memref<10000x128xf32, #tpu.memory_space<hbm>>
      tpu.wait_indirect_dma semaphore(%arg13 : memref<!tpu.dma_semaphore, #tpu.memory_space<semaphore_mem>>) src(%dma_wait3A_274 : memref<10000x128xf32, #tpu.memory_space<hbm>>) dst(%arg10 : memref<128x128xf32, #tpu.memory_space<vmem>>)
      %run_scoped3A_275 = arith.constant 14 : i32
      "tpu.region"() ({
        %run_scoped3A_284 = tpu.sem_alloc : memref<!tpu.dma_semaphore, #tpu.memory_space<semaphore_mem>>
        %dma_start3A_285 = arith.constant 0 : i32
        %dma_start3A_286 = tpu.memref_slice %arg8[%run_scoped3A_275, %dma_start3A_285] : memref<16x128xi32, #tpu.memory_space<vmem>> -> memref<1x128xi32, #tpu.memory_space<vmem>>
        %dma_start3A_287 = tpu.memref_squeeze %dma_start3A_286 : memref<1x128xi32, #tpu.memory_space<vmem>> -> memref<128xi32, #tpu.memory_space<vmem>>
        %dma_start3A_288 = arith.constant 0 : i32
        %dma_start3A_289 = arith.constant 0 : i32
        %dma_start3A_290 = tpu.memref_slice %arg12[%dma_start3A_288, %dma_start3A_289] : memref<10112x128xf32, #tpu.memory_space<vmem_shared>> -> memref<10112x128xf32, #tpu.memory_space<vmem_shared>>
        tpu.enqueue_indirect_dma source(%arg10 : memref<128x128xf32, #tpu.memory_space<vmem>>) target(%dma_start3A_290 : memref<10112x128xf32, #tpu.memory_space<vmem_shared>>) offsets(%dma_start3A_287 : memref<128xi32, #tpu.memory_space<vmem>>) semaphore(%run_scoped3A_284 : memref<!tpu.dma_semaphore, #tpu.memory_space<semaphore_mem>>) {add = true}
        %dma_wait3A_291 = arith.constant 0 : i32
        %dma_wait3A_292 = tpu.memref_slice %arg8[%run_scoped3A_275, %dma_wait3A_291] : memref<16x128xi32, #tpu.memory_space<vmem>> -> memref<1x128xi32, #tpu.memory_space<vmem>>
        %dma_wait3A_293 = tpu.memref_squeeze %dma_wait3A_292 : memref<1x128xi32, #tpu.memory_space<vmem>> -> memref<128xi32, #tpu.memory_space<vmem>>
        %dma_wait3A_294 = arith.constant 0 : i32
        %dma_wait3A_295 = arith.constant 0 : i32
        %dma_wait3A_296 = tpu.memref_slice %arg12[%dma_wait3A_294, %dma_wait3A_295] : memref<10112x128xf32, #tpu.memory_space<vmem_shared>> -> memref<10112x128xf32, #tpu.memory_space<vmem_shared>>
        tpu.wait_indirect_dma semaphore(%run_scoped3A_284 : memref<!tpu.dma_semaphore, #tpu.memory_space<semaphore_mem>>) src(%arg10 : memref<128x128xf32, #tpu.memory_space<vmem>>) dst(%dma_wait3A_296 : memref<10112x128xf32, #tpu.memory_space<vmem_shared>>)
        tpu.yield
      }) : () -> ()
      %dma_wait3A_276 = arith.constant 15 : i32
      %dma_wait3A_277 = arith.constant 0 : i32
      %dma_wait3A_278 = tpu.memref_slice %arg6[%dma_wait3A_276, %dma_wait3A_277] : memref<16x128xi32, #tpu.memory_space<vmem>> -> memref<1x128xi32, #tpu.memory_space<vmem>>
      %dma_wait3A_279 = tpu.memref_squeeze %dma_wait3A_278 : memref<1x128xi32, #tpu.memory_space<vmem>> -> memref<128xi32, #tpu.memory_space<vmem>>
      %dma_wait3A_280 = arith.constant 0 : i32
      %dma_wait3A_281 = arith.constant 0 : i32
      %dma_wait3A_282 = tpu.memref_slice %arg2[%dma_wait3A_280, %dma_wait3A_281] : memref<10000x128xf32, #tpu.memory_space<hbm>> -> memref<10000x128xf32, #tpu.memory_space<hbm>>
      tpu.wait_indirect_dma semaphore(%arg14 : memref<!tpu.dma_semaphore, #tpu.memory_space<semaphore_mem>>) src(%dma_wait3A_282 : memref<10000x128xf32, #tpu.memory_space<hbm>>) dst(%arg11 : memref<128x128xf32, #tpu.memory_space<vmem>>)
      %run_scoped3A_283 = arith.constant 15 : i32
      "tpu.region"() ({
        %run_scoped3A_284 = tpu.sem_alloc : memref<!tpu.dma_semaphore, #tpu.memory_space<semaphore_mem>>
        %dma_start3A_285 = arith.constant 0 : i32
        %dma_start3A_286 = tpu.memref_slice %arg8[%run_scoped3A_283, %dma_start3A_285] : memref<16x128xi32, #tpu.memory_space<vmem>> -> memref<1x128xi32, #tpu.memory_space<vmem>>
        %dma_start3A_287 = tpu.memref_squeeze %dma_start3A_286 : memref<1x128xi32, #tpu.memory_space<vmem>> -> memref<128xi32, #tpu.memory_space<vmem>>
        %dma_start3A_288 = arith.constant 0 : i32
        %dma_start3A_289 = arith.constant 0 : i32
        %dma_start3A_290 = tpu.memref_slice %arg12[%dma_start3A_288, %dma_start3A_289] : memref<10112x128xf32, #tpu.memory_space<vmem_shared>> -> memref<10112x128xf32, #tpu.memory_space<vmem_shared>>
        tpu.enqueue_indirect_dma source(%arg11 : memref<128x128xf32, #tpu.memory_space<vmem>>) target(%dma_start3A_290 : memref<10112x128xf32, #tpu.memory_space<vmem_shared>>) offsets(%dma_start3A_287 : memref<128xi32, #tpu.memory_space<vmem>>) semaphore(%run_scoped3A_284 : memref<!tpu.dma_semaphore, #tpu.memory_space<semaphore_mem>>) {add = true}
        %dma_wait3A_291 = arith.constant 0 : i32
        %dma_wait3A_292 = tpu.memref_slice %arg8[%run_scoped3A_283, %dma_wait3A_291] : memref<16x128xi32, #tpu.memory_space<vmem>> -> memref<1x128xi32, #tpu.memory_space<vmem>>
        %dma_wait3A_293 = tpu.memref_squeeze %dma_wait3A_292 : memref<1x128xi32, #tpu.memory_space<vmem>> -> memref<128xi32, #tpu.memory_space<vmem>>
        %dma_wait3A_294 = arith.constant 0 : i32
        %dma_wait3A_295 = arith.constant 0 : i32
        %dma_wait3A_296 = tpu.memref_slice %arg12[%dma_wait3A_294, %dma_wait3A_295] : memref<10112x128xf32, #tpu.memory_space<vmem_shared>> -> memref<10112x128xf32, #tpu.memory_space<vmem_shared>>
        tpu.wait_indirect_dma semaphore(%run_scoped3A_284 : memref<!tpu.dma_semaphore, #tpu.memory_space<semaphore_mem>>) src(%arg11 : memref<128x128xf32, #tpu.memory_space<vmem>>) dst(%dma_wait3A_296 : memref<10112x128xf32, #tpu.memory_space<vmem_shared>>)
        tpu.yield
      }) : () -> ()
    } else {
    }
    %barrier3A_23 = arith.constant 0 : index
    tpu.barrier barrier_id(%barrier3A_23)
    %mul3A_24 = arith.constant 10112 : i32
    %mul3A_25 = arith.muli %arg0, %mul3A_24 : i32
    %mul3A_26 = arith.constant 632 : i32
    %mul3A_27 = arith.muli %arg1, %mul3A_26 : i32
    %add3A_28 = arith.addi %mul3A_25, %mul3A_27 : i32
    %mul3A_29 = arith.constant 632 : i32
    %mul3A_30 = arith.muli %arg1, %mul3A_29 : i32
    "tpu.region"() ({
      %run_scoped3A = tpu.sem_alloc : memref<!tpu.dma_semaphore, #tpu.memory_space<semaphore_mem>>
      %dma_start3A = arith.constant 0 : i32
      %dma_start3A_31 = tpu.memref_slice %arg5[%add3A_28, %dma_start3A] : memref<20224x128xf32, #tpu.memory_space<hbm>> -> memref<632x128xf32, #tpu.memory_space<hbm>>
      %dma_start3A_32 = arith.constant 0 : i32
      %dma_start3A_33 = tpu.memref_slice %arg12[%mul3A_30, %dma_start3A_32] : memref<10112x128xf32, #tpu.memory_space<vmem_shared>> -> memref<632x128xf32, #tpu.memory_space<vmem_shared>>
      tpu.enqueue_dma source(%dma_start3A_33 : memref<632x128xf32, #tpu.memory_space<vmem_shared>>) target(%dma_start3A_31 : memref<632x128xf32, #tpu.memory_space<hbm>>) target_semaphore(%run_scoped3A : memref<!tpu.dma_semaphore, #tpu.memory_space<semaphore_mem>>)
      %dma_wait3A = arith.constant 0 : i32
      %dma_wait3A_34 = tpu.memref_slice %arg5[%add3A_28, %dma_wait3A] : memref<20224x128xf32, #tpu.memory_space<hbm>> -> memref<632x128xf32, #tpu.memory_space<hbm>>
      %dma_wait3A_35 = arith.constant 0 : i32
      %dma_wait3A_36 = tpu.memref_slice %arg12[%mul3A_30, %dma_wait3A_35] : memref<10112x128xf32, #tpu.memory_space<vmem_shared>> -> memref<632x128xf32, #tpu.memory_space<vmem_shared>>
      tpu.wait_dma2 semaphore(%run_scoped3A : memref<!tpu.dma_semaphore, #tpu.memory_space<semaphore_mem>>) src(%dma_wait3A_36 : memref<632x128xf32, #tpu.memory_space<vmem_shared>>) dst(%dma_wait3A_34 : memref<632x128xf32, #tpu.memory_space<hbm>>)
      tpu.yield
    }) : () -> ()
    return
  }
}

</mosaic_0001>

<sc_bundles>
// kernel: _sc_edge_agg.3.cloned.1.call-start
scs
__scs_entry_jumppad:
0x0: {  	(pc) =	sbr.rel $0x88, $3  }
0x1: {  	(tag) =	ssettag $0x0;
	lr =	simm.s32 $0x1  }
0x2: {  	[smem:$0x3F9E] =	sst lr;
	_ =	strace $0xD0000000  }
0x3: {  	_ = 	snop  }
0x4: {  	_ = 	snop  }
0x5: {  	_ = 	snop  }
0x6: {  	_ = 	snop  }
0x7: {  	_ = 	snop  }
__scs_overlays_trampoline_lowered:
0x8: {  	[smem:$0x3FAD] =	sst s0  }
0x9: {  	[smem:$0x3FAE] =	sst s1  }
0xa: {  	[smem:$0x3FAF] =	sst s2  }
0xb: {  	[smem:$0x3FB0] =	sst s3  }
0xc: {  	[smem:$0x3FB1] =	sst s4  }
0xd: {  	[smem:$0x3FB2] =	sst s5  }
0xe: {  	[smem:$0x3FB3] =	sst s6  }
0xf: {  	[smem:$0x3FB4] =	sst s7  }
0x10: {  	[smem:$0x3FB5] =	sst s8  }
0x11: {  	[smem:$0x3FB6] =	sst s9;
	s0 =	simm.s32 @!p0 $0x0  }
0x12: {  	s1 =	sld [smem:$0x3F9C];
	s0 =	simm.s32 @p0 $0x1  }
0x13: {  	[smem:$0x3FB7] =	sst s0;
	s0 =	simm.s32 @!p1 $0x0  }
0x14: {  	s2 =	sld [smem:$0x3F9B];
	s0 =	simm.s32 @p1 $0x1  }
0x15: {  	[smem:$0x3FB8] =	sst s0;
	s0 =	simm.s32 @!p2 $0x0  }
0x16: {  	s3 =	sld [smem:$0x3FDB];
	s0 =	simm.s32 @p2 $0x1  }
0x17: {  	s4 =	simm.s32 $0x1BF5;
	[smem:$0x3FBA] =	sst s0  }
0x18: {  	s0 =	sld [smem:$0x3F9D];
	_ =	swait.ge [sflag:s4], $0x0  }
0x19: {  	s7 =	sld [smem:$0x3F9E]  }
0x1a: {  	s8 =	sadd.s32 $0xFFFFE003, lr  }
0x1b: {  	s9 =	sadd.s32 $0xFFFFFEF7, lr;
	s5 =	simm.s32 $0xFFFFFFFF;
	p2 =	slt.u32 s8, $0xFFFFF086  }
0x1c: {  	p1 =	slt.u32 s9, $0xF7A;
	s5 =	simm.s32 @!p2 $0x0  }
0x1d: {  	s5 =	simm.s32 @p1 $0x1;
	p0 =	seq.s32 s7, s2  }
0x1e: {  	s7 =	smul.u32 @!p0 $0xF7A, s2;
	p2 =	seq.s32 @!p0 s5, $0x0  }
0x1f: {  	s9 =	smul.u32 $0xF7A, s1;
	s8 =	simm.s32 @!p0 $0x1BF5;
	p2 =	por !p2, p0  }
0x20: {  	[sflag:s8] =	ssyncset.s32 @!p0 $0xFFFFF086;
	s6 =	sadd.s32 @!p0 s3, s7;
	s7 =	simm.s32 @!p0 $0x108  }
0x21: {  	s3 =	sadd.s32 s3, s9;
	s6 =	sadd.s32 @!p0 $0x88, s6;
	s7 =	simm.s32 @p2 $0x1082  }
0x22: {  	[simem:s7], [sflag:s8] =	dma.local @!p0 [hbm:s6], $0xF7A  }
0x23: {  	s9 =	sor.u32 $0xD0000000, s2;
	s6 =	simm.s32 $0x108;
	_ =	swait.ge @!p0 [sflag:s8], $0x0  }
0x24: {  	s3 =	sadd.s32 $0x88, s3;
	s6 =	simm.s32 @!p1 $0x1082;
	[sflag:s4] =	ssyncset.s32 $0xFFFFF086  }
0x25: {  	[simem:s6], [sflag:s4] =	dma.local [hbm:s3], $0xF7A  }
0x26: {  	[smem:$0x3F9E] =	sst s1;
	(tag) =	ssettag s2;
	_ =	strace s9  }
0x27: {  	s1 =	sld [smem:$0x3FAE]  }
0x28: {  	s2 =	sld [smem:$0x3FAF]  }
0x29: {  	s4 =	sld [smem:$0x3FB1]  }
0x2a: {  	p0 =	seq.s32 s5, $0x0;
	s5 =	sld [smem:$0x3FB2]  }
0x2b: {  	s6 =	sld [smem:$0x3FB3]  }
0x2c: {  	s7 =	sld [smem:$0x3FB4]  }
0x2d: {  	s3 =	simm.s32 $0x108;
	s8 =	sld [smem:$0x3FB5]  }
0x2e: {  	s3 =	simm.s32 @!p0 $0x1082;
	s9 =	sld [smem:$0x3FB6]  }
0x2f: {  	lr =	sadd.s32 s0, s3;
	s0 =	sld [smem:$0x3FAD]  }
0x30: {  	s3 =	sld [smem:$0x3FB0]  }
0x31: {  	[smem:$0x3FB9] =	sst s10  }
0x32: {  	s10 =	sld [smem:$0x3FB7];
	_ =	sdelay $0x3  }
0x33: {  	p0 =	seq.s32 s10, $0x1;
	s10 =	sld [smem:$0x3FB9];
	_ =	sdelay $0x3  }
0x34: {  	[smem:$0x3FB9] =	sst s10  }
0x35: {  	s10 =	sld [smem:$0x3FB8];
	_ =	sdelay $0x3  }
0x36: {  	p1 =	seq.s32 s10, $0x1;
	s10 =	sld [smem:$0x3FB9];
	_ =	sdelay $0x3  }
0x37: {  	[smem:$0x3FB9] =	sst s10  }
0x38: {  	s10 =	sld [smem:$0x3FBA]  }
0x39: {  	_ = 	snop;
	(pc) =	sbr.ind lr, $3  }
0x3a: {  	_ = 	snop  }
0x3b: {  	_ = 	snop  }
0x3c: {  	p2 =	seq.s32 s10, $0x1;
	s10 =	sld [smem:$0x3FB9]  }
0x3d: {  	_ =	shalt  }
0x3e: {  	_ =	shalt  }
0x3f: {  	_ =	shalt  }
0x40: {  	_ =	shalt  }
0x41: {  	_ =	shalt  }
0x42: {  	_ =	shalt  }
0x43: {  	_ =	shalt  }
0x44: {  	_ =	shalt  }
0x45: {  	_ =	shalt  }
0x46: {  	_ =	shalt  }
0x47: {  	_ =	shalt  }
0x48: {  	_ =	shalt  }
0x49: {  	_ =	shalt  }
0x4a: {  	_ =	shalt  }
0x4b: {  	_ =	shalt  }
0x4c: {  	_ =	shalt  }
0x4d: {  	_ =	shalt  }
0x4e: {  	_ =	shalt  }
0x4f: {  	_ =	shalt  }
0x50: {  	_ =	shalt  }
0x51: {  	_ =	shalt  }
0x52: {  	_ =	shalt  }
0x53: {  	_ =	shalt  }
0x54: {  	_ =	shalt  }
0x55: {  	_ =	shalt  }
0x56: {  	_ =	shalt  }
0x57: {  	_ =	shalt  }
0x58: {  	_ =	shalt  }
0x59: {  	_ =	shalt  }
0x5a: {  	_ =	shalt  }
0x5b: {  	_ =	shalt  }
0x5c: {  	_ =	shalt  }
0x5d: {  	_ =	shalt  }
0x5e: {  	_ =	shalt  }
0x5f: {  	_ =	shalt  }
0x60: {  	_ =	shalt  }
0x61: {  	_ =	shalt  }
0x62: {  	_ =	shalt  }
0x63: {  	_ =	shalt  }
0x64: {  	_ =	shalt  }
0x65: {  	_ =	shalt  }
0x66: {  	_ =	shalt  }
0x67: {  	_ =	shalt  }
0x68: {  	_ =	shalt  }
0x69: {  	_ =	shalt  }
0x6a: {  	_ =	shalt  }
0x6b: {  	_ =	shalt  }
0x6c: {  	_ =	shalt  }
0x6d: {  	_ =	shalt  }
0x6e: {  	_ =	shalt  }
0x6f: {  	_ =	shalt  }
0x70: {  	_ =	shalt  }
0x71: {  	_ =	shalt  }
0x72: {  	_ =	shalt  }
0x73: {  	_ =	shalt  }
0x74: {  	_ =	shalt  }
0x75: {  	_ =	shalt  }
0x76: {  	_ =	shalt  }
0x77: {  	_ =	shalt  }
0x78: {  	_ =	shalt  }
0x79: {  	_ =	shalt  }
0x7a: {  	_ =	shalt  }
0x7b: {  	_ =	shalt  }
0x7c: {  	_ =	shalt  }
0x7d: {  	_ =	shalt  }
0x7e: {  	_ =	shalt  }
0x7f: {  	_ =	shalt  }
0x80: {  	_ =	shalt  }
0x81: {  	_ =	shalt  }
0x82: {  	_ =	shalt  }
0x83: {  	_ =	shalt  }
0x84: {  	_ =	shalt  }
0x85: {  	_ =	shalt  }
0x86: {  	_ =	shalt  }
0x87: {  	_ =	shalt  }
.Lfunc_end0:
.L_simem_size_0:
called_computation_lowered:
.L_overlay_start_0:
0x88: {  	s2 =	sld [smem:$0x3FD9]  }
0x89: {  	s3 =	sld [smem:$0x3FFE];
	_ =	sdelay $0x1  }
0x8a: {  	s1 =	srdreg.scid  }
0x8b: {  	s0 =	sand.u32 $0x1, s1  }
0x8c: {  	s18 =	sshll.u32 s0, $0xA;
	s2 =	sadd.s32 s3, s2  }
0x8d: {  	s2 =	sadd.s32 s2, s18  }
0x8e: {  	[smem:$0x3FC5] =	sst s2  }
0x8f: {  	_ = 	snop  }
0x90: {  	s2 =	sld [smem:$0x3FC9]  }
0x91: {  	s19 =	sld [smem:$0x3FC8]  }
0x92: {  	s4 =	sld [smem:$0x3FC7]  }
0x93: {  	s5 =	sld [smem:$0x3FD0];
	(tm) =	ssettm $0x1  }
0x94: {  	s6 =	sld [smem:$0x3FFB];
	_ =	sdelay $0x3  }
0x95: {  	_ =	strace s6  }
0x96: {  	s6 =	sld [smem:$0x3FFC];
	_ =	sdelay $0x3  }
0x97: {  	_ =	strace s6  }
0x98: {  	s6 =	sld [smem:$0x3FFD];
	_ =	sdelay $0x3  }
0x99: {  	_ =	strace s6  }
0x9a: {  	_ =	strace $0x8FFFFFFF  }
0x9b: {  	s20 =	sld [smem:$0x3FDB];
	_ =	sdelay $0x1  }
0x9c: {  	s7 =	simm.s32 $_scs_section_size  }
0x9d: {  	s8 =	simm.s32 $_size__tile_overlayer_lowered;
	s9 =	simm.s32 $_tile_overlayer_lowered  }
0x9e: {  	s23 =	simm.s32 $0x1BFF;
	s22 =	sshll.u32 s9, $0x1;
	s6 =	sadd.s32 s7, s20  }
0x9f: {  	s10 =	simm.s32 $0x0;
	s21 =	sshll.u32 s8, $0x1;
	s8 =	sadd.s32 s22, s6  }
0xa0: {  	[timem:s10], [sflag:s23] =	dma.local [hbm:s8], s21  }
0xa1: {  	_ =	swait.ge [sflag:s23], s21  }
0xa2: {  	s7 =	ssub.s32 $0x0, s21;
	[sflag:s23] =	ssyncset.done $0x0  }
0xa3: {  	[sflag:s23] =	ssyncadd.s32 s7;
	_ =	sdelay $0x1  }
0xa4: {  	s24 =	simm.s32 $0x1B8B  }
0xa5: {  	_ =	swait.ge [sflag:s24], $0x1  }
0xa6: {  	[sflag:s24] =	ssyncset.done $0x0  }
0xa7: {  	s25 =	simm.s32 $0x1B8E;
	[sflag:s24] =	ssyncadd.s32 $0xFFFFFFFF  }
0xa8: {  	s26 =	simm.s32 $execute0_lowered;
	[smem:$0x3FD2] =	sst s25  }
0xa9: {  	s7 =	sshll.u32 s26, $0x1;
	_ =	strace $0x80000046;
	[dreg:$0x1] =	wrdreg $0xFFFFFFFF  }
0xaa: {  	s28 =	simm.s32 $_size_execute0_lowered;
	s6 =	sadd.s32 s6, s7;
	[dreg:$0x0] =	wrdreg $0x0  }
0xab: {  	s7 =	sshll.u32 s28, $0x1;
	[dreg:$0x2] =	wrdreg s6  }
0xac: {  	[dreg:$0x3] =	wrdreg s7  }
0xad: {  	[dreg:$0x4] =	wrdreg $0xC0  }
0xae: {  	_ =	task [dreg:s10], $0x5FFFF  }
0xaf: {  	[dreg:$0x1] =	wrdreg $0xFFFFFFFF  }
0xb0: {  	[dreg:$0x0] =	wrdreg $0x60  }
0xb1: {  	[dreg:$0x2] =	wrdreg s2  }
0xb2: {  	[dreg:$0x3] =	wrdreg s19  }
0xb3: {  	[dreg:$0x4] =	wrdreg s4  }
0xb4: {  	[dreg:$0x5] =	wrdreg s5  }
0xb5: {  	[dreg:$0x6] =	wrdreg $0xA0000  }
0xb6: {  	[dreg:$0x7] =	wrdreg $0x9  }
0xb7: {  	_ =	task.clear_ibuf [dreg:s10], $0x8FFFF;
	_ =	strace $0x90000046  }
0xb8: {  	s29 =	simm.s32 $0x9;
	_ =	strace $0x80000048  }
0xb9: {  	_ =	swait.ge [sflag:s29], $0x1  }
0xba: {  	[sflag:s29] =	ssyncadd.s32 $0xFFFFFFFF  }
0xbb: {  	_ =	strace $0x90000048  }
0xbc: {  	_ =	sfence  }
0xbd: {  	s30 =	sld [smem:$0x0];
	_ =	sdelay $0x2  }
0xbe: {  	s31 =	sshll.u32 s1, $0xD;
	s1 =	sshrl.u32 s1, $0x2  }
0xbf: {  	s3 =	sand.u32 $0x4000, s31;
	s1 =	sadd.s32 s1, s30  }
0xc0: {  	s0 =	sor.u32 s3, s0;
	s1 =	sshll.u32 s1, $0x11  }
0xc1: {  	s0 =	sor.u32 s1, s0  }
0xc2: {  	s0 =	sadd.s32 $0x8F2B, s0  }
0xc3: {  	[sflag:s0] =	ssyncadd.remote.s32 $0x1  }
0xc4: {  	_ =	sfence.sel $0xFFFF  }
0xc5: {  	[dreg:$0x0] =	wrdreg $0xFFFFFFFF;
	(pc) =	sbr.abs _section_cstart, $3  }
0xc6: {  	[dreg:$0x1] =	wrdreg $0xFFFFFFFF  }
0xc7: {  	_ =	task.clear_ibuf [dreg:s10], $0x2FFFF;
	_ =	strace $0x9FFFFFFF  }
0xc8: {  	(tm) =	ssettm $0x7FFFFFFF  }
0xc9: {  	_ =	shalt  }
tec
execute0_lowered:
.L_overlay_start_1:
0x0: {  	(tag) =	ssettag $0x1  }
0x1: {  	s1 =	rddreg [dreg:$0x0]  }
0x2: {  	s0 =	rddreg [dreg:$0x1]  }
0x3: {  	s2 =	rddreg [dreg:$0x2]  }
0x4: {  	s6 =	rddreg [dreg:$0x3]  }
0x5: {  	s3 =	rddreg [dreg:$0x4];
	s12 =	stileid.u32  }
0x6: {  	s4 =	simm.s32 $0x0;
	s5 =	srdreg.scid;
	s7 =	smul.u32 $0x4F000, s12  }
0x7: {  	s30 =	simm.s32 $0x1;
	s28 =	simm.s32 $0x1A80;
	s10 =	smul.u32 $0x2780, s12  }
0x8: {  	[smem:$0x7FF] =	sst s4;
	s8 =	sand.u32 $0x1, s5;
	s29 =	smul.u32 $0x2800, s12  }
0x9: {  	s31 =	simm.s32 $0xB80;
	_ =	strace $0x80000047;
	s15 =	smul.u32 $0x27800, s8  }
0xa: {  	s9 =	ssub.s32 $0x2, s8;
	p0 =	seq.s32 s8, $0x1;
	s8 =	smul.u32 $0x500, s12  }
0xb: {  	s24 =	sshrl.u32 s7, $0x2;
	s25 =	sshrl.u32 s9, $0x1;
	s16 =	sshrl.u32 s29, $0x3  }
0xc: {  	s5 =	sadd.s32 s24, s3;
	s7 =	ssub.s32 s9, s25;
	s10 =	sadd.s32 s10, s15  }
0xd: {  	s12 =	sadd.s32 $0x5000, s16;
	s16 =	simm.s32 $0x0;
	s9 =	simm.s32 $0x1880  }
0xe: {  	s15 =	simm.s32 $0xA80;
	s26 =	sadd.s32 $0x4000, s5;
	[dreg:$0x16] =	wrdreg s5  }
0xf: {  	s11 =	sadd.s32 $0x8000, s5;
	s14 =	sadd.s32 $0xC000, s5;
	[dreg:$0x6] =	wrdreg s26  }
0x10: {  	s13 =	sadd.s32 $0x10000, s5;
	s6 =	sadd.s32 s6, s10;
	[dreg:$0x7] =	wrdreg s11  }
0x11: {  	s17 =	smax.u32 s7, $0x1;
	s8 =	smov.u32 @p0 s12;
	[dreg:$0x8] =	wrdreg s14  }
0x12: {  	s7 =	simm.s32 $0x29000;
	s10 =	simm.s32 $0x980;
	[dreg:$0x9] =	wrdreg s13  }
0x13: {  	s12 =	simm.s32 $0xA00;
	s11 =	simm.s32 $0x28800;
	[dreg:$0xa] =	wrdreg s6  }
0x14: {  	[dreg:$0xb] =	wrdreg s17;
	s19 =	sadd.s32 s0, s8;
	s8 =	sadd.s32 s2, s8  }
0x15: {  	s7 =	simm.s32 @!p0 $0x1000;
	s13 =	simm.s32 $0x3;
	[dreg:$0xc] =	wrdreg s19  }
0x16: {  	s14 =	simm.s32 $0x1980;
	s11 =	simm.s32 @!p0 $0x800;
	[dreg:$0xd] =	wrdreg s8  }
0x17: {  	s21 =	sadd.s32 s7, s29;
	s7 =	simm.s32 $0x29800;
	s8 =	simm.s32 $0x2A000  }
0x18: {  	s18 =	sadd.s32 s11, s29;
	s7 =	simm.s32 @!p0 $0x1800;
	s8 =	simm.s32 @!p0 $0x2000  }
0x19: {  	s11 =	simm.s32 $0x1900;
	s6 =	sshrl.u32 s18, $0x3;
	s7 =	sadd.s32 s7, s29  }
0x1a: {  	s24 =	sadd.s32 s8, s29;
	s8 =	simm.s32 $0x900;
	s20 =	sadd.s32 s0, s6  }
0x1b: {  	s6 =	sadd.s32 s2, s6;
	s23 =	sshrl.u32 s7, $0x3;
	s26 =	sshrl.u32 s24, $0x3  }
0x1c: {  	s24 =	simm.s32 $0x880;
	s7 =	simm.s32 $0x1B00;
	[dreg:$0xe] =	wrdreg s20  }
0x1d: {  	[dreg:$0xf] =	wrdreg s6;
	s6 =	sshrl.u32 s21, $0x3;
	s25 =	sadd.s32 s0, s23  }
0x1e: {  	s29 =	sadd.s32 s2, s26;
	s20 =	simm.s32 $0x1A00;
	[dreg:$0x12] =	wrdreg s25  }
0x1f: {  	s21 =	simm.s32 $0xB00;
	s22 =	sadd.s32 s0, s6;
	[dreg:$0x15] =	wrdreg s29  }
0x20: {  	s6 =	sadd.s32 s2, s6;
	s0 =	sadd.s32 s0, s26;
	[dreg:$0x10] =	wrdreg s22  }
0x21: {  	s25 =	simm.s32 $0x80;
	s26 =	simm.s32 $0x6000;
	[dreg:$0x11] =	wrdreg s6  }
0x22: {  	s6 =	sadd.s32 s2, s23;
	[dreg:$0x14] =	wrdreg s0;
	s22 =	simm.s32 $0x2000  }
0x23: {  	v0 =	vimm.f32 $0.0e+00;
	s23 =	simm.s32 $0x4;
	s0 =	simm.s32 $0x2;
	[dreg:$0x13] =	wrdreg s6  }
.LBB2_1:
0x24: {  	s17 =	simm.s32 $0x0;
	s18 =	simm.s32 $0x200  }
.LBB2_2:
0x25: {  	p0 =	sne.s32 s18, $0xFE00;
	[tilespmem:s17+$0x2070] =	vst v0  }
0x26: {  	[tilespmem:s17+$0x2000] =	vst v0  }
0x27: {  	[tilespmem:s17+$0x2010] =	vst v0  }
.Ltmp0:
0x28: {  	[tilespmem:s17+$0x2020] =	vst v0;
	(pc) =	sbr.rel @p0 .LBB2_2-.Ltmp0, $4  }
0x29: {  	[tilespmem:s17+$0x2030] =	vst v0  }
0x2a: {  	[tilespmem:s17+$0x2040] =	vst v0  }
0x2b: {  	[tilespmem:s17+$0x2050] =	vst v0  }
0x2c: {  	[tilespmem:s17+$0x2060] =	vst v0;
	s17 =	sshra.s32 s18, $0x2;
	s18 =	sadd.s32 $0x200, s18  }
0x2d: {  	[tilespmem:s17+$0x2070] =	vst v0  }
0x2e: {  	[tilespmem:s17+$0x2000] =	vst v0  }
0x2f: {  	[tilespmem:s17+$0x2010] =	vst v0  }
0x30: {  	[tilespmem:s17+$0x2020] =	vst v0  }
0x31: {  	[tilespmem:s17+$0x2030] =	vst v0  }
0x32: {  	[tilespmem:s17+$0x2040] =	vst v0  }
0x33: {  	[tilespmem:s17+$0x2050] =	vst v0  }
0x34: {  	[tilespmem:s17+$0x2060] =	vst v0;
	s2 =	rddreg [dreg:$0x16]  }
0x35: {  	[spmem:s2] =	stream.linear.scatter [tilespmem:s22], [sflag:$0x4], $0x4000, $0x38;
	[tilespmem:$0x1DC00] =	vst v63  }
0x36: {  	_ =	swait.ge [sflag:s23], $0x4000  }
0x37: {  	[sflag:s23] =	ssyncset.done $0x0  }
0x38: {  	s6 =	rddreg [dreg:$0x6];
	[sflag:s23] =	ssyncadd.s32 $0xFFFFC000  }
0x39: {  	[spmem:s6] =	stream.linear.scatter [tilespmem:s22], [sflag:$0x4], $0x4000, $0x38;
	[tilespmem:$0x1DC00] =	vst v63  }
0x3a: {  	_ =	swait.ge [sflag:s23], $0x4000  }
0x3b: {  	[sflag:s23] =	ssyncset.done $0x0  }
0x3c: {  	s18 =	rddreg [dreg:$0x7];
	[sflag:s23] =	ssyncadd.s32 $0xFFFFC000  }
0x3d: {  	[spmem:s18] =	stream.linear.scatter [tilespmem:s22], [sflag:$0x4], $0x4000, $0x38;
	[tilespmem:$0x1DC00] =	vst v63  }
0x3e: {  	_ =	swait.ge [sflag:s23], $0x4000  }
0x3f: {  	[sflag:s23] =	ssyncset.done $0x0  }
0x40: {  	s19 =	rddreg [dreg:$0x8];
	[sflag:s23] =	ssyncadd.s32 $0xFFFFC000  }
0x41: {  	[spmem:s19] =	stream.linear.scatter [tilespmem:s22], [sflag:$0x4], $0x4000, $0x38;
	[tilespmem:$0x1DC00] =	vst v63  }
0x42: {  	_ =	swait.ge [sflag:s23], $0x4000  }
0x43: {  	[sflag:s23] =	ssyncset.done $0x0  }
0x44: {  	s29 =	rddreg [dreg:$0x9];
	[sflag:s23] =	ssyncadd.s32 $0xFFFFC000  }
0x45: {  	[spmem:s29] =	stream.linear.scatter [tilespmem:s22], [sflag:$0x4], $0x3C00, $0x38;
	[tilespmem:$0x1DC00] =	vst v63  }
0x46: {  	_ =	swait.ge [sflag:s23], $0x3C00  }
0x47: {  	[sflag:s23] =	ssyncset.done $0x0  }
0x48: {  	[sflag:s23] =	ssyncadd.s32 $0xFFFFC400  }
0x49: {  	[bflag:$0x0] =	sbarrier.arrive $0xFFFF  }
0x4a: {  	s2 =	rddreg [dreg:$0xc]  }
0x4b: {  	[tilespmem:s4], [sflag:$0x4] =	stream.linear.gather [hbm4b:s2+s4], $0x800, $0x38;
	[tilespmem:$0x1DC00] =	vst v63  }
0x4c: {  	_ =	swait.ge [sflag:s23], $0x800  }
0x4d: {  	[sflag:s23] =	ssyncset.done $0x0  }
0x4e: {  	s2 =	simm.s32 $0x1000;
	s5 =	rddreg [dreg:$0xd];
	[sflag:s23] =	ssyncadd.s32 $0xFFFFF800  }
0x4f: {  	[tilespmem:s2], [sflag:$0x4] =	stream.linear.gather [hbm4b:s5+s4], $0x800, $0x38;
	[tilespmem:$0x1DC00] =	vst v63  }
0x50: {  	_ =	swait.ge [sflag:s23], $0x800  }
0x51: {  	[sflag:s23] =	ssyncset.done $0x0  }
0x52: {  	[sflag:s23] =	ssyncadd.s32 $0xFFFFF800  }
0x53: {  	[tilespmem:s22], [sflag:$0x1] =	stream.indirect.gather [hbm4b:s1+s25], $0x80, s4, s25, $0xb8;
	[tilespmem:$0x1DC00] =	vst v63  }
0x54: {  	_ = 	snop  }
0x55: {  	[tilespmem:s26], [sflag:$0x2] =	stream.indirect.gather [hbm4b:s1+s25], $0x80, s25, s25, $0xb8;
	[tilespmem:$0x1DC00] =	vst v63  }
0x56: {  	s29 =	simm.s32 $0x800;
	s6 =	rddreg [dreg:$0xe]  }
0x57: {  	[tilespmem:s29], [sflag:$0x3] =	stream.linear.gather [hbm4b:s6+s4], $0x800, $0x38;
	[tilespmem:$0x1DC00] =	vst v63  }
0x58: {  	s5 =	simm.s32 $0x1800;
	s18 =	rddreg [dreg:$0xf]  }
0x59: {  	[tilespmem:s5], [sflag:$0x3] =	stream.linear.gather [hbm4b:s18+s4], $0x800, $0x38;
	[tilespmem:$0x1DC00] =	vst v63  }
0x5a: {  	_ =	swait.ge [sflag:s30], $0x4000  }
0x5b: {  	[sflag:s30] =	ssyncset.done $0x0  }
0x5c: {  	[sflag:s30] =	ssyncadd.s32 $0xFFFFC000  }
0x5d: {  	[spmem:s3] =	stream.indirect.scatter.add.f32 [tilespmem:s22], [sflag:$0x4], $0x80, s2, s25, $0xb8;
	[tilespmem:$0x1DC00] =	vst v63  }
0x5e: {  	_ =	swait.ge [sflag:s23], $0x4000  }
0x5f: {  	[sflag:s23] =	ssyncset.done $0x0  }
0x60: {  	s6 =	simm.s32 $0x100;
	[sflag:s23] =	ssyncadd.s32 $0xFFFFC000  }
0x61: {  	[tilespmem:s22], [sflag:$0x1] =	stream.indirect.gather [hbm4b:s1+s25], $0x80, s6, s25, $0xb8;
	[tilespmem:$0x1DC00] =	vst v63  }
0x62: {  	_ =	swait.ge [sflag:s0], $0x4000  }
0x63: {  	[sflag:s0] =	ssyncset.done $0x0  }
0x64: {  	s19 =	simm.s32 $0x1080;
	[sflag:s0] =	ssyncadd.s32 $0xFFFFC000  }
0x65: {  	[spmem:s3] =	stream.indirect.scatter.add.f32 [tilespmem:s26], [sflag:$0x4], $0x80, s19, s25, $0xb8;
	[tilespmem:$0x1DC00] =	vst v63  }
0x66: {  	_ =	swait.ge [sflag:s23], $0x4000  }
0x67: {  	[sflag:s23] =	ssyncset.done $0x0  }
0x68: {  	s17 =	simm.s32 $0x180;
	[sflag:s23] =	ssyncadd.s32 $0xFFFFC000  }
0x69: {  	[tilespmem:s26], [sflag:$0x2] =	stream.indirect.gather [hbm4b:s1+s25], $0x80, s17, s25, $0xb8;
	[tilespmem:$0x1DC00] =	vst v63  }
0x6a: {  	_ =	swait.ge [sflag:s30], $0x4000  }
0x6b: {  	[sflag:s30] =	ssyncset.done $0x0  }
0x6c: {  	s18 =	simm.s32 $0x1100;
	[sflag:s30] =	ssyncadd.s32 $0xFFFFC000  }
0x6d: {  	[spmem:s3] =	stream.indirect.scatter.add.f32 [tilespmem:s22], [sflag:$0x4], $0x80, s18, s25, $0xb8;
	[tilespmem:$0x1DC00] =	vst v63  }
0x6e: {  	_ =	swait.ge [sflag:s23], $0x4000  }
0x6f: {  	[sflag:s23] =	ssyncset.done $0x0  }
0x70: {  	s19 =	simm.s32 $0x200;
	[sflag:s23] =	ssyncadd.s32 $0xFFFFC000  }
0x71: {  	[tilespmem:s22], [sflag:$0x1] =	stream.indirect.gather [hbm4b:s1+s25], $0x80, s19, s25, $0xb8;
	[tilespmem:$0x1DC00] =	vst v63  }
0x72: {  	_ =	swait.ge [sflag:s0], $0x4000  }
0x73: {  	[sflag:s0] =	ssyncset.done $0x0  }
0x74: {  	s17 =	simm.s32 $0x1180;
	[sflag:s0] =	ssyncadd.s32 $0xFFFFC000  }
0x75: {  	[spmem:s3] =	stream.indirect.scatter.add.f32 [tilespmem:s26], [sflag:$0x4], $0x80, s17, s25, $0xb8;
	[tilespmem:$0x1DC00] =	vst v63  }
0x76: {  	_ =	swait.ge [sflag:s23], $0x4000  }
0x77: {  	[sflag:s23] =	ssyncset.done $0x0  }
0x78: {  	s18 =	simm.s32 $0x280;
	[sflag:s23] =	ssyncadd.s32 $0xFFFFC000  }
0x79: {  	[tilespmem:s26], [sflag:$0x2] =	stream.indirect.gather [hbm4b:s1+s25], $0x80, s18, s25, $0xb8;
	[tilespmem:$0x1DC00] =	vst v63  }
0x7a: {  	_ =	swait.ge [sflag:s30], $0x4000  }
0x7b: {  	[sflag:s30] =	ssyncset.done $0x0  }
0x7c: {  	s19 =	simm.s32 $0x1200;
	[sflag:s30] =	ssyncadd.s32 $0xFFFFC000  }
0x7d: {  	[spmem:s3] =	stream.indirect.scatter.add.f32 [tilespmem:s22], [sflag:$0x4], $0x80, s19, s25, $0xb8;
	[tilespmem:$0x1DC00] =	vst v63  }
0x7e: {  	_ =	swait.ge [sflag:s23], $0x4000  }
0x7f: {  	[sflag:s23] =	ssyncset.done $0x0  }
0x80: {  	s17 =	simm.s32 $0x300;
	[sflag:s23] =	ssyncadd.s32 $0xFFFFC000  }
0x81: {  	[tilespmem:s22], [sflag:$0x1] =	stream.indirect.gather [hbm4b:s1+s25], $0x80, s17, s25, $0xb8;
	[tilespmem:$0x1DC00] =	vst v63  }
0x82: {  	_ =	swait.ge [sflag:s0], $0x4000  }
0x83: {  	[sflag:s0] =	ssyncset.done $0x0  }
0x84: {  	s18 =	simm.s32 $0x1280;
	[sflag:s0] =	ssyncadd.s32 $0xFFFFC000  }
0x85: {  	[spmem:s3] =	stream.indirect.scatter.add.f32 [tilespmem:s26], [sflag:$0x4], $0x80, s18, s25, $0xb8;
	[tilespmem:$0x1DC00] =	vst v63  }
0x86: {  	_ =	swait.ge [sflag:s23], $0x4000  }
0x87: {  	[sflag:s23] =	ssyncset.done $0x0  }
0x88: {  	s19 =	simm.s32 $0x380;
	[sflag:s23] =	ssyncadd.s32 $0xFFFFC000  }
0x89: {  	[tilespmem:s26], [sflag:$0x2] =	stream.indirect.gather [hbm4b:s1+s25], $0x80, s19, s25, $0xb8;
	[tilespmem:$0x1DC00] =	vst v63  }
0x8a: {  	_ =	swait.ge [sflag:s30], $0x4000  }
0x8b: {  	[sflag:s30] =	ssyncset.done $0x0  }
0x8c: {  	s17 =	simm.s32 $0x1300;
	[sflag:s30] =	ssyncadd.s32 $0xFFFFC000  }
0x8d: {  	[spmem:s3] =	stream.indirect.scatter.add.f32 [tilespmem:s22], [sflag:$0x4], $0x80, s17, s25, $0xb8;
	[tilespmem:$0x1DC00] =	vst v63  }
0x8e: {  	_ =	swait.ge [sflag:s23], $0x4000  }
0x8f: {  	[sflag:s23] =	ssyncset.done $0x0  }
0x90: {  	s18 =	simm.s32 $0x400;
	[sflag:s23] =	ssyncadd.s32 $0xFFFFC000  }
0x91: {  	[tilespmem:s22], [sflag:$0x1] =	stream.indirect.gather [hbm4b:s1+s25], $0x80, s18, s25, $0xb8;
	[tilespmem:$0x1DC00] =	vst v63  }
0x92: {  	_ =	swait.ge [sflag:s0], $0x4000  }
0x93: {  	[sflag:s0] =	ssyncset.done $0x0  }
0x94: {  	s19 =	simm.s32 $0x1380;
	[sflag:s0] =	ssyncadd.s32 $0xFFFFC000  }
0x95: {  	[spmem:s3] =	stream.indirect.scatter.add.f32 [tilespmem:s26], [sflag:$0x4], $0x80, s19, s25, $0xb8;
	[tilespmem:$0x1DC00] =	vst v63  }
0x96: {  	_ =	swait.ge [sflag:s23], $0x4000  }
0x97: {  	[sflag:s23] =	ssyncset.done $0x0  }
0x98: {  	s17 =	simm.s32 $0x480;
	[sflag:s23] =	ssyncadd.s32 $0xFFFFC000  }
0x99: {  	[tilespmem:s26], [sflag:$0x2] =	stream.indirect.gather [hbm4b:s1+s25], $0x80, s17, s25, $0xb8;
	[tilespmem:$0x1DC00] =	vst v63  }
0x9a: {  	_ =	swait.ge [sflag:s30], $0x4000  }
0x9b: {  	[sflag:s30] =	ssyncset.done $0x0  }
0x9c: {  	s18 =	simm.s32 $0x1400;
	[sflag:s30] =	ssyncadd.s32 $0xFFFFC000  }
0x9d: {  	[spmem:s3] =	stream.indirect.scatter.add.f32 [tilespmem:s22], [sflag:$0x4], $0x80, s18, s25, $0xb8;
	[tilespmem:$0x1DC00] =	vst v63  }
0x9e: {  	_ =	swait.ge [sflag:s23], $0x4000  }
0x9f: {  	[sflag:s23] =	ssyncset.done $0x0  }
0xa0: {  	s19 =	simm.s32 $0x500;
	[sflag:s23] =	ssyncadd.s32 $0xFFFFC000  }
0xa1: {  	[tilespmem:s22], [sflag:$0x1] =	stream.indirect.gather [hbm4b:s1+s25], $0x80, s19, s25, $0xb8;
	[tilespmem:$0x1DC00] =	vst v63  }
0xa2: {  	_ =	swait.ge [sflag:s0], $0x4000  }
0xa3: {  	[sflag:s0] =	ssyncset.done $0x0  }
0xa4: {  	s17 =	simm.s32 $0x1480;
	[sflag:s0] =	ssyncadd.s32 $0xFFFFC000  }
0xa5: {  	[spmem:s3] =	stream.indirect.scatter.add.f32 [tilespmem:s26], [sflag:$0x4], $0x80, s17, s25, $0xb8;
	[tilespmem:$0x1DC00] =	vst v63  }
0xa6: {  	_ =	swait.ge [sflag:s23], $0x4000  }
0xa7: {  	[sflag:s23] =	ssyncset.done $0x0  }
0xa8: {  	s18 =	simm.s32 $0x580;
	[sflag:s23] =	ssyncadd.s32 $0xFFFFC000  }
0xa9: {  	[tilespmem:s26], [sflag:$0x2] =	stream.indirect.gather [hbm4b:s1+s25], $0x80, s18, s25, $0xb8;
	[tilespmem:$0x1DC00] =	vst v63  }
0xaa: {  	_ =	swait.ge [sflag:s30], $0x4000  }
0xab: {  	[sflag:s30] =	ssyncset.done $0x0  }
0xac: {  	s19 =	simm.s32 $0x1500;
	[sflag:s30] =	ssyncadd.s32 $0xFFFFC000  }
0xad: {  	[spmem:s3] =	stream.indirect.scatter.add.f32 [tilespmem:s22], [sflag:$0x4], $0x80, s19, s25, $0xb8;
	[tilespmem:$0x1DC00] =	vst v63  }
0xae: {  	_ =	swait.ge [sflag:s23], $0x4000  }
0xaf: {  	[sflag:s23] =	ssyncset.done $0x0  }
0xb0: {  	s17 =	simm.s32 $0x600;
	[sflag:s23] =	ssyncadd.s32 $0xFFFFC000  }
0xb1: {  	[tilespmem:s22], [sflag:$0x1] =	stream.indirect.gather [hbm4b:s1+s25], $0x80, s17, s25, $0xb8;
	[tilespmem:$0x1DC00] =	vst v63  }
0xb2: {  	_ =	swait.ge [sflag:s0], $0x4000  }
0xb3: {  	[sflag:s0] =	ssyncset.done $0x0  }
0xb4: {  	s18 =	simm.s32 $0x1580;
	[sflag:s0] =	ssyncadd.s32 $0xFFFFC000  }
0xb5: {  	[spmem:s3] =	stream.indirect.scatter.add.f32 [tilespmem:s26], [sflag:$0x4], $0x80, s18, s25, $0xb8;
	[tilespmem:$0x1DC00] =	vst v63  }
0xb6: {  	_ =	swait.ge [sflag:s23], $0x4000  }
0xb7: {  	[sflag:s23] =	ssyncset.done $0x0  }
0xb8: {  	s19 =	simm.s32 $0x680;
	[sflag:s23] =	ssyncadd.s32 $0xFFFFC000  }
0xb9: {  	[tilespmem:s26], [sflag:$0x2] =	stream.indirect.gather [hbm4b:s1+s25], $0x80, s19, s25, $0xb8;
	[tilespmem:$0x1DC00] =	vst v63  }
0xba: {  	_ =	swait.ge [sflag:s30], $0x4000  }
0xbb: {  	[sflag:s30] =	ssyncset.done $0x0  }
0xbc: {  	s17 =	simm.s32 $0x1600;
	[sflag:s30] =	ssyncadd.s32 $0xFFFFC000  }
0xbd: {  	[spmem:s3] =	stream.indirect.scatter.add.f32 [tilespmem:s22], [sflag:$0x4], $0x80, s17, s25, $0xb8;
	[tilespmem:$0x1DC00] =	vst v63  }
0xbe: {  	_ =	swait.ge [sflag:s23], $0x4000  }
0xbf: {  	[sflag:s23] =	ssyncset.done $0x0  }
0xc0: {  	s18 =	simm.s32 $0x700;
	[sflag:s23] =	ssyncadd.s32 $0xFFFFC000  }
0xc1: {  	[tilespmem:s22], [sflag:$0x1] =	stream.indirect.gather [hbm4b:s1+s25], $0x80, s18, s25, $0xb8;
	[tilespmem:$0x1DC00] =	vst v63  }
0xc2: {  	_ =	swait.ge [sflag:s0], $0x4000  }
0xc3: {  	[sflag:s0] =	ssyncset.done $0x0  }
0xc4: {  	s19 =	simm.s32 $0x1680;
	[sflag:s0] =	ssyncadd.s32 $0xFFFFC000  }
0xc5: {  	[spmem:s3] =	stream.indirect.scatter.add.f32 [tilespmem:s26], [sflag:$0x4], $0x80, s19, s25, $0xb8;
	[tilespmem:$0x1DC00] =	vst v63  }
0xc6: {  	_ =	swait.ge [sflag:s23], $0x4000  }
0xc7: {  	[sflag:s23] =	ssyncset.done $0x0  }
0xc8: {  	s17 =	simm.s32 $0x780;
	[sflag:s23] =	ssyncadd.s32 $0xFFFFC000  }
0xc9: {  	[tilespmem:s26], [sflag:$0x2] =	stream.indirect.gather [hbm4b:s1+s25], $0x80, s17, s25, $0xb8;
	[tilespmem:$0x1DC00] =	vst v63  }
0xca: {  	_ =	swait.ge [sflag:s13], $0x800  }
0xcb: {  	[sflag:s13] =	ssyncset.done $0x0  }
0xcc: {  	[sflag:s13] =	ssyncadd.s32 $0xFFFFF800  }
0xcd: {  	_ =	swait.ge [sflag:s13], $0x800  }
0xce: {  	[sflag:s13] =	ssyncset.done $0x0  }
0xcf: {  	[sflag:s13] =	ssyncadd.s32 $0xFFFFF800  }
0xd0: {  	_ =	swait.ge [sflag:s30], $0x4000  }
0xd1: {  	[sflag:s30] =	ssyncset.done $0x0  }
0xd2: {  	s18 =	simm.s32 $0x1700;
	[sflag:s30] =	ssyncadd.s32 $0xFFFFC000  }
0xd3: {  	[spmem:s3] =	stream.indirect.scatter.add.f32 [tilespmem:s22], [sflag:$0x4], $0x80, s18, s25, $0xb8;
	[tilespmem:$0x1DC00] =	vst v63  }
0xd4: {  	_ =	swait.ge [sflag:s23], $0x4000  }
0xd5: {  	[sflag:s23] =	ssyncset.done $0x0  }
0xd6: {  	[sflag:s23] =	ssyncadd.s32 $0xFFFFC000  }
0xd7: {  	[tilespmem:s22], [sflag:$0x1] =	stream.indirect.gather [hbm4b:s1+s25], $0x80, s29, s25, $0xb8;
	[tilespmem:$0x1DC00] =	vst v63  }
0xd8: {  	_ =	swait.ge [sflag:s0], $0x4000  }
0xd9: {  	[sflag:s0] =	ssyncset.done $0x0  }
0xda: {  	s19 =	simm.s32 $0x1780;
	[sflag:s0] =	ssyncadd.s32 $0xFFFFC000  }
0xdb: {  	[spmem:s3] =	stream.indirect.scatter.add.f32 [tilespmem:s26], [sflag:$0x4], $0x80, s19, s25, $0xb8;
	[tilespmem:$0x1DC00] =	vst v63  }
0xdc: {  	_ =	swait.ge [sflag:s23], $0x4000  }
0xdd: {  	[sflag:s23] =	ssyncset.done $0x0  }
0xde: {  	[sflag:s23] =	ssyncadd.s32 $0xFFFFC000  }
0xdf: {  	[tilespmem:s26], [sflag:$0x2] =	stream.indirect.gather [hbm4b:s1+s25], $0x80, s24, s25, $0xb8;
	[tilespmem:$0x1DC00] =	vst v63  }
0xe0: {  	s6 =	rddreg [dreg:$0x10]  }
0xe1: {  	[tilespmem:s4], [sflag:$0x3] =	stream.linear.gather [hbm4b:s6+s4], $0x800, $0x38;
	[tilespmem:$0x1DC00] =	vst v63  }
0xe2: {  	s18 =	rddreg [dreg:$0x11]  }
0xe3: {  	[tilespmem:s2], [sflag:$0x3] =	stream.linear.gather [hbm4b:s18+s4], $0x800, $0x38;
	[tilespmem:$0x1DC00] =	vst v63  }
0xe4: {  	_ =	swait.ge [sflag:s30], $0x4000  }
0xe5: {  	[sflag:s30] =	ssyncset.done $0x0  }
0xe6: {  	[sflag:s30] =	ssyncadd.s32 $0xFFFFC000  }
0xe7: {  	[spmem:s3] =	stream.indirect.scatter.add.f32 [tilespmem:s22], [sflag:$0x4], $0x80, s5, s25, $0xb8;
	[tilespmem:$0x1DC00] =	vst v63  }
0xe8: {  	_ =	swait.ge [sflag:s23], $0x4000  }
0xe9: {  	[sflag:s23] =	ssyncset.done $0x0  }
0xea: {  	[sflag:s23] =	ssyncadd.s32 $0xFFFFC000  }
0xeb: {  	[tilespmem:s22], [sflag:$0x1] =	stream.indirect.gather [hbm4b:s1+s25], $0x80, s8, s25, $0xb8;
	[tilespmem:$0x1DC00] =	vst v63  }
0xec: {  	_ =	swait.ge [sflag:s0], $0x4000  }
0xed: {  	[sflag:s0] =	ssyncset.done $0x0  }
0xee: {  	[sflag:s0] =	ssyncadd.s32 $0xFFFFC000  }
0xef: {  	[spmem:s3] =	stream.indirect.scatter.add.f32 [tilespmem:s26], [sflag:$0x4], $0x80, s9, s25, $0xb8;
	[tilespmem:$0x1DC00] =	vst v63  }
0xf0: {  	_ =	swait.ge [sflag:s23], $0x4000  }
0xf1: {  	[sflag:s23] =	ssyncset.done $0x0  }
0xf2: {  	[sflag:s23] =	ssyncadd.s32 $0xFFFFC000  }
0xf3: {  	[tilespmem:s26], [sflag:$0x2] =	stream.indirect.gather [hbm4b:s1+s25], $0x80, s10, s25, $0xb8;
	[tilespmem:$0x1DC00] =	vst v63  }
0xf4: {  	_ =	swait.ge [sflag:s30], $0x4000  }
0xf5: {  	[sflag:s30] =	ssyncset.done $0x0  }
0xf6: {  	[sflag:s30] =	ssyncadd.s32 $0xFFFFC000  }
0xf7: {  	[spmem:s3] =	stream.indirect.scatter.add.f32 [tilespmem:s22], [sflag:$0x4], $0x80, s11, s25, $0xb8;
	[tilespmem:$0x1DC00] =	vst v63  }
0xf8: {  	_ =	swait.ge [sflag:s23], $0x4000  }
0xf9: {  	[sflag:s23] =	ssyncset.done $0x0  }
0xfa: {  	[sflag:s23] =	ssyncadd.s32 $0xFFFFC000  }
0xfb: {  	[tilespmem:s22], [sflag:$0x1] =	stream.indirect.gather [hbm4b:s1+s25], $0x80, s12, s25, $0xb8;
	[tilespmem:$0x1DC00] =	vst v63  }
0xfc: {  	_ =	swait.ge [sflag:s0], $0x4000  }
0xfd: {  	[sflag:s0] =	ssyncset.done $0x0  }
0xfe: {  	[sflag:s0] =	ssyncadd.s32 $0xFFFFC000  }
0xff: {  	[spmem:s3] =	stream.indirect.scatter.add.f32 [tilespmem:s26], [sflag:$0x4], $0x80, s14, s25, $0xb8;
	[tilespmem:$0x1DC00] =	vst v63  }
0x100: {  	_ =	swait.ge [sflag:s23], $0x4000  }
0x101: {  	[sflag:s23] =	ssyncset.done $0x0  }
0x102: {  	[sflag:s23] =	ssyncadd.s32 $0xFFFFC000  }
0x103: {  	[tilespmem:s26], [sflag:$0x2] =	stream.indirect.gather [hbm4b:s1+s25], $0x80, s15, s25, $0xb8;
	[tilespmem:$0x1DC00] =	vst v63  }
0x104: {  	_ =	swait.ge [sflag:s30], $0x4000  }
0x105: {  	[sflag:s30] =	ssyncset.done $0x0  }
0x106: {  	[sflag:s30] =	ssyncadd.s32 $0xFFFFC000  }
0x107: {  	[spmem:s3] =	stream.indirect.scatter.add.f32 [tilespmem:s22], [sflag:$0x4], $0x80, s20, s25, $0xb8;
	[tilespmem:$0x1DC00] =	vst v63  }
0x108: {  	_ =	swait.ge [sflag:s23], $0x4000  }
0x109: {  	[sflag:s23] =	ssyncset.done $0x0  }
0x10a: {  	[sflag:s23] =	ssyncadd.s32 $0xFFFFC000  }
0x10b: {  	[tilespmem:s22], [sflag:$0x1] =	stream.indirect.gather [hbm4b:s1+s25], $0x80, s21, s25, $0xb8;
	[tilespmem:$0x1DC00] =	vst v63  }
0x10c: {  	_ =	swait.ge [sflag:s0], $0x4000  }
0x10d: {  	[sflag:s0] =	ssyncset.done $0x0  }
0x10e: {  	[sflag:s0] =	ssyncadd.s32 $0xFFFFC000  }
0x10f: {  	[spmem:s3] =	stream.indirect.scatter.add.f32 [tilespmem:s26], [sflag:$0x4], $0x80, s28, s25, $0xb8;
	[tilespmem:$0x1DC00] =	vst v63  }
0x110: {  	_ =	swait.ge [sflag:s23], $0x4000  }
0x111: {  	[sflag:s23] =	ssyncset.done $0x0  }
0x112: {  	[sflag:s23] =	ssyncadd.s32 $0xFFFFC000  }
0x113: {  	[tilespmem:s26], [sflag:$0x2] =	stream.indirect.gather [hbm4b:s1+s25], $0x80, s31, s25, $0xb8;
	[tilespmem:$0x1DC00] =	vst v63  }
0x114: {  	_ =	swait.ge [sflag:s30], $0x4000  }
0x115: {  	[sflag:s30] =	ssyncset.done $0x0  }
0x116: {  	[sflag:s30] =	ssyncadd.s32 $0xFFFFC000  }
0x117: {  	[spmem:s3] =	stream.indirect.scatter.add.f32 [tilespmem:s22], [sflag:$0x4], $0x80, s7, s25, $0xb8;
	[tilespmem:$0x1DC00] =	vst v63  }
0x118: {  	_ =	swait.ge [sflag:s23], $0x4000  }
0x119: {  	[sflag:s23] =	ssyncset.done $0x0  }
0x11a: {  	s19 =	simm.s32 $0xC00;
	[sflag:s23] =	ssyncadd.s32 $0xFFFFC000  }
0x11b: {  	[tilespmem:s22], [sflag:$0x1] =	stream.indirect.gather [hbm4b:s1+s25], $0x80, s19, s25, $0xb8;
	[tilespmem:$0x1DC00] =	vst v63  }
0x11c: {  	_ =	swait.ge [sflag:s0], $0x4000  }
0x11d: {  	[sflag:s0] =	ssyncset.done $0x0  }
0x11e: {  	s18 =	simm.s32 $0x1B80;
	[sflag:s0] =	ssyncadd.s32 $0xFFFFC000  }
0x11f: {  	[spmem:s3] =	stream.indirect.scatter.add.f32 [tilespmem:s26], [sflag:$0x4], $0x80, s18, s25, $0xb8;
	[tilespmem:$0x1DC00] =	vst v63  }
0x120: {  	_ =	swait.ge [sflag:s23], $0x4000  }
0x121: {  	[sflag:s23] =	ssyncset.done $0x0  }
0x122: {  	s19 =	simm.s32 $0xC80;
	[sflag:s23] =	ssyncadd.s32 $0xFFFFC000  }
0x123: {  	[tilespmem:s26], [sflag:$0x2] =	stream.indirect.gather [hbm4b:s1+s25], $0x80, s19, s25, $0xb8;
	[tilespmem:$0x1DC00] =	vst v63  }
0x124: {  	_ =	swait.ge [sflag:s30], $0x4000  }
0x125: {  	[sflag:s30] =	ssyncset.done $0x0  }
0x126: {  	s17 =	simm.s32 $0x1C00;
	[sflag:s30] =	ssyncadd.s32 $0xFFFFC000  }
0x127: {  	[spmem:s3] =	stream.indirect.scatter.add.f32 [tilespmem:s22], [sflag:$0x4], $0x80, s17, s25, $0xb8;
	[tilespmem:$0x1DC00] =	vst v63  }
0x128: {  	_ =	swait.ge [sflag:s23], $0x4000  }
0x129: {  	[sflag:s23] =	ssyncset.done $0x0  }
0x12a: {  	s17 =	simm.s32 $0xD00;
	[sflag:s23] =	ssyncadd.s32 $0xFFFFC000  }
0x12b: {  	[tilespmem:s22], [sflag:$0x1] =	stream.indirect.gather [hbm4b:s1+s25], $0x80, s17, s25, $0xb8;
	[tilespmem:$0x1DC00] =	vst v63  }
0x12c: {  	_ =	swait.ge [sflag:s0], $0x4000  }
0x12d: {  	[sflag:s0] =	ssyncset.done $0x0  }
0x12e: {  	s17 =	simm.s32 $0x1C80;
	[sflag:s0] =	ssyncadd.s32 $0xFFFFC000  }
0x12f: {  	[spmem:s3] =	stream.indirect.scatter.add.f32 [tilespmem:s26], [sflag:$0x4], $0x80, s17, s25, $0xb8;
	[tilespmem:$0x1DC00] =	vst v63  }
0x130: {  	_ =	swait.ge [sflag:s23], $0x4000  }
0x131: {  	[sflag:s23] =	ssyncset.done $0x0  }
0x132: {  	s17 =	simm.s32 $0xD80;
	[sflag:s23] =	ssyncadd.s32 $0xFFFFC000  }
0x133: {  	[tilespmem:s26], [sflag:$0x2] =	stream.indirect.gather [hbm4b:s1+s25], $0x80, s17, s25, $0xb8;
	[tilespmem:$0x1DC00] =	vst v63  }
0x134: {  	_ =	swait.ge [sflag:s30], $0x4000  }
0x135: {  	[sflag:s30] =	ssyncset.done $0x0  }
0x136: {  	s17 =	simm.s32 $0x1D00;
	[sflag:s30] =	ssyncadd.s32 $0xFFFFC000  }
0x137: {  	[spmem:s3] =	stream.indirect.scatter.add.f32 [tilespmem:s22], [sflag:$0x4], $0x80, s17, s25, $0xb8;
	[tilespmem:$0x1DC00] =	vst v63  }
0x138: {  	_ =	swait.ge [sflag:s23], $0x4000  }
0x139: {  	[sflag:s23] =	ssyncset.done $0x0  }
0x13a: {  	s17 =	simm.s32 $0xE00;
	[sflag:s23] =	ssyncadd.s32 $0xFFFFC000  }
0x13b: {  	[tilespmem:s22], [sflag:$0x1] =	stream.indirect.gather [hbm4b:s1+s25], $0x80, s17, s25, $0xb8;
	[tilespmem:$0x1DC00] =	vst v63  }
0x13c: {  	_ =	swait.ge [sflag:s0], $0x4000  }
0x13d: {  	[sflag:s0] =	ssyncset.done $0x0  }
0x13e: {  	s17 =	simm.s32 $0x1D80;
	[sflag:s0] =	ssyncadd.s32 $0xFFFFC000  }
0x13f: {  	[spmem:s3] =	stream.indirect.scatter.add.f32 [tilespmem:s26], [sflag:$0x4], $0x80, s17, s25, $0xb8;
	[tilespmem:$0x1DC00] =	vst v63  }
0x140: {  	_ =	swait.ge [sflag:s23], $0x4000  }
0x141: {  	[sflag:s23] =	ssyncset.done $0x0  }
0x142: {  	s17 =	simm.s32 $0xE80;
	[sflag:s23] =	ssyncadd.s32 $0xFFFFC000  }
0x143: {  	[tilespmem:s26], [sflag:$0x2] =	stream.indirect.gather [hbm4b:s1+s25], $0x80, s17, s25, $0xb8;
	[tilespmem:$0x1DC00] =	vst v63  }
0x144: {  	_ =	swait.ge [sflag:s30], $0x4000  }
0x145: {  	[sflag:s30] =	ssyncset.done $0x0  }
0x146: {  	s17 =	simm.s32 $0x1E00;
	[sflag:s30] =	ssyncadd.s32 $0xFFFFC000  }
0x147: {  	[spmem:s3] =	stream.indirect.scatter.add.f32 [tilespmem:s22], [sflag:$0x4], $0x80, s17, s25, $0xb8;
	[tilespmem:$0x1DC00] =	vst v63  }
0x148: {  	_ =	swait.ge [sflag:s23], $0x4000  }
0x149: {  	[sflag:s23] =	ssyncset.done $0x0  }
0x14a: {  	s17 =	simm.s32 $0xF00;
	[sflag:s23] =	ssyncadd.s32 $0xFFFFC000  }
0x14b: {  	[tilespmem:s22], [sflag:$0x1] =	stream.indirect.gather [hbm4b:s1+s25], $0x80, s17, s25, $0xb8;
	[tilespmem:$0x1DC00] =	vst v63  }
0x14c: {  	_ =	swait.ge [sflag:s0], $0x4000  }
0x14d: {  	[sflag:s0] =	ssyncset.done $0x0  }
0x14e: {  	s17 =	simm.s32 $0x1E80;
	[sflag:s0] =	ssyncadd.s32 $0xFFFFC000  }
0x14f: {  	[spmem:s3] =	stream.indirect.scatter.add.f32 [tilespmem:s26], [sflag:$0x4], $0x80, s17, s25, $0xb8;
	[tilespmem:$0x1DC00] =	vst v63  }
0x150: {  	_ =	swait.ge [sflag:s23], $0x4000  }
0x151: {  	[sflag:s23] =	ssyncset.done $0x0  }
0x152: {  	s17 =	simm.s32 $0xF80;
	[sflag:s23] =	ssyncadd.s32 $0xFFFFC000  }
0x153: {  	[tilespmem:s26], [sflag:$0x2] =	stream.indirect.gather [hbm4b:s1+s25], $0x80, s17, s25, $0xb8;
	[tilespmem:$0x1DC00] =	vst v63  }
0x154: {  	_ =	swait.ge [sflag:s13], $0x800  }
0x155: {  	[sflag:s13] =	ssyncset.done $0x0  }
0x156: {  	[sflag:s13] =	ssyncadd.s32 $0xFFFFF800  }
0x157: {  	_ =	swait.ge [sflag:s13], $0x800  }
0x158: {  	[sflag:s13] =	ssyncset.done $0x0  }
0x159: {  	[sflag:s13] =	ssyncadd.s32 $0xFFFFF800  }
0x15a: {  	_ =	swait.ge [sflag:s30], $0x4000  }
0x15b: {  	[sflag:s30] =	ssyncset.done $0x0  }
0x15c: {  	s17 =	simm.s32 $0x1F00;
	[sflag:s30] =	ssyncadd.s32 $0xFFFFC000  }
0x15d: {  	[spmem:s3] =	stream.indirect.scatter.add.f32 [tilespmem:s22], [sflag:$0x4], $0x80, s17, s25, $0xb8;
	[tilespmem:$0x1DC00] =	vst v63  }
0x15e: {  	_ =	swait.ge [sflag:s23], $0x4000  }
0x15f: {  	[sflag:s23] =	ssyncset.done $0x0  }
0x160: {  	[sflag:s23] =	ssyncadd.s32 $0xFFFFC000  }
0x161: {  	[tilespmem:s22], [sflag:$0x1] =	stream.indirect.gather [hbm4b:s1+s25], $0x80, s4, s25, $0xb8;
	[tilespmem:$0x1DC00] =	vst v63  }
0x162: {  	_ =	swait.ge [sflag:s0], $0x4000  }
0x163: {  	[sflag:s0] =	ssyncset.done $0x0  }
0x164: {  	s17 =	simm.s32 $0x1F80;
	[sflag:s0] =	ssyncadd.s32 $0xFFFFC000  }
0x165: {  	[spmem:s3] =	stream.indirect.scatter.add.f32 [tilespmem:s26], [sflag:$0x4], $0x80, s17, s25, $0xb8;
	[tilespmem:$0x1DC00] =	vst v63  }
0x166: {  	_ =	swait.ge [sflag:s23], $0x4000  }
0x167: {  	[sflag:s23] =	ssyncset.done $0x0  }
0x168: {  	[sflag:s23] =	ssyncadd.s32 $0xFFFFC000  }
0x169: {  	[tilespmem:s26], [sflag:$0x2] =	stream.indirect.gather [hbm4b:s1+s25], $0x80, s25, s25, $0xb8;
	[tilespmem:$0x1DC00] =	vst v63  }
0x16a: {  	s6 =	rddreg [dreg:$0x12]  }
0x16b: {  	[tilespmem:s29], [sflag:$0x3] =	stream.linear.gather [hbm4b:s6+s4], $0x800, $0x38;
	[tilespmem:$0x1DC00] =	vst v63  }
0x16c: {  	s6 =	rddreg [dreg:$0x13]  }
0x16d: {  	[tilespmem:s5], [sflag:$0x3] =	stream.linear.gather [hbm4b:s6+s4], $0x800, $0x38;
	[tilespmem:$0x1DC00] =	vst v63  }
0x16e: {  	_ =	swait.ge [sflag:s30], $0x4000  }
0x16f: {  	[sflag:s30] =	ssyncset.done $0x0  }
0x170: {  	[sflag:s30] =	ssyncadd.s32 $0xFFFFC000  }
0x171: {  	[spmem:s3] =	stream.indirect.scatter.add.f32 [tilespmem:s22], [sflag:$0x4], $0x80, s2, s25, $0xb8;
	[tilespmem:$0x1DC00] =	vst v63  }
0x172: {  	_ =	swait.ge [sflag:s23], $0x4000  }
0x173: {  	[sflag:s23] =	ssyncset.done $0x0  }
0x174: {  	s6 =	simm.s32 $0x100;
	[sflag:s23] =	ssyncadd.s32 $0xFFFFC000  }
0x175: {  	[tilespmem:s22], [sflag:$0x1] =	stream.indirect.gather [hbm4b:s1+s25], $0x80, s6, s25, $0xb8;
	[tilespmem:$0x1DC00] =	vst v63  }
0x176: {  	_ =	swait.ge [sflag:s0], $0x4000  }
0x177: {  	[sflag:s0] =	ssyncset.done $0x0  }
0x178: {  	s6 =	simm.s32 $0x1080;
	[sflag:s0] =	ssyncadd.s32 $0xFFFFC000  }
0x179: {  	[spmem:s3] =	stream.indirect.scatter.add.f32 [tilespmem:s26], [sflag:$0x4], $0x80, s6, s25, $0xb8;
	[tilespmem:$0x1DC00] =	vst v63  }
0x17a: {  	_ =	swait.ge [sflag:s23], $0x4000  }
0x17b: {  	[sflag:s23] =	ssyncset.done $0x0  }
0x17c: {  	s6 =	simm.s32 $0x180;
	[sflag:s23] =	ssyncadd.s32 $0xFFFFC000  }
0x17d: {  	[tilespmem:s26], [sflag:$0x2] =	stream.indirect.gather [hbm4b:s1+s25], $0x80, s6, s25, $0xb8;
	[tilespmem:$0x1DC00] =	vst v63  }
0x17e: {  	_ =	swait.ge [sflag:s30], $0x4000  }
0x17f: {  	[sflag:s30] =	ssyncset.done $0x0  }
0x180: {  	s6 =	simm.s32 $0x1100;
	[sflag:s30] =	ssyncadd.s32 $0xFFFFC000  }
0x181: {  	[spmem:s3] =	stream.indirect.scatter.add.f32 [tilespmem:s22], [sflag:$0x4], $0x80, s6, s25, $0xb8;
	[tilespmem:$0x1DC00] =	vst v63  }
0x182: {  	_ =	swait.ge [sflag:s23], $0x4000  }
0x183: {  	[sflag:s23] =	ssyncset.done $0x0  }
0x184: {  	s6 =	simm.s32 $0x200;
	[sflag:s23] =	ssyncadd.s32 $0xFFFFC000  }
0x185: {  	[tilespmem:s22], [sflag:$0x1] =	stream.indirect.gather [hbm4b:s1+s25], $0x80, s6, s25, $0xb8;
	[tilespmem:$0x1DC00] =	vst v63  }
0x186: {  	_ =	swait.ge [sflag:s0], $0x4000  }
0x187: {  	[sflag:s0] =	ssyncset.done $0x0  }
0x188: {  	s6 =	simm.s32 $0x1180;
	[sflag:s0] =	ssyncadd.s32 $0xFFFFC000  }
0x189: {  	[spmem:s3] =	stream.indirect.scatter.add.f32 [tilespmem:s26], [sflag:$0x4], $0x80, s6, s25, $0xb8;
	[tilespmem:$0x1DC00] =	vst v63  }
0x18a: {  	_ =	swait.ge [sflag:s23], $0x4000  }
0x18b: {  	[sflag:s23] =	ssyncset.done $0x0  }
0x18c: {  	s6 =	simm.s32 $0x280;
	[sflag:s23] =	ssyncadd.s32 $0xFFFFC000  }
0x18d: {  	[tilespmem:s26], [sflag:$0x2] =	stream.indirect.gather [hbm4b:s1+s25], $0x80, s6, s25, $0xb8;
	[tilespmem:$0x1DC00] =	vst v63  }
0x18e: {  	_ =	swait.ge [sflag:s30], $0x4000  }
0x18f: {  	[sflag:s30] =	ssyncset.done $0x0  }
0x190: {  	s6 =	simm.s32 $0x1200;
	[sflag:s30] =	ssyncadd.s32 $0xFFFFC000  }
0x191: {  	[spmem:s3] =	stream.indirect.scatter.add.f32 [tilespmem:s22], [sflag:$0x4], $0x80, s6, s25, $0xb8;
	[tilespmem:$0x1DC00] =	vst v63  }
0x192: {  	_ =	swait.ge [sflag:s23], $0x4000  }
0x193: {  	[sflag:s23] =	ssyncset.done $0x0  }
0x194: {  	s6 =	simm.s32 $0x300;
	[sflag:s23] =	ssyncadd.s32 $0xFFFFC000  }
0x195: {  	[tilespmem:s22], [sflag:$0x1] =	stream.indirect.gather [hbm4b:s1+s25], $0x80, s6, s25, $0xb8;
	[tilespmem:$0x1DC00] =	vst v63  }
0x196: {  	_ =	swait.ge [sflag:s0], $0x4000  }
0x197: {  	[sflag:s0] =	ssyncset.done $0x0  }
0x198: {  	s6 =	simm.s32 $0x1280;
	[sflag:s0] =	ssyncadd.s32 $0xFFFFC000  }
0x199: {  	[spmem:s3] =	stream.indirect.scatter.add.f32 [tilespmem:s26], [sflag:$0x4], $0x80, s6, s25, $0xb8;
	[tilespmem:$0x1DC00] =	vst v63  }
0x19a: {  	_ =	swait.ge [sflag:s23], $0x4000  }
0x19b: {  	[sflag:s23] =	ssyncset.done $0x0  }
0x19c: {  	s6 =	simm.s32 $0x380;
	[sflag:s23] =	ssyncadd.s32 $0xFFFFC000  }
0x19d: {  	[tilespmem:s26], [sflag:$0x2] =	stream.indirect.gather [hbm4b:s1+s25], $0x80, s6, s25, $0xb8;
	[tilespmem:$0x1DC00] =	vst v63  }
0x19e: {  	_ =	swait.ge [sflag:s30], $0x4000  }
0x19f: {  	[sflag:s30] =	ssyncset.done $0x0  }
0x1a0: {  	s6 =	simm.s32 $0x1300;
	[sflag:s30] =	ssyncadd.s32 $0xFFFFC000  }
0x1a1: {  	[spmem:s3] =	stream.indirect.scatter.add.f32 [tilespmem:s22], [sflag:$0x4], $0x80, s6, s25, $0xb8;
	[tilespmem:$0x1DC00] =	vst v63  }
0x1a2: {  	_ =	swait.ge [sflag:s23], $0x4000  }
0x1a3: {  	[sflag:s23] =	ssyncset.done $0x0  }
0x1a4: {  	s6 =	simm.s32 $0x400;
	[sflag:s23] =	ssyncadd.s32 $0xFFFFC000  }
0x1a5: {  	[tilespmem:s22], [sflag:$0x1] =	stream.indirect.gather [hbm4b:s1+s25], $0x80, s6, s25, $0xb8;
	[tilespmem:$0x1DC00] =	vst v63  }
0x1a6: {  	_ =	swait.ge [sflag:s0], $0x4000  }
0x1a7: {  	[sflag:s0] =	ssyncset.done $0x0  }
0x1a8: {  	s6 =	simm.s32 $0x1380;
	[sflag:s0] =	ssyncadd.s32 $0xFFFFC000  }
0x1a9: {  	[spmem:s3] =	stream.indirect.scatter.add.f32 [tilespmem:s26], [sflag:$0x4], $0x80, s6, s25, $0xb8;
	[tilespmem:$0x1DC00] =	vst v63  }
0x1aa: {  	_ =	swait.ge [sflag:s23], $0x4000  }
0x1ab: {  	[sflag:s23] =	ssyncset.done $0x0  }
0x1ac: {  	s6 =	simm.s32 $0x480;
	[sflag:s23] =	ssyncadd.s32 $0xFFFFC000  }
0x1ad: {  	[tilespmem:s26], [sflag:$0x2] =	stream.indirect.gather [hbm4b:s1+s25], $0x80, s6, s25, $0xb8;
	[tilespmem:$0x1DC00] =	vst v63  }
0x1ae: {  	_ =	swait.ge [sflag:s30], $0x4000  }
0x1af: {  	[sflag:s30] =	ssyncset.done $0x0  }
0x1b0: {  	s6 =	simm.s32 $0x1400;
	[sflag:s30] =	ssyncadd.s32 $0xFFFFC000  }
0x1b1: {  	[spmem:s3] =	stream.indirect.scatter.add.f32 [tilespmem:s22], [sflag:$0x4], $0x80, s6, s25, $0xb8;
	[tilespmem:$0x1DC00] =	vst v63  }
0x1b2: {  	_ =	swait.ge [sflag:s23], $0x4000  }
0x1b3: {  	[sflag:s23] =	ssyncset.done $0x0  }
0x1b4: {  	s6 =	simm.s32 $0x500;
	[sflag:s23] =	ssyncadd.s32 $0xFFFFC000  }
0x1b5: {  	[tilespmem:s22], [sflag:$0x1] =	stream.indirect.gather [hbm4b:s1+s25], $0x80, s6, s25, $0xb8;
	[tilespmem:$0x1DC00] =	vst v63  }
0x1b6: {  	_ =	swait.ge [sflag:s0], $0x4000  }
0x1b7: {  	[sflag:s0] =	ssyncset.done $0x0  }
0x1b8: {  	s6 =	simm.s32 $0x1480;
	[sflag:s0] =	ssyncadd.s32 $0xFFFFC000  }
0x1b9: {  	[spmem:s3] =	stream.indirect.scatter.add.f32 [tilespmem:s26], [sflag:$0x4], $0x80, s6, s25, $0xb8;
	[tilespmem:$0x1DC00] =	vst v63  }
0x1ba: {  	_ =	swait.ge [sflag:s23], $0x4000  }
0x1bb: {  	[sflag:s23] =	ssyncset.done $0x0  }
0x1bc: {  	s6 =	simm.s32 $0x580;
	[sflag:s23] =	ssyncadd.s32 $0xFFFFC000  }
0x1bd: {  	[tilespmem:s26], [sflag:$0x2] =	stream.indirect.gather [hbm4b:s1+s25], $0x80, s6, s25, $0xb8;
	[tilespmem:$0x1DC00] =	vst v63  }
0x1be: {  	_ =	swait.ge [sflag:s30], $0x4000  }
0x1bf: {  	[sflag:s30] =	ssyncset.done $0x0  }
0x1c0: {  	s6 =	simm.s32 $0x1500;
	[sflag:s30] =	ssyncadd.s32 $0xFFFFC000  }
0x1c1: {  	[spmem:s3] =	stream.indirect.scatter.add.f32 [tilespmem:s22], [sflag:$0x4], $0x80, s6, s25, $0xb8;
	[tilespmem:$0x1DC00] =	vst v63  }
0x1c2: {  	_ =	swait.ge [sflag:s23], $0x4000  }
0x1c3: {  	[sflag:s23] =	ssyncset.done $0x0  }
0x1c4: {  	s6 =	simm.s32 $0x600;
	[sflag:s23] =	ssyncadd.s32 $0xFFFFC000  }
0x1c5: {  	[tilespmem:s22], [sflag:$0x1] =	stream.indirect.gather [hbm4b:s1+s25], $0x80, s6, s25, $0xb8;
	[tilespmem:$0x1DC00] =	vst v63  }
0x1c6: {  	_ =	swait.ge [sflag:s0], $0x4000  }
0x1c7: {  	[sflag:s0] =	ssyncset.done $0x0  }
0x1c8: {  	s6 =	simm.s32 $0x1580;
	[sflag:s0] =	ssyncadd.s32 $0xFFFFC000  }
0x1c9: {  	[spmem:s3] =	stream.indirect.scatter.add.f32 [tilespmem:s26], [sflag:$0x4], $0x80, s6, s25, $0xb8;
	[tilespmem:$0x1DC00] =	vst v63  }
0x1ca: {  	_ =	swait.ge [sflag:s23], $0x4000  }
0x1cb: {  	[sflag:s23] =	ssyncset.done $0x0  }
0x1cc: {  	s6 =	simm.s32 $0x680;
	[sflag:s23] =	ssyncadd.s32 $0xFFFFC000  }
0x1cd: {  	[tilespmem:s26], [sflag:$0x2] =	stream.indirect.gather [hbm4b:s1+s25], $0x80, s6, s25, $0xb8;
	[tilespmem:$0x1DC00] =	vst v63  }
0x1ce: {  	_ =	swait.ge [sflag:s30], $0x4000  }
0x1cf: {  	[sflag:s30] =	ssyncset.done $0x0  }
0x1d0: {  	s6 =	simm.s32 $0x1600;
	[sflag:s30] =	ssyncadd.s32 $0xFFFFC000  }
0x1d1: {  	[spmem:s3] =	stream.indirect.scatter.add.f32 [tilespmem:s22], [sflag:$0x4], $0x80, s6, s25, $0xb8;
	[tilespmem:$0x1DC00] =	vst v63  }
0x1d2: {  	_ =	swait.ge [sflag:s23], $0x4000  }
0x1d3: {  	[sflag:s23] =	ssyncset.done $0x0  }
0x1d4: {  	s6 =	simm.s32 $0x700;
	[sflag:s23] =	ssyncadd.s32 $0xFFFFC000  }
0x1d5: {  	[tilespmem:s22], [sflag:$0x1] =	stream.indirect.gather [hbm4b:s1+s25], $0x80, s6, s25, $0xb8;
	[tilespmem:$0x1DC00] =	vst v63  }
0x1d6: {  	_ =	swait.ge [sflag:s0], $0x4000  }
0x1d7: {  	[sflag:s0] =	ssyncset.done $0x0  }
0x1d8: {  	s6 =	simm.s32 $0x1680;
	[sflag:s0] =	ssyncadd.s32 $0xFFFFC000  }
0x1d9: {  	[spmem:s3] =	stream.indirect.scatter.add.f32 [tilespmem:s26], [sflag:$0x4], $0x80, s6, s25, $0xb8;
	[tilespmem:$0x1DC00] =	vst v63  }
0x1da: {  	_ =	swait.ge [sflag:s23], $0x4000  }
0x1db: {  	[sflag:s23] =	ssyncset.done $0x0  }
0x1dc: {  	s6 =	simm.s32 $0x780;
	[sflag:s23] =	ssyncadd.s32 $0xFFFFC000  }
0x1dd: {  	[tilespmem:s26], [sflag:$0x2] =	stream.indirect.gather [hbm4b:s1+s25], $0x80, s6, s25, $0xb8;
	[tilespmem:$0x1DC00] =	vst v63  }
0x1de: {  	_ =	swait.ge [sflag:s13], $0x800  }
0x1df: {  	[sflag:s13] =	ssyncset.done $0x0  }
0x1e0: {  	[sflag:s13] =	ssyncadd.s32 $0xFFFFF800  }
0x1e1: {  	_ =	swait.ge [sflag:s13], $0x800  }
0x1e2: {  	[sflag:s13] =	ssyncset.done $0x0  }
0x1e3: {  	[sflag:s13] =	ssyncadd.s32 $0xFFFFF800  }
0x1e4: {  	_ =	swait.ge [sflag:s30], $0x4000  }
0x1e5: {  	[sflag:s30] =	ssyncset.done $0x0  }
0x1e6: {  	s6 =	simm.s32 $0x1700;
	[sflag:s30] =	ssyncadd.s32 $0xFFFFC000  }
0x1e7: {  	[spmem:s3] =	stream.indirect.scatter.add.f32 [tilespmem:s22], [sflag:$0x4], $0x80, s6, s25, $0xb8;
	[tilespmem:$0x1DC00] =	vst v63  }
0x1e8: {  	_ =	swait.ge [sflag:s23], $0x4000  }
0x1e9: {  	[sflag:s23] =	ssyncset.done $0x0  }
0x1ea: {  	[sflag:s23] =	ssyncadd.s32 $0xFFFFC000  }
0x1eb: {  	[tilespmem:s22], [sflag:$0x1] =	stream.indirect.gather [hbm4b:s1+s25], $0x80, s29, s25, $0xb8;
	[tilespmem:$0x1DC00] =	vst v63  }
0x1ec: {  	_ =	swait.ge [sflag:s0], $0x4000  }
0x1ed: {  	[sflag:s0] =	ssyncset.done $0x0  }
0x1ee: {  	s29 =	simm.s32 $0x1780;
	[sflag:s0] =	ssyncadd.s32 $0xFFFFC000  }
0x1ef: {  	[spmem:s3] =	stream.indirect.scatter.add.f32 [tilespmem:s26], [sflag:$0x4], $0x80, s29, s25, $0xb8;
	[tilespmem:$0x1DC00] =	vst v63  }
0x1f0: {  	_ =	swait.ge [sflag:s23], $0x4000  }
0x1f1: {  	[sflag:s23] =	ssyncset.done $0x0  }
0x1f2: {  	[sflag:s23] =	ssyncadd.s32 $0xFFFFC000  }
0x1f3: {  	[tilespmem:s26], [sflag:$0x2] =	stream.indirect.gather [hbm4b:s1+s25], $0x80, s24, s25, $0xb8;
	[tilespmem:$0x1DC00] =	vst v63  }
0x1f4: {  	s17 =	rddreg [dreg:$0x14]  }
0x1f5: {  	[tilespmem:s4], [sflag:$0x3] =	stream.linear.gather [hbm4b:s17+s4], $0x800, $0x38;
	[tilespmem:$0x1DC00] =	vst v63  }
0x1f6: {  	s17 =	rddreg [dreg:$0x15]  }
0x1f7: {  	[tilespmem:s2], [sflag:$0x3] =	stream.linear.gather [hbm4b:s17+s4], $0x800, $0x38;
	[tilespmem:$0x1DC00] =	vst v63  }
0x1f8: {  	_ =	swait.ge [sflag:s30], $0x4000  }
0x1f9: {  	[sflag:s30] =	ssyncset.done $0x0  }
0x1fa: {  	[sflag:s30] =	ssyncadd.s32 $0xFFFFC000  }
0x1fb: {  	[spmem:s3] =	stream.indirect.scatter.add.f32 [tilespmem:s22], [sflag:$0x4], $0x80, s5, s25, $0xb8;
	[tilespmem:$0x1DC00] =	vst v63  }
0x1fc: {  	_ =	swait.ge [sflag:s23], $0x4000  }
0x1fd: {  	[sflag:s23] =	ssyncset.done $0x0  }
0x1fe: {  	[sflag:s23] =	ssyncadd.s32 $0xFFFFC000  }
0x1ff: {  	[tilespmem:s22], [sflag:$0x1] =	stream.indirect.gather [hbm4b:s1+s25], $0x80, s8, s25, $0xb8;
	[tilespmem:$0x1DC00] =	vst v63  }
0x200: {  	_ =	swait.ge [sflag:s0], $0x4000  }
0x201: {  	[sflag:s0] =	ssyncset.done $0x0  }
0x202: {  	[sflag:s0] =	ssyncadd.s32 $0xFFFFC000  }
0x203: {  	[spmem:s3] =	stream.indirect.scatter.add.f32 [tilespmem:s26], [sflag:$0x4], $0x80, s9, s25, $0xb8;
	[tilespmem:$0x1DC00] =	vst v63  }
0x204: {  	_ =	swait.ge [sflag:s23], $0x4000  }
0x205: {  	[sflag:s23] =	ssyncset.done $0x0  }
0x206: {  	[sflag:s23] =	ssyncadd.s32 $0xFFFFC000  }
0x207: {  	[tilespmem:s26], [sflag:$0x2] =	stream.indirect.gather [hbm4b:s1+s25], $0x80, s10, s25, $0xb8;
	[tilespmem:$0x1DC00] =	vst v63  }
0x208: {  	_ =	swait.ge [sflag:s30], $0x4000  }
0x209: {  	[sflag:s30] =	ssyncset.done $0x0  }
0x20a: {  	[sflag:s30] =	ssyncadd.s32 $0xFFFFC000  }
0x20b: {  	[spmem:s3] =	stream.indirect.scatter.add.f32 [tilespmem:s22], [sflag:$0x4], $0x80, s11, s25, $0xb8;
	[tilespmem:$0x1DC00] =	vst v63  }
0x20c: {  	_ =	swait.ge [sflag:s23], $0x4000  }
0x20d: {  	[sflag:s23] =	ssyncset.done $0x0  }
0x20e: {  	[sflag:s23] =	ssyncadd.s32 $0xFFFFC000  }
0x20f: {  	[tilespmem:s22], [sflag:$0x1] =	stream.indirect.gather [hbm4b:s1+s25], $0x80, s12, s25, $0xb8;
	[tilespmem:$0x1DC00] =	vst v63  }
0x210: {  	_ =	swait.ge [sflag:s0], $0x4000  }
0x211: {  	[sflag:s0] =	ssyncset.done $0x0  }
0x212: {  	[sflag:s0] =	ssyncadd.s32 $0xFFFFC000  }
0x213: {  	[spmem:s3] =	stream.indirect.scatter.add.f32 [tilespmem:s26], [sflag:$0x4], $0x80, s14, s25, $0xb8;
	[tilespmem:$0x1DC00] =	vst v63  }
0x214: {  	_ =	swait.ge [sflag:s23], $0x4000  }
0x215: {  	[sflag:s23] =	ssyncset.done $0x0  }
0x216: {  	[sflag:s23] =	ssyncadd.s32 $0xFFFFC000  }
0x217: {  	[tilespmem:s26], [sflag:$0x2] =	stream.indirect.gather [hbm4b:s1+s25], $0x80, s15, s25, $0xb8;
	[tilespmem:$0x1DC00] =	vst v63  }
0x218: {  	_ =	swait.ge [sflag:s30], $0x4000  }
0x219: {  	[sflag:s30] =	ssyncset.done $0x0  }
0x21a: {  	[sflag:s30] =	ssyncadd.s32 $0xFFFFC000  }
0x21b: {  	[spmem:s3] =	stream.indirect.scatter.add.f32 [tilespmem:s22], [sflag:$0x4], $0x80, s20, s25, $0xb8;
	[tilespmem:$0x1DC00] =	vst v63  }
0x21c: {  	_ =	swait.ge [sflag:s23], $0x4000  }
0x21d: {  	[sflag:s23] =	ssyncset.done $0x0  }
0x21e: {  	[sflag:s23] =	ssyncadd.s32 $0xFFFFC000  }
0x21f: {  	[tilespmem:s22], [sflag:$0x1] =	stream.indirect.gather [hbm4b:s1+s25], $0x80, s21, s25, $0xb8;
	[tilespmem:$0x1DC00] =	vst v63  }
0x220: {  	_ =	swait.ge [sflag:s0], $0x4000  }
0x221: {  	[sflag:s0] =	ssyncset.done $0x0  }
0x222: {  	[sflag:s0] =	ssyncadd.s32 $0xFFFFC000  }
0x223: {  	[spmem:s3] =	stream.indirect.scatter.add.f32 [tilespmem:s26], [sflag:$0x4], $0x80, s28, s25, $0xb8;
	[tilespmem:$0x1DC00] =	vst v63  }
0x224: {  	_ =	swait.ge [sflag:s23], $0x4000  }
0x225: {  	[sflag:s23] =	ssyncset.done $0x0  }
0x226: {  	[sflag:s23] =	ssyncadd.s32 $0xFFFFC000  }
0x227: {  	[tilespmem:s26], [sflag:$0x2] =	stream.indirect.gather [hbm4b:s1+s25], $0x80, s31, s25, $0xb8;
	[tilespmem:$0x1DC00] =	vst v63  }
0x228: {  	_ =	swait.ge [sflag:s30], $0x4000  }
0x229: {  	[sflag:s30] =	ssyncset.done $0x0  }
0x22a: {  	[sflag:s30] =	ssyncadd.s32 $0xFFFFC000  }
0x22b: {  	[spmem:s3] =	stream.indirect.scatter.add.f32 [tilespmem:s22], [sflag:$0x4], $0x80, s7, s25, $0xb8;
	[tilespmem:$0x1DC00] =	vst v63  }
0x22c: {  	_ =	swait.ge [sflag:s23], $0x4000  }
0x22d: {  	[sflag:s23] =	ssyncset.done $0x0  }
0x22e: {  	s17 =	simm.s32 $0xC00;
	[sflag:s23] =	ssyncadd.s32 $0xFFFFC000  }
0x22f: {  	[tilespmem:s22], [sflag:$0x1] =	stream.indirect.gather [hbm4b:s1+s25], $0x80, s17, s25, $0xb8;
	[tilespmem:$0x1DC00] =	vst v63  }
0x230: {  	_ =	swait.ge [sflag:s0], $0x4000  }
0x231: {  	[sflag:s0] =	ssyncset.done $0x0  }
0x232: {  	[sflag:s0] =	ssyncadd.s32 $0xFFFFC000  }
0x233: {  	[spmem:s3] =	stream.indirect.scatter.add.f32 [tilespmem:s26], [sflag:$0x4], $0x80, s18, s25, $0xb8;
	[tilespmem:$0x1DC00] =	vst v63  }
0x234: {  	_ =	swait.ge [sflag:s23], $0x4000  }
0x235: {  	[sflag:s23] =	ssyncset.done $0x0  }
0x236: {  	[sflag:s23] =	ssyncadd.s32 $0xFFFFC000  }
0x237: {  	[tilespmem:s26], [sflag:$0x2] =	stream.indirect.gather [hbm4b:s1+s25], $0x80, s19, s25, $0xb8;
	[tilespmem:$0x1DC00] =	vst v63  }
0x238: {  	_ =	swait.ge [sflag:s30], $0x4000  }
0x239: {  	[sflag:s30] =	ssyncset.done $0x0  }
0x23a: {  	s18 =	simm.s32 $0x1C00;
	[sflag:s30] =	ssyncadd.s32 $0xFFFFC000  }
0x23b: {  	[spmem:s3] =	stream.indirect.scatter.add.f32 [tilespmem:s22], [sflag:$0x4], $0x80, s18, s25, $0xb8;
	[tilespmem:$0x1DC00] =	vst v63  }
0x23c: {  	_ =	swait.ge [sflag:s23], $0x4000  }
0x23d: {  	[sflag:s23] =	ssyncset.done $0x0  }
0x23e: {  	s19 =	simm.s32 $0xD00;
	[sflag:s23] =	ssyncadd.s32 $0xFFFFC000  }
0x23f: {  	[tilespmem:s22], [sflag:$0x1] =	stream.indirect.gather [hbm4b:s1+s25], $0x80, s19, s25, $0xb8;
	[tilespmem:$0x1DC00] =	vst v63  }
0x240: {  	_ =	swait.ge [sflag:s0], $0x4000  }
0x241: {  	[sflag:s0] =	ssyncset.done $0x0  }
0x242: {  	s17 =	simm.s32 $0x1C80;
	[sflag:s0] =	ssyncadd.s32 $0xFFFFC000  }
0x243: {  	[spmem:s3] =	stream.indirect.scatter.add.f32 [tilespmem:s26], [sflag:$0x4], $0x80, s17, s25, $0xb8;
	[tilespmem:$0x1DC00] =	vst v63  }
0x244: {  	_ =	swait.ge [sflag:s23], $0x4000  }
0x245: {  	[sflag:s23] =	ssyncset.done $0x0  }
0x246: {  	s18 =	simm.s32 $0xD80;
	[sflag:s23] =	ssyncadd.s32 $0xFFFFC000  }
0x247: {  	[tilespmem:s26], [sflag:$0x2] =	stream.indirect.gather [hbm4b:s1+s25], $0x80, s18, s25, $0xb8;
	[tilespmem:$0x1DC00] =	vst v63  }
0x248: {  	_ =	swait.ge [sflag:s30], $0x4000  }
0x249: {  	[sflag:s30] =	ssyncset.done $0x0  }
0x24a: {  	s19 =	simm.s32 $0x1D00;
	[sflag:s30] =	ssyncadd.s32 $0xFFFFC000  }
0x24b: {  	[spmem:s3] =	stream.indirect.scatter.add.f32 [tilespmem:s22], [sflag:$0x4], $0x80, s19, s25, $0xb8;
	[tilespmem:$0x1DC00] =	vst v63  }
0x24c: {  	_ =	swait.ge [sflag:s23], $0x4000  }
0x24d: {  	[sflag:s23] =	ssyncset.done $0x0  }
0x24e: {  	s17 =	simm.s32 $0xE00;
	[sflag:s23] =	ssyncadd.s32 $0xFFFFC000  }
0x24f: {  	[tilespmem:s22], [sflag:$0x1] =	stream.indirect.gather [hbm4b:s1+s25], $0x80, s17, s25, $0xb8;
	[tilespmem:$0x1DC00] =	vst v63  }
0x250: {  	_ =	swait.ge [sflag:s0], $0x4000  }
0x251: {  	[sflag:s0] =	ssyncset.done $0x0  }
0x252: {  	s18 =	simm.s32 $0x1D80;
	[sflag:s0] =	ssyncadd.s32 $0xFFFFC000  }
0x253: {  	[spmem:s3] =	stream.indirect.scatter.add.f32 [tilespmem:s26], [sflag:$0x4], $0x80, s18, s25, $0xb8;
	[tilespmem:$0x1DC00] =	vst v63  }
0x254: {  	_ =	swait.ge [sflag:s23], $0x4000  }
0x255: {  	[sflag:s23] =	ssyncset.done $0x0  }
0x256: {  	s19 =	simm.s32 $0xE80;
	[sflag:s23] =	ssyncadd.s32 $0xFFFFC000  }
0x257: {  	[tilespmem:s26], [sflag:$0x2] =	stream.indirect.gather [hbm4b:s1+s25], $0x80, s19, s25, $0xb8;
	[tilespmem:$0x1DC00] =	vst v63  }
0x258: {  	_ =	swait.ge [sflag:s30], $0x4000  }
0x259: {  	[sflag:s30] =	ssyncset.done $0x0  }
0x25a: {  	s17 =	simm.s32 $0x1E00;
	[sflag:s30] =	ssyncadd.s32 $0xFFFFC000  }
0x25b: {  	[spmem:s3] =	stream.indirect.scatter.add.f32 [tilespmem:s22], [sflag:$0x4], $0x80, s17, s25, $0xb8;
	[tilespmem:$0x1DC00] =	vst v63  }
0x25c: {  	_ =	swait.ge [sflag:s23], $0x4000  }
0x25d: {  	[sflag:s23] =	ssyncset.done $0x0  }
0x25e: {  	s18 =	simm.s32 $0xF00;
	[sflag:s23] =	ssyncadd.s32 $0xFFFFC000  }
0x25f: {  	[tilespmem:s22], [sflag:$0x1] =	stream.indirect.gather [hbm4b:s1+s25], $0x80, s18, s25, $0xb8;
	[tilespmem:$0x1DC00] =	vst v63  }
0x260: {  	_ =	swait.ge [sflag:s0], $0x4000  }
0x261: {  	[sflag:s0] =	ssyncset.done $0x0  }
0x262: {  	s19 =	simm.s32 $0x1E80;
	[sflag:s0] =	ssyncadd.s32 $0xFFFFC000  }
0x263: {  	[spmem:s3] =	stream.indirect.scatter.add.f32 [tilespmem:s26], [sflag:$0x4], $0x80, s19, s25, $0xb8;
	[tilespmem:$0x1DC00] =	vst v63  }
0x264: {  	_ =	swait.ge [sflag:s23], $0x4000  }
0x265: {  	[sflag:s23] =	ssyncset.done $0x0  }
0x266: {  	s17 =	simm.s32 $0xF80;
	[sflag:s23] =	ssyncadd.s32 $0xFFFFC000  }
0x267: {  	[tilespmem:s26], [sflag:$0x2] =	stream.indirect.gather [hbm4b:s1+s25], $0x80, s17, s25, $0xb8;
	[tilespmem:$0x1DC00] =	vst v63  }
0x268: {  	_ =	swait.ge [sflag:s13], $0x800  }
0x269: {  	[sflag:s13] =	ssyncset.done $0x0  }
0x26a: {  	[sflag:s13] =	ssyncadd.s32 $0xFFFFF800  }
0x26b: {  	_ =	swait.ge [sflag:s13], $0x800  }
0x26c: {  	[sflag:s13] =	ssyncset.done $0x0  }
0x26d: {  	[sflag:s13] =	ssyncadd.s32 $0xFFFFF800  }
0x26e: {  	_ =	swait.ge [sflag:s30], $0x4000  }
0x26f: {  	[sflag:s30] =	ssyncset.done $0x0  }
0x270: {  	s18 =	simm.s32 $0x1F00;
	[sflag:s30] =	ssyncadd.s32 $0xFFFFC000  }
0x271: {  	[spmem:s3] =	stream.indirect.scatter.add.f32 [tilespmem:s22], [sflag:$0x4], $0x80, s18, s25, $0xb8;
	[tilespmem:$0x1DC00] =	vst v63  }
0x272: {  	_ =	swait.ge [sflag:s23], $0x4000  }
0x273: {  	[sflag:s23] =	ssyncset.done $0x0  }
0x274: {  	[sflag:s23] =	ssyncadd.s32 $0xFFFFC000  }
0x275: {  	[tilespmem:s22], [sflag:$0x1] =	stream.indirect.gather [hbm4b:s1+s25], $0x80, s4, s25, $0xb8;
	[tilespmem:$0x1DC00] =	vst v63  }
0x276: {  	_ =	swait.ge [sflag:s0], $0x4000  }
0x277: {  	[sflag:s0] =	ssyncset.done $0x0  }
0x278: {  	s19 =	simm.s32 $0x1F80;
	[sflag:s0] =	ssyncadd.s32 $0xFFFFC000  }
0x279: {  	[spmem:s3] =	stream.indirect.scatter.add.f32 [tilespmem:s26], [sflag:$0x4], $0x80, s19, s25, $0xb8;
	[tilespmem:$0x1DC00] =	vst v63  }
0x27a: {  	_ =	swait.ge [sflag:s23], $0x4000  }
0x27b: {  	[sflag:s23] =	ssyncset.done $0x0  }
0x27c: {  	[sflag:s23] =	ssyncadd.s32 $0xFFFFC000  }
0x27d: {  	[tilespmem:s26], [sflag:$0x2] =	stream.indirect.gather [hbm4b:s1+s25], $0x80, s25, s25, $0xb8;
	[tilespmem:$0x1DC00] =	vst v63  }
0x27e: {  	_ =	swait.ge [sflag:s30], $0x4000  }
0x27f: {  	[sflag:s30] =	ssyncset.done $0x0  }
0x280: {  	[sflag:s30] =	ssyncadd.s32 $0xFFFFC000  }
0x281: {  	[spmem:s3] =	stream.indirect.scatter.add.f32 [tilespmem:s22], [sflag:$0x4], $0x80, s2, s25, $0xb8;
	[tilespmem:$0x1DC00] =	vst v63  }
0x282: {  	_ =	swait.ge [sflag:s23], $0x4000  }
0x283: {  	[sflag:s23] =	ssyncset.done $0x0  }
0x284: {  	s5 =	simm.s32 $0x100;
	[sflag:s23] =	ssyncadd.s32 $0xFFFFC000  }
0x285: {  	[tilespmem:s22], [sflag:$0x1] =	stream.indirect.gather [hbm4b:s1+s25], $0x80, s5, s25, $0xb8;
	[tilespmem:$0x1DC00] =	vst v63  }
0x286: {  	_ =	swait.ge [sflag:s0], $0x4000  }
0x287: {  	[sflag:s0] =	ssyncset.done $0x0  }
0x288: {  	s17 =	simm.s32 $0x1080;
	[sflag:s0] =	ssyncadd.s32 $0xFFFFC000  }
0x289: {  	[spmem:s3] =	stream.indirect.scatter.add.f32 [tilespmem:s26], [sflag:$0x4], $0x80, s17, s25, $0xb8;
	[tilespmem:$0x1DC00] =	vst v63  }
0x28a: {  	_ =	swait.ge [sflag:s23], $0x4000  }
0x28b: {  	[sflag:s23] =	ssyncset.done $0x0  }
0x28c: {  	s18 =	simm.s32 $0x180;
	[sflag:s23] =	ssyncadd.s32 $0xFFFFC000  }
0x28d: {  	[tilespmem:s26], [sflag:$0x2] =	stream.indirect.gather [hbm4b:s1+s25], $0x80, s18, s25, $0xb8;
	[tilespmem:$0x1DC00] =	vst v63  }
0x28e: {  	_ =	swait.ge [sflag:s30], $0x4000  }
0x28f: {  	[sflag:s30] =	ssyncset.done $0x0  }
0x290: {  	s19 =	simm.s32 $0x1100;
	[sflag:s30] =	ssyncadd.s32 $0xFFFFC000  }
0x291: {  	[spmem:s3] =	stream.indirect.scatter.add.f32 [tilespmem:s22], [sflag:$0x4], $0x80, s19, s25, $0xb8;
	[tilespmem:$0x1DC00] =	vst v63  }
0x292: {  	_ =	swait.ge [sflag:s23], $0x4000  }
0x293: {  	[sflag:s23] =	ssyncset.done $0x0  }
0x294: {  	s5 =	simm.s32 $0x200;
	[sflag:s23] =	ssyncadd.s32 $0xFFFFC000  }
0x295: {  	[tilespmem:s22], [sflag:$0x1] =	stream.indirect.gather [hbm4b:s1+s25], $0x80, s5, s25, $0xb8;
	[tilespmem:$0x1DC00] =	vst v63  }
0x296: {  	_ =	swait.ge [sflag:s0], $0x4000  }
0x297: {  	[sflag:s0] =	ssyncset.done $0x0  }
0x298: {  	s17 =	simm.s32 $0x1180;
	[sflag:s0] =	ssyncadd.s32 $0xFFFFC000  }
0x299: {  	[spmem:s3] =	stream.indirect.scatter.add.f32 [tilespmem:s26], [sflag:$0x4], $0x80, s17, s25, $0xb8;
	[tilespmem:$0x1DC00] =	vst v63  }
0x29a: {  	_ =	swait.ge [sflag:s23], $0x4000  }
0x29b: {  	[sflag:s23] =	ssyncset.done $0x0  }
0x29c: {  	s18 =	simm.s32 $0x280;
	[sflag:s23] =	ssyncadd.s32 $0xFFFFC000  }
0x29d: {  	[tilespmem:s26], [sflag:$0x2] =	stream.indirect.gather [hbm4b:s1+s25], $0x80, s18, s25, $0xb8;
	[tilespmem:$0x1DC00] =	vst v63  }
0x29e: {  	_ =	swait.ge [sflag:s30], $0x4000  }
0x29f: {  	[sflag:s30] =	ssyncset.done $0x0  }
0x2a0: {  	s19 =	simm.s32 $0x1200;
	[sflag:s30] =	ssyncadd.s32 $0xFFFFC000  }
0x2a1: {  	[spmem:s3] =	stream.indirect.scatter.add.f32 [tilespmem:s22], [sflag:$0x4], $0x80, s19, s25, $0xb8;
	[tilespmem:$0x1DC00] =	vst v63  }
0x2a2: {  	_ =	swait.ge [sflag:s23], $0x4000  }
0x2a3: {  	[sflag:s23] =	ssyncset.done $0x0  }
0x2a4: {  	s5 =	simm.s32 $0x300;
	[sflag:s23] =	ssyncadd.s32 $0xFFFFC000  }
0x2a5: {  	[tilespmem:s22], [sflag:$0x1] =	stream.indirect.gather [hbm4b:s1+s25], $0x80, s5, s25, $0xb8;
	[tilespmem:$0x1DC00] =	vst v63  }
0x2a6: {  	_ =	swait.ge [sflag:s0], $0x4000  }
0x2a7: {  	[sflag:s0] =	ssyncset.done $0x0  }
0x2a8: {  	s17 =	simm.s32 $0x1280;
	[sflag:s0] =	ssyncadd.s32 $0xFFFFC000  }
0x2a9: {  	[spmem:s3] =	stream.indirect.scatter.add.f32 [tilespmem:s26], [sflag:$0x4], $0x80, s17, s25, $0xb8;
	[tilespmem:$0x1DC00] =	vst v63  }
0x2aa: {  	_ =	swait.ge [sflag:s23], $0x4000  }
0x2ab: {  	[sflag:s23] =	ssyncset.done $0x0  }
0x2ac: {  	s18 =	simm.s32 $0x380;
	[sflag:s23] =	ssyncadd.s32 $0xFFFFC000  }
0x2ad: {  	[tilespmem:s26], [sflag:$0x2] =	stream.indirect.gather [hbm4b:s1+s25], $0x80, s18, s25, $0xb8;
	[tilespmem:$0x1DC00] =	vst v63  }
0x2ae: {  	_ =	swait.ge [sflag:s30], $0x4000  }
0x2af: {  	[sflag:s30] =	ssyncset.done $0x0  }
0x2b0: {  	s19 =	simm.s32 $0x1300;
	[sflag:s30] =	ssyncadd.s32 $0xFFFFC000  }
0x2b1: {  	[spmem:s3] =	stream.indirect.scatter.add.f32 [tilespmem:s22], [sflag:$0x4], $0x80, s19, s25, $0xb8;
	[tilespmem:$0x1DC00] =	vst v63  }
0x2b2: {  	_ =	swait.ge [sflag:s23], $0x4000  }
0x2b3: {  	[sflag:s23] =	ssyncset.done $0x0  }
0x2b4: {  	s5 =	simm.s32 $0x400;
	[sflag:s23] =	ssyncadd.s32 $0xFFFFC000  }
0x2b5: {  	[tilespmem:s22], [sflag:$0x1] =	stream.indirect.gather [hbm4b:s1+s25], $0x80, s5, s25, $0xb8;
	[tilespmem:$0x1DC00] =	vst v63  }
0x2b6: {  	_ =	swait.ge [sflag:s0], $0x4000  }
0x2b7: {  	[sflag:s0] =	ssyncset.done $0x0  }
0x2b8: {  	s17 =	simm.s32 $0x1380;
	[sflag:s0] =	ssyncadd.s32 $0xFFFFC000  }
0x2b9: {  	[spmem:s3] =	stream.indirect.scatter.add.f32 [tilespmem:s26], [sflag:$0x4], $0x80, s17, s25, $0xb8;
	[tilespmem:$0x1DC00] =	vst v63  }
0x2ba: {  	_ =	swait.ge [sflag:s23], $0x4000  }
0x2bb: {  	[sflag:s23] =	ssyncset.done $0x0  }
0x2bc: {  	s18 =	simm.s32 $0x480;
	[sflag:s23] =	ssyncadd.s32 $0xFFFFC000  }
0x2bd: {  	[tilespmem:s26], [sflag:$0x2] =	stream.indirect.gather [hbm4b:s1+s25], $0x80, s18, s25, $0xb8;
	[tilespmem:$0x1DC00] =	vst v63  }
0x2be: {  	_ =	swait.ge [sflag:s30], $0x4000  }
0x2bf: {  	[sflag:s30] =	ssyncset.done $0x0  }
0x2c0: {  	s19 =	simm.s32 $0x1400;
	[sflag:s30] =	ssyncadd.s32 $0xFFFFC000  }
0x2c1: {  	[spmem:s3] =	stream.indirect.scatter.add.f32 [tilespmem:s22], [sflag:$0x4], $0x80, s19, s25, $0xb8;
	[tilespmem:$0x1DC00] =	vst v63  }
0x2c2: {  	_ =	swait.ge [sflag:s23], $0x4000  }
0x2c3: {  	[sflag:s23] =	ssyncset.done $0x0  }
0x2c4: {  	s5 =	simm.s32 $0x500;
	[sflag:s23] =	ssyncadd.s32 $0xFFFFC000  }
0x2c5: {  	[tilespmem:s22], [sflag:$0x1] =	stream.indirect.gather [hbm4b:s1+s25], $0x80, s5, s25, $0xb8;
	[tilespmem:$0x1DC00] =	vst v63  }
0x2c6: {  	_ =	swait.ge [sflag:s0], $0x4000  }
0x2c7: {  	[sflag:s0] =	ssyncset.done $0x0  }
0x2c8: {  	s17 =	simm.s32 $0x1480;
	[sflag:s0] =	ssyncadd.s32 $0xFFFFC000  }
0x2c9: {  	[spmem:s3] =	stream.indirect.scatter.add.f32 [tilespmem:s26], [sflag:$0x4], $0x80, s17, s25, $0xb8;
	[tilespmem:$0x1DC00] =	vst v63  }
0x2ca: {  	_ =	swait.ge [sflag:s23], $0x4000  }
0x2cb: {  	[sflag:s23] =	ssyncset.done $0x0  }
0x2cc: {  	s18 =	simm.s32 $0x580;
	[sflag:s23] =	ssyncadd.s32 $0xFFFFC000  }
0x2cd: {  	[tilespmem:s26], [sflag:$0x2] =	stream.indirect.gather [hbm4b:s1+s25], $0x80, s18, s25, $0xb8;
	[tilespmem:$0x1DC00] =	vst v63  }
0x2ce: {  	_ =	swait.ge [sflag:s30], $0x4000  }
0x2cf: {  	[sflag:s30] =	ssyncset.done $0x0  }
0x2d0: {  	s19 =	simm.s32 $0x1500;
	[sflag:s30] =	ssyncadd.s32 $0xFFFFC000  }
0x2d1: {  	[spmem:s3] =	stream.indirect.scatter.add.f32 [tilespmem:s22], [sflag:$0x4], $0x80, s19, s25, $0xb8;
	[tilespmem:$0x1DC00] =	vst v63  }
0x2d2: {  	_ =	swait.ge [sflag:s23], $0x4000  }
0x2d3: {  	[sflag:s23] =	ssyncset.done $0x0  }
0x2d4: {  	s5 =	simm.s32 $0x600;
	[sflag:s23] =	ssyncadd.s32 $0xFFFFC000  }
0x2d5: {  	[tilespmem:s22], [sflag:$0x1] =	stream.indirect.gather [hbm4b:s1+s25], $0x80, s5, s25, $0xb8;
	[tilespmem:$0x1DC00] =	vst v63  }
0x2d6: {  	_ =	swait.ge [sflag:s0], $0x4000  }
0x2d7: {  	[sflag:s0] =	ssyncset.done $0x0  }
0x2d8: {  	s17 =	simm.s32 $0x1580;
	[sflag:s0] =	ssyncadd.s32 $0xFFFFC000  }
0x2d9: {  	[spmem:s3] =	stream.indirect.scatter.add.f32 [tilespmem:s26], [sflag:$0x4], $0x80, s17, s25, $0xb8;
	[tilespmem:$0x1DC00] =	vst v63  }
0x2da: {  	_ =	swait.ge [sflag:s23], $0x4000  }
0x2db: {  	[sflag:s23] =	ssyncset.done $0x0  }
0x2dc: {  	s18 =	simm.s32 $0x680;
	[sflag:s23] =	ssyncadd.s32 $0xFFFFC000  }
0x2dd: {  	[tilespmem:s26], [sflag:$0x2] =	stream.indirect.gather [hbm4b:s1+s25], $0x80, s18, s25, $0xb8;
	[tilespmem:$0x1DC00] =	vst v63  }
0x2de: {  	_ =	swait.ge [sflag:s30], $0x4000  }
0x2df: {  	[sflag:s30] =	ssyncset.done $0x0  }
0x2e0: {  	s19 =	simm.s32 $0x1600;
	[sflag:s30] =	ssyncadd.s32 $0xFFFFC000  }
0x2e1: {  	[spmem:s3] =	stream.indirect.scatter.add.f32 [tilespmem:s22], [sflag:$0x4], $0x80, s19, s25, $0xb8;
	[tilespmem:$0x1DC00] =	vst v63  }
0x2e2: {  	_ =	swait.ge [sflag:s23], $0x4000  }
0x2e3: {  	[sflag:s23] =	ssyncset.done $0x0  }
0x2e4: {  	s5 =	simm.s32 $0x700;
	[sflag:s23] =	ssyncadd.s32 $0xFFFFC000  }
0x2e5: {  	[tilespmem:s22], [sflag:$0x1] =	stream.indirect.gather [hbm4b:s1+s25], $0x80, s5, s25, $0xb8;
	[tilespmem:$0x1DC00] =	vst v63  }
0x2e6: {  	_ =	swait.ge [sflag:s0], $0x4000  }
0x2e7: {  	[sflag:s0] =	ssyncset.done $0x0  }
0x2e8: {  	s17 =	simm.s32 $0x1680;
	[sflag:s0] =	ssyncadd.s32 $0xFFFFC000  }
0x2e9: {  	[spmem:s3] =	stream.indirect.scatter.add.f32 [tilespmem:s26], [sflag:$0x4], $0x80, s17, s25, $0xb8;
	[tilespmem:$0x1DC00] =	vst v63  }
0x2ea: {  	_ =	swait.ge [sflag:s23], $0x4000  }
0x2eb: {  	[sflag:s23] =	ssyncset.done $0x0  }
0x2ec: {  	s18 =	simm.s32 $0x780;
	[sflag:s23] =	ssyncadd.s32 $0xFFFFC000  }
0x2ed: {  	[tilespmem:s26], [sflag:$0x2] =	stream.indirect.gather [hbm4b:s1+s25], $0x80, s18, s25, $0xb8;
	[tilespmem:$0x1DC00] =	vst v63  }
0x2ee: {  	_ =	swait.ge [sflag:s30], $0x4000  }
0x2ef: {  	[sflag:s30] =	ssyncset.done $0x0  }
0x2f0: {  	[sflag:s30] =	ssyncadd.s32 $0xFFFFC000  }
0x2f1: {  	[spmem:s3] =	stream.indirect.scatter.add.f32 [tilespmem:s22], [sflag:$0x4], $0x80, s6, s25, $0xb8;
	[tilespmem:$0x1DC00] =	vst v63  }
0x2f2: {  	_ =	swait.ge [sflag:s23], $0x4000  }
0x2f3: {  	[sflag:s23] =	ssyncset.done $0x0  }
0x2f4: {  	[sflag:s23] =	ssyncadd.s32 $0xFFFFC000  }
0x2f5: {  	_ =	swait.ge [sflag:s0], $0x4000  }
0x2f6: {  	[sflag:s0] =	ssyncset.done $0x0  }
0x2f7: {  	s29 =	simm.s32 $0x1780;
	[sflag:s0] =	ssyncadd.s32 $0xFFFFC000  }
0x2f8: {  	[spmem:s3] =	stream.indirect.scatter.add.f32 [tilespmem:s26], [sflag:$0x4], $0x80, s29, s25, $0xb8;
	[tilespmem:$0x1DC00] =	vst v63  }
0x2f9: {  	_ =	swait.ge [sflag:s23], $0x4000  }
0x2fa: {  	[sflag:s23] =	ssyncset.done $0x0  }
0x2fb: {  	[sflag:s23] =	ssyncadd.s32 $0xFFFFC000  }
0x2fc: {  	s19 =	stileid.u32;
	[bflag:$0x0] =	sbarrier.arrive $0xFFFF  }
0x2fd: {  	s17 =	sshll.u32 s19, $0x6;
	s29 =	rddreg [dreg:$0x16]  }
0x2fe: {  	s17 =	sor.u32 $0x1C04, s17;
	s6 =	rddreg [dreg:$0xa];
	s5 =	sshrl.u32 s29, $0x3  }
0x2ff: {  	[hbm:s6], [sflag:s17] =	dma.local [spmem:s5], $0x2780  }
0x300: {  	_ =	swait.ge [sflag:s23], $0x2780  }
0x301: {  	s16 =	sadd.s32 $0x1, s16;
	s29 =	rddreg [dreg:$0xb]  }
0x302: {  	p0 =	sne.s32 s16, s29  }
.Ltmp1:
0x303: {  	_ = 	snop;
	(pc) =	sbr.rel @p0 .LBB2_1-.Ltmp1, $3  }
0x304: {  	_ =	sdelay $0x1  }
0x305: {  	[sflag:s23] =	ssyncset.done $0x0  }
0x306: {  	[sflag:s23] =	ssyncadd.s32 $0xFFFFD880  }
0x307: {  	_ =	sfence.sel $0x180000  }
0x308: {  	[bflag:$0x0] =	sbarrier.arrive $0xFFFF  }
0x309: {  	_ =	strace $0x90000047  }
0x30a: {  	s0 =	stileid.u32;
	[bflag:$0x2] =	sbarrier.arrive $0xFFFF  }
0x30b: {  	p0 =	sne.s32 s0, $0x0;
	s0 =	rddreg [dreg:$0x5]  }
0x30c: {  	s0 =	sadd.s32 @!p0 $0x100000, s0  }
0x30d: {  	[sflag:s0] =	ssyncadd.tile.s32 @!p0 $0x1;
	_ =	shalt  }
.Lfunc_end2:
_tile_overlayer_lowered:
.L_overlay_start_2:
0x30e: {  	(tag) =	ssettag $0x2  }
0x30f: {  	s0 =	rddreg [dreg:$0x0];
	s2 =	stileid.u32  }
0x310: {  	s1 =	rddreg [dreg:$0x1];
	p0 =	sne.s32 s2, $0x0  }
0x311: {  	s3 =	rddreg [dreg:$0x2];
	[bflag:$0x3] =	sbarrier.arrive $0xFFFF;
	s2 =	simm.s32 @!p0 $0x1C04  }
0x312: {  	[timem:s3], [sflag:s2] =	dma.local @!p0 [hbm:s0], s1  }
0x313: {  	s0 =	simm.s32 @!p0 $0x4  }
0x314: {  	_ =	swait.ge @!p0 [sflag:s0], s1  }
0x315: {  	s1 =	ssub.s32 @!p0 $0x0, s1;
	[sflag:s0] =	ssyncset.done @!p0 $0x0  }
0x316: {  	[sflag:s0] =	ssyncadd.s32 @!p0 s1  }
0x317: {  	[bflag:$0x3] =	sbarrier.arrive $0xFFFF  }
0x318: {  	_ =	shalt  }

</sc_bundles>
